<compile_context>
chip_gen: v7x
topology: tpu7x:2x2x1
jax: 0.10.2.dev20260603
libtpu: 0.0.44.dev20260713+nightly
codegen_flags: <defaults>
</compile_context>

<pallas_src>
import functools

import jax
import jax.numpy as jnp
from jax import lax
from jax.experimental import pallas as pl
from jax.experimental.pallas import tpu as pltpu
from jax.experimental.pallas import tpu_sc as plsc

_N = 10000
_E = 160000
_D = 256
_H = _D // 2
_NC = 2
_NS = 16
_ROWS_CH = 1000
_N_CH = _N // _ROWS_CH
_EPT_MSG = _E // _NS
_CH_MSG = 80
_NCHUNK = _EPT_MSG // _CH_MSG
_EPT_DEG = _E // (_NC * _NS)
_NRED = 5
_N_PAD = 10240
_BN = 1000


@functools.cache
def _sc_kernels():
    mesh = plsc.VectorSubcoreMesh(
        core_axis_name="c", subcore_axis_name="s",
        num_cores=_NC, num_subcores=_NS)

    @functools.partial(
        pl.kernel,
        out_type=jax.ShapeDtypeStruct((_NC, _N_PAD), jnp.float32),
        mesh=mesh,
        compiler_params=pltpu.CompilerParams(needs_layout_passes=False),
        scratch_types=[
            pltpu.VMEM((_EPT_DEG + 16,), jnp.int32),
            pltpu.VMEM((_N_PAD,), jnp.float32),
            pltpu.VMEM((_NS, _N_PAD // _NRED), jnp.float32),
            pltpu.VMEM((_N_PAD // _NRED,), jnp.float32),
            pltpu.VMEM_SHARED((_NS, _N_PAD), jnp.float32),
        ],
    )
    def sc_degree(dst_hbm, out_hbm, didx_all, hist, rbuf, red, stage_sh):
        c = lax.axis_index("c")
        s = lax.axis_index("s")
        pltpu.sync_copy(dst_hbm.at[pl.ds((c * _NS + s) * _EPT_DEG, _EPT_DEG)],
                        didx_all.at[pl.ds(0, _EPT_DEG)])
        zeros16 = jnp.zeros((16,), jnp.float32)
        ones16 = jnp.ones((16,), jnp.float32)

        def zbody(i, carry):
            hist[pl.ds(16 * i, 16)] = zeros16
            return carry

        lax.fori_loop(0, _N_PAD // 16, zbody, 0)

        def sbody(k, carry):
            idx = didx_all[pl.ds(16 * k, 16)]
            plsc.addupdate_scatter(hist, [idx], ones16)
            return carry

        nfull = _EPT_DEG // 16
        lax.fori_loop(0, nfull, sbody, 0)
        rem = _EPT_DEG - nfull * 16
        if rem:
            idx = didx_all[pl.ds(16 * nfull, 16)]
            mask = lax.iota(jnp.int32, 16) < rem
            plsc.addupdate_scatter(hist, [jnp.where(mask, idx, 0)], ones16,
                                   mask=mask)
        pltpu.sync_copy(hist, stage_sh.at[s])
        plsc.subcore_barrier()

        @pl.when(s < _NRED)
        def _reduce():
            cols = _N_PAD // _NRED
            pltpu.sync_copy(stage_sh.at[:, pl.ds(s * cols, cols)], rbuf)

            def rbody(j, carry):
                acc = rbuf[0, pl.ds(16 * j, 16)]
                for r in range(1, _NS):
                    acc = acc + rbuf[r, pl.ds(16 * j, 16)]
                red[pl.ds(16 * j, 16)] = acc
                return carry

            lax.fori_loop(0, cols // 16, rbody, 0)
            pltpu.sync_copy(red, out_hbm.at[c, pl.ds(s * cols, cols)])

    @functools.partial(
        pl.kernel,
        out_type=jax.ShapeDtypeStruct((_NC, _N, _H), jnp.float32),
        mesh=mesh,
        scratch_types=[
            pltpu.VMEM((_EPT_MSG,), jnp.int32),
            pltpu.VMEM((_NCHUNK, _CH_MSG), jnp.int32),
            pltpu.VMEM((_CH_MSG, _H), jnp.float32),
            pltpu.VMEM((_CH_MSG, _H), jnp.float32),
            pltpu.VMEM_SHARED((_N, _H), jnp.float32),
            pltpu.SemaphoreType.DMA,
            pltpu.SemaphoreType.DMA,
            pltpu.SemaphoreType.DMA,
            pltpu.SemaphoreType.DMA,
        ],
    )
    def sc_msgpass(g_hbm, srcadj_hbm, dst3_hbm, zeros_hbm, out_hbm,
                   sidx_all, didx2d, rows0, rows1, acc_sh,
                   sem0, sem1, sem0b, sem1b):
        c = lax.axis_index("c")
        s = lax.axis_index("s")

        @pl.when(s < _N_CH)
        def _zero():
            pltpu.sync_copy(zeros_hbm, acc_sh.at[pl.ds(s * _ROWS_CH, _ROWS_CH)])

        pltpu.sync_copy(srcadj_hbm.at[pl.ds(c * _E + s * _EPT_MSG, _EPT_MSG)],
                        sidx_all)
        pltpu.sync_copy(dst3_hbm.at[s], didx2d)
        plsc.subcore_barrier()

        def start_gather(chunk, rows, sem, semb):
            base = chunk * _CH_MSG
            sla = sidx_all.at[pl.ds(base, 48)]
            slb = sidx_all.at[pl.ds(base + 48, 32)]
            pltpu.async_copy(g_hbm.at[sla], rows.at[pl.ds(0, 48)], sem)
            pltpu.async_copy(g_hbm.at[slb], rows.at[pl.ds(48, 32)], semb)

        def wait_gather(chunk, rows, sem, semb):
            base = chunk * _CH_MSG
            sla = sidx_all.at[pl.ds(base, 48)]
            slb = sidx_all.at[pl.ds(base + 48, 32)]
            pltpu.make_async_copy(g_hbm.at[sla], rows.at[pl.ds(0, 48)],
                                  sem).wait()
            pltpu.make_async_copy(g_hbm.at[slb], rows.at[pl.ds(48, 32)],
                                  semb).wait()

        start_gather(0, rows0, sem0, sem0b)

        def body(k2, carry):
            a = 2 * k2
            start_gather(a + 1, rows1, sem1, sem1b)
            wait_gather(a, rows0, sem0, sem0b)
            pltpu.sync_copy(rows0, acc_sh.at[didx2d.at[a]], add=True)
            start_gather(a + 2, rows0, sem0, sem0b)
            wait_gather(a + 1, rows1, sem1, sem1b)
            pltpu.sync_copy(rows1, acc_sh.at[didx2d.at[a + 1]], add=True)
            return carry

        lax.fori_loop(0, (_NCHUNK - 1) // 2, body, 0)
        wait_gather(_NCHUNK - 1, rows0, sem0, sem0b)
        pltpu.sync_copy(rows0, acc_sh.at[didx2d.at[_NCHUNK - 1]], add=True)
        plsc.subcore_barrier()

        @pl.when(s < _N_CH)
        def _writeback():
            pltpu.sync_copy(acc_sh.at[pl.ds(s * _ROWS_CH, _ROWS_CH)],
                            out_hbm.at[c, pl.ds(s * _ROWS_CH, _ROWS_CH)])

    return sc_degree, sc_msgpass



def _mm_body(x_ref, Wp_ref, bp_ref, h_ref):
    h = jnp.dot(x_ref[...], Wp_ref[...], preferred_element_type=jnp.float32)
    h_ref[...] = jnp.maximum(h + bp_ref[...], 0.0)


def _tc_premm(x, W_pre, b_pre):
    return pl.pallas_call(
        _mm_body,
        grid=(_N // _BN,),
        in_specs=[
            pl.BlockSpec((_BN, _D), lambda i: (i, 0)),
            pl.BlockSpec((_D, _D), lambda i: (0, 0)),
            pl.BlockSpec((1, _D), lambda i: (0, 0)),
        ],
        out_specs=pl.BlockSpec((_BN, _D), lambda i: (i, 0)),
        out_shape=jax.ShapeDtypeStruct((_N, _D), jnp.float32),
    )(x, W_pre, b_pre.reshape(1, _D))


def _g_body(deg_ref, h_ref, g_ref, dinv_ref):
    dd = deg_ref[...] + 1.0
    dv = lax.rsqrt(jnp.maximum(dd, 1.0))
    h = h_ref[...]
    g = h * dv
    g_ref[0, :, :] = g[:, :_H]
    g_ref[1, :, :] = g[:, _H:]
    dinv_ref[...] = dv


def _tc_g(deg_col, h):
    return pl.pallas_call(
        _g_body,
        grid=(_N // _BN,),
        in_specs=[
            pl.BlockSpec((_BN, 1), lambda i: (i, 0)),
            pl.BlockSpec((_BN, _D), lambda i: (i, 0)),
        ],
        out_specs=[
            pl.BlockSpec((_NC, _BN, _H), lambda i: (0, i, 0)),
            pl.BlockSpec((_BN, 1), lambda i: (i, 0)),
        ],
        out_shape=[
            jax.ShapeDtypeStruct((_NC, _N, _H), jnp.float32),
            jax.ShapeDtypeStruct((_N, 1), jnp.float32),
        ],
    )(deg_col, h)


def _layer_body(S_ref, h_ref, dinv_ref, W_ref, b_ref, h2_ref, g_ref):
    dv = dinv_ref[...]
    h = h_ref[...]
    dv2 = dv * dv
    z0 = S_ref[0] * dv + h[:, :_H] * dv2
    z1 = S_ref[1] * dv + h[:, _H:] * dv2
    acc = (jnp.dot(z0, W_ref[:_H, :], preferred_element_type=jnp.float32)
           + jnp.dot(z1, W_ref[_H:, :], preferred_element_type=jnp.float32))
    h2 = jnp.maximum(acc + b_ref[...], 0.0) + h
    h2_ref[...] = h2
    g = h2 * dv
    g_ref[0, :, :] = g[:, :_H]
    g_ref[1, :, :] = g[:, _H:]


def _tc_layer(S, h, dinv, W, b):
    return pl.pallas_call(
        _layer_body,
        grid=(_N // _BN,),
        in_specs=[
            pl.BlockSpec((_NC, _BN, _H), lambda i: (0, i, 0)),
            pl.BlockSpec((_BN, _D), lambda i: (i, 0)),
            pl.BlockSpec((_BN, 1), lambda i: (i, 0)),
            pl.BlockSpec((_D, _D), lambda i: (0, 0)),
            pl.BlockSpec((1, _D), lambda i: (0, 0)),
        ],
        out_specs=[
            pl.BlockSpec((_BN, _D), lambda i: (i, 0)),
            pl.BlockSpec((_NC, _BN, _H), lambda i: (0, i, 0)),
        ],
        out_shape=[
            jax.ShapeDtypeStruct((_N, _D), jnp.float32),
            jax.ShapeDtypeStruct((_NC, _N, _H), jnp.float32),
        ],
    )(S, h, dinv, W, b.reshape(1, _D))


def _tail_body(S_ref, h_ref, dinv_ref, W3_ref, b3_ref, Wh_ref, bh_ref, out_ref):
    dv = dinv_ref[...]
    h = h_ref[...]
    dv2 = dv * dv
    z0 = S_ref[0] * dv + h[:, :_H] * dv2
    z1 = S_ref[1] * dv + h[:, _H:] * dv2
    acc = (jnp.dot(z0, W3_ref[:_H, :], preferred_element_type=jnp.float32)
           + jnp.dot(z1, W3_ref[_H:, :], preferred_element_type=jnp.float32))
    h3 = jnp.maximum(acc + b3_ref[...], 0.0) + h
    out = jnp.dot(h3, Wh_ref[...], preferred_element_type=jnp.float32)
    out_ref[...] = out + bh_ref[...]


def _tc_tail(S, h, dinv, W3, b3, W_head, b_head):
    return pl.pallas_call(
        _tail_body,
        grid=(_N // _BN,),
        in_specs=[
            pl.BlockSpec((_NC, _BN, _H), lambda i: (0, i, 0)),
            pl.BlockSpec((_BN, _D), lambda i: (i, 0)),
            pl.BlockSpec((_BN, 1), lambda i: (i, 0)),
            pl.BlockSpec((_D, _D), lambda i: (0, 0)),
            pl.BlockSpec((1, _D), lambda i: (0, 0)),
            pl.BlockSpec((_D, _D), lambda i: (0, 0)),
            pl.BlockSpec((1, _D), lambda i: (0, 0)),
        ],
        out_specs=pl.BlockSpec((_BN, _D), lambda i: (i, 0)),
        out_shape=jax.ShapeDtypeStruct((_N, _D), jnp.float32),
    )(S, h, dinv, W3, b3.reshape(1, _D), W_head, b_head.reshape(1, _D))



def kernel(x, edge_index, W_pre, b_pre, W1, b1, W2, b2, W3, b3, W_head, b_head):
    src = edge_index[0]
    dst = edge_index[1]
    srcadj = jnp.concatenate([src, src + _N])
    dst3 = dst.reshape(_NS, _NCHUNK, _CH_MSG)
    zerosH = jnp.zeros((_ROWS_CH, _H), jnp.float32)

    sc_degree, sc_msgpass = _sc_kernels()
    deg_parts = sc_degree(dst)
    h = _tc_premm(x, W_pre, b_pre)
    deg_col = (deg_parts[0, :_N] + deg_parts[1, :_N]).reshape(_N, 1)
    g, dinv = _tc_g(deg_col, h)
    for W, b in ((W1, b1), (W2, b2)):
        S = sc_msgpass(g.reshape(_NC * _N, _H), srcadj, dst3, zerosH)
        h, g = _tc_layer(S, h, dinv, W, b)
    S = sc_msgpass(g.reshape(_NC * _N, _H), srcadj, dst3, zerosH)
    return _tc_tail(S, h, dinv, W3, b3, W_head, b_head)

# --- scband reference (transcript-rebuilt; emitter-appended) ---
"""Pipeline reference for scband-custom-gnn-42245298323966 (READ-ONLY COPY).

The authoritative reference and input builder live on the scoring server;
editing this copy changes nothing except your own understanding.
"""

import jax, jax.numpy as jnp
import numpy as np

N = 10000
E = 160000
D = 256  # dim_in == cfg.gnn.dim_inner == dim_out


def setup_inputs(seed: int = 0) -> dict:
    key = jax.random.key(seed)
    ks = jax.random.split(key, 12)
    s = 1.0 / np.sqrt(D)
    x = jax.random.normal(ks[0], (N, D), dtype=jnp.float32)
    edge_index = jax.random.randint(ks[1], (2, E), 0, N, dtype=jnp.int32)
    W_pre = jax.random.normal(ks[2], (D, D), dtype=jnp.float32) * s
    b_pre = jnp.zeros((D,), dtype=jnp.float32)
    W1 = jax.random.normal(ks[3], (D, D), dtype=jnp.float32) * s
    b1 = jnp.zeros((D,), dtype=jnp.float32)
    W2 = jax.random.normal(ks[4], (D, D), dtype=jnp.float32) * s
    b2 = jnp.zeros((D,), dtype=jnp.float32)
    W3 = jax.random.normal(ks[5], (D, D), dtype=jnp.float32) * s
    b3 = jnp.zeros((D,), dtype=jnp.float32)
    W_head = jax.random.normal(ks[6], (D, D), dtype=jnp.float32) * s
    b_head = jnp.zeros((D,), dtype=jnp.float32)
    return {"x": x, "edge_index": edge_index, "W_pre": W_pre, "b_pre": b_pre,
            "W1": W1, "b1": b1, "W2": W2, "b2": b2, "W3": W3, "b3": b3,
            "W_head": W_head, "b_head": b_head}


def reference(x, edge_index, W_pre, b_pre, W1, b1, W2, b2, W3, b3, W_head, b_head):
    # CustomGNN forward (inference, real-valued features so ComplexToReal is identity):
    # encoder (identity feature encoder) -> pre_mp linear+relu -> 3x GCNConvLayer
    # (symmetric-normalized GCN conv with self-loops, relu, residual) -> node head linear.
    n = x.shape[0]
    h = jnp.maximum(x @ W_pre + b_pre, 0.0)  # GNNPreMP (layers_pre_mp=1)
    loop = jnp.arange(n, dtype=edge_index.dtype)
    src = jnp.concatenate([edge_index[0], loop])
    dst = jnp.concatenate([edge_index[1], loop])
    deg = jax.ops.segment_sum(jnp.ones_like(src, dtype=h.dtype), dst, num_segments=n)
    dinv = jax.lax.rsqrt(jnp.maximum(deg, 1.0))
    norm = dinv[src] * dinv[dst]
    for W, b in ((W1, b1), (W2, b2), (W3, b3)):  # cfg.gnn.layers_mp = 3
        msg = h[src] * norm[:, None]              # gather + edge scaling
        agg = jax.ops.segment_sum(msg, dst, num_segments=n)  # scatter-add
        h = jnp.maximum(agg @ W + b, 0.0) + h     # conv + relu + residual
    # ComplexToReal: identity for real tensors
    out = h @ W_head + b_head                     # GNNHead (node head)
    return out

if __name__ == "__main__":
    import jax
    _d = setup_inputs()
    print(jax.jit(kernel)(*tuple(_d.values())))

</pallas_src>

<mosaic_0001>
#map = affine_map<(d0, d1) -> (0)>
#map1 = affine_map<(d0, d1) -> (0, 0)>
module attributes {stable_mosaic.version = 14 : i64} {
  func.func @sc_degree(%arg0: i32, %arg1: i32, %arg2: memref<160000xi32, #tpu.memory_space<hbm>>, %arg3: memref<2x10240xf32, #tpu.memory_space<hbm>>, %arg4: memref<5016xi32, #tpu.memory_space<vmem>>, %arg5: memref<10240xf32, #tpu.memory_space<vmem>>, %arg6: memref<16x2048xf32, #tpu.memory_space<vmem>>, %arg7: memref<2048xf32, #tpu.memory_space<vmem>>, %arg8: memref<16x10240xf32, #tpu.memory_space<vmem_shared>>) attributes {dimension_semantics = [#tpu.dimension_semantics<core_parallel>, #tpu.dimension_semantics<subcore_parallel>], iteration_bounds = array<i64: 2, 16>, scalar_prefetch = 0 : i64, scratch_operands = 5 : i64, tpu.core_type = #tpu.core_type<sc_vector_subcore>, window_params = [{transform_indices = #map}, {transform_indices = #map1}]} {
    %mul3A = arith.constant 16 : i32
    %mul3A_0 = arith.muli %arg0, %mul3A : i32
    %add3A = arith.addi %mul3A_0, %arg1 : i32
    %mul3A_1 = arith.constant 5000 : i32
    %mul3A_2 = arith.muli %add3A, %mul3A_1 : i32
    "tpu.region"() ({
      %run_scoped3A = tpu.sem_alloc : memref<!tpu.dma_semaphore, #tpu.memory_space<semaphore_mem>>
      %dma_start3A = arith.constant 0 : i32
      %dma_start3A_24 = tpu.memref_slice %arg4[%dma_start3A] : memref<5016xi32, #tpu.memory_space<vmem>> -> memref<5000xi32, #tpu.memory_space<vmem>>
      %dma_start3A_25 = tpu.memref_slice %arg2[%mul3A_2] : memref<160000xi32, #tpu.memory_space<hbm>> -> memref<5000xi32, #tpu.memory_space<hbm>>
      %dma_start3A_26 = arith.constant 0 : i32
      %dma_start3A_27 = tpu.memref_slice %arg4[%dma_start3A_26] : memref<5016xi32, #tpu.memory_space<vmem>> -> memref<5000xi32, #tpu.memory_space<vmem>>
      %dma_start3A_28 = tpu.memref_slice %arg2[%mul3A_2] : memref<160000xi32, #tpu.memory_space<hbm>> -> memref<5000xi32, #tpu.memory_space<hbm>>
      tpu.enqueue_dma source(%dma_start3A_28 : memref<5000xi32, #tpu.memory_space<hbm>>) target(%dma_start3A_27 : memref<5000xi32, #tpu.memory_space<vmem>>) target_semaphore(%run_scoped3A : memref<!tpu.dma_semaphore, #tpu.memory_space<semaphore_mem>>)
      %dma_wait3A = arith.constant 0 : i32
      %dma_wait3A_29 = tpu.memref_slice %arg4[%dma_wait3A] : memref<5016xi32, #tpu.memory_space<vmem>> -> memref<5000xi32, #tpu.memory_space<vmem>>
      %dma_wait3A_30 = tpu.memref_slice %arg2[%mul3A_2] : memref<160000xi32, #tpu.memory_space<hbm>> -> memref<5000xi32, #tpu.memory_space<hbm>>
      %dma_wait3A_31 = arith.constant 0 : i32
      %dma_wait3A_32 = tpu.memref_slice %arg4[%dma_wait3A_31] : memref<5016xi32, #tpu.memory_space<vmem>> -> memref<5000xi32, #tpu.memory_space<vmem>>
      %dma_wait3A_33 = tpu.memref_slice %arg2[%mul3A_2] : memref<160000xi32, #tpu.memory_space<hbm>> -> memref<5000xi32, #tpu.memory_space<hbm>>
      tpu.wait_dma2 semaphore(%run_scoped3A : memref<!tpu.dma_semaphore, #tpu.memory_space<semaphore_mem>>) src(%dma_wait3A_33 : memref<5000xi32, #tpu.memory_space<hbm>>) dst(%dma_wait3A_32 : memref<5000xi32, #tpu.memory_space<vmem>>)
      tpu.yield
    }) : () -> ()
    %broadcast_in_dim3A = arith.constant 0.000000e+00 : f32
    %broadcast_in_dim3A_3 = vector.broadcast %broadcast_in_dim3A : f32 to vector<16xf32>
    %broadcast_in_dim3A_4 = arith.constant 1.000000e+00 : f32
    %broadcast_in_dim3A_5 = vector.broadcast %broadcast_in_dim3A_4 : f32 to vector<16xf32>
    %scan3A = arith.constant 0 : i32
    %scan3A_6 = arith.constant 0 : i32
    %scan3A_7 = arith.constant 640 : i32
    %scan3A_8 = arith.addi %scan3A_6, %scan3A_7 : i32
    %scan3A_9 = arith.constant 1 : i32
    scf.for %scan3A_24 = %scan3A_6 to %scan3A_8 step %scan3A_9  : i32 {
      %mul3A_25 = arith.constant 16 : i32
      %mul3A_26 = arith.muli %mul3A_25, %scan3A_24 : i32
      %swap3A = arith.index_cast %mul3A_26 : i32 to index
      %swap3A_27 = tpu.vector_load %arg5[%swap3A] {strides = array<i32>} : memref<10240xf32, #tpu.memory_space<vmem>>, vector<16xf32>,
      tpu.vector_store %arg5[%swap3A], %broadcast_in_dim3A_3 {strides = array<i32>} : memref<10240xf32, #tpu.memory_space<vmem>>, vector<16xf32>,
    }
    %scan3A_10 = arith.constant 640 : i32
    %scan3A_11 = arith.constant 0 : i32
    %scan3A_12 = arith.constant 0 : i32
    %scan3A_13 = arith.constant 312 : i32
    %scan3A_14 = arith.addi %scan3A_12, %scan3A_13 : i32
    %scan3A_15 = arith.constant 1 : i32
    scf.for %scan3A_24 = %scan3A_12 to %scan3A_14 step %scan3A_15  : i32 {
      %mul3A_25 = arith.constant 16 : i32
      %mul3A_26 = arith.muli %mul3A_25, %scan3A_24 : i32
      %get3A_27 = arith.index_cast %mul3A_26 : i32 to index
      %get3A_28 = tpu.vector_load %arg4[%get3A_27] {strides = array<i32>} : memref<5016xi32, #tpu.memory_space<vmem>>, vector<16xi32>,
      tpu.vector_store_idx %arg5[%get3A_28], %broadcast_in_dim3A_5 {add = true} : memref<10240xf32, #tpu.memory_space<vmem>>[vector<16xi32>], vector<16xf32>,
    }
    %scan3A_16 = arith.constant 312 : i32
    %get3A = arith.constant 4992 : index
    %get3A_17 = tpu.vector_load %arg4[%get3A] {strides = array<i32>} : memref<5016xi32, #tpu.memory_space<vmem>>, vector<16xi32>,
    %iota3A = tpu.iota {dimensions = array<i32: 0>} : vector<16xi32>
    %lt3A = arith.constant 8 : i32
    %lt3A_18 = vector.broadcast %lt3A : i32 to vector<16xi32>
    %lt3A_19 = arith.cmpi slt, %iota3A, %lt3A_18 : vector<16xi32>
    %jit3A = arith.constant 0 : i32
    %broadcast_in_dim3A_20 = vector.broadcast %jit3A : i32 to vector<16xi32>
    %select_n3A = arith.select %lt3A_19, %get3A_17, %broadcast_in_dim3A_20 : vector<16xi1>, vector<16xi32>
    tpu.vector_store_idx %arg5[%select_n3A], %broadcast_in_dim3A_5 masked %lt3A_19 {add = true} : memref<10240xf32, #tpu.memory_space<vmem>>[vector<16xi32>], vector<16xf32>, vector<16xi1>
    "tpu.region"() ({
      %run_scoped3A = tpu.sem_alloc : memref<!tpu.dma_semaphore, #tpu.memory_space<semaphore_mem>>
      %dma_start3A = arith.constant 0 : i32
      %dma_start3A_24 = tpu.memref_slice %arg8[%arg1, %dma_start3A] : memref<16x10240xf32, #tpu.memory_space<vmem_shared>> -> memref<1x10240xf32, #tpu.memory_space<vmem_shared>>
      %dma_start3A_25 = tpu.memref_squeeze %dma_start3A_24 : memref<1x10240xf32, #tpu.memory_space<vmem_shared>> -> memref<10240xf32, #tpu.memory_space<vmem_shared>>
      %dma_start3A_26 = arith.constant 0 : i32
      %dma_start3A_27 = tpu.memref_slice %arg8[%arg1, %dma_start3A_26] : memref<16x10240xf32, #tpu.memory_space<vmem_shared>> -> memref<1x10240xf32, #tpu.memory_space<vmem_shared>>
      %dma_start3A_28 = tpu.memref_squeeze %dma_start3A_27 : memref<1x10240xf32, #tpu.memory_space<vmem_shared>> -> memref<10240xf32, #tpu.memory_space<vmem_shared>>
      tpu.enqueue_dma source(%arg5 : memref<10240xf32, #tpu.memory_space<vmem>>) target(%dma_start3A_28 : memref<10240xf32, #tpu.memory_space<vmem_shared>>) target_semaphore(%run_scoped3A : memref<!tpu.dma_semaphore, #tpu.memory_space<semaphore_mem>>)
      %dma_wait3A = arith.constant 0 : i32
      %dma_wait3A_29 = tpu.memref_slice %arg8[%arg1, %dma_wait3A] : memref<16x10240xf32, #tpu.memory_space<vmem_shared>> -> memref<1x10240xf32, #tpu.memory_space<vmem_shared>>
      %dma_wait3A_30 = tpu.memref_squeeze %dma_wait3A_29 : memref<1x10240xf32, #tpu.memory_space<vmem_shared>> -> memref<10240xf32, #tpu.memory_space<vmem_shared>>
      %dma_wait3A_31 = arith.constant 0 : i32
      %dma_wait3A_32 = tpu.memref_slice %arg8[%arg1, %dma_wait3A_31] : memref<16x10240xf32, #tpu.memory_space<vmem_shared>> -> memref<1x10240xf32, #tpu.memory_space<vmem_shared>>
      %dma_wait3A_33 = tpu.memref_squeeze %dma_wait3A_32 : memref<1x10240xf32, #tpu.memory_space<vmem_shared>> -> memref<10240xf32, #tpu.memory_space<vmem_shared>>
      tpu.wait_dma2 semaphore(%run_scoped3A : memref<!tpu.dma_semaphore, #tpu.memory_space<semaphore_mem>>) src(%arg5 : memref<10240xf32, #tpu.memory_space<vmem>>) dst(%dma_wait3A_33 : memref<10240xf32, #tpu.memory_space<vmem_shared>>)
      tpu.yield
    }) : () -> ()
    %barrier3A = arith.constant 0 : index
    tpu.barrier barrier_id(%barrier3A)
    %lt3A_21 = arith.constant 5 : i32
    %lt3A_22 = arith.cmpi slt, %arg1, %lt3A_21 : i32
    %convert_element_type3A = arith.extui %lt3A_22 : i1 to i32
    %cond3A = arith.constant 0 : i32
    %cond3A_23 = arith.cmpi ne, %convert_element_type3A, %cond3A : i32
    scf.if %cond3A_23 {
      %mul3A_24 = arith.constant 2048 : i32
      %mul3A_25 = arith.muli %arg1, %mul3A_24 : i32
      "tpu.region"() ({
        %run_scoped3A = tpu.sem_alloc : memref<!tpu.dma_semaphore, #tpu.memory_space<semaphore_mem>>
        %dma_start3A = arith.constant 0 : i32
        %dma_start3A_34 = tpu.memref_slice %arg8[%dma_start3A, %mul3A_25] : memref<16x10240xf32, #tpu.memory_space<vmem_shared>> -> memref<16x2048xf32, #tpu.memory_space<vmem_shared>>
        %dma_start3A_35 = arith.constant 0 : i32
        %dma_start3A_36 = tpu.memref_slice %arg8[%dma_start3A_35, %mul3A_25] : memref<16x10240xf32, #tpu.memory_space<vmem_shared>> -> memref<16x2048xf32, #tpu.memory_space<vmem_shared>>
        tpu.enqueue_dma source(%dma_start3A_36 : memref<16x2048xf32, #tpu.memory_space<vmem_shared>>) target(%arg6 : memref<16x2048xf32, #tpu.memory_space<vmem>>) target_semaphore(%run_scoped3A : memref<!tpu.dma_semaphore, #tpu.memory_space<semaphore_mem>>)
        %dma_wait3A = arith.constant 0 : i32
        %dma_wait3A_37 = tpu.memref_slice %arg8[%dma_wait3A, %mul3A_25] : memref<16x10240xf32, #tpu.memory_space<vmem_shared>> -> memref<16x2048xf32, #tpu.memory_space<vmem_shared>>
        %dma_wait3A_38 = arith.constant 0 : i32
        %dma_wait3A_39 = tpu.memref_slice %arg8[%dma_wait3A_38, %mul3A_25] : memref<16x10240xf32, #tpu.memory_space<vmem_shared>> -> memref<16x2048xf32, #tpu.memory_space<vmem_shared>>
        tpu.wait_dma2 semaphore(%run_scoped3A : memref<!tpu.dma_semaphore, #tpu.memory_space<semaphore_mem>>) src(%dma_wait3A_39 : memref<16x2048xf32, #tpu.memory_space<vmem_shared>>) dst(%arg6 : memref<16x2048xf32, #tpu.memory_space<vmem>>)
        tpu.yield
      }) : () -> ()
      %scan3A_26 = arith.constant 0 : i32
      %scan3A_27 = arith.constant 0 : i32
      %scan3A_28 = arith.constant 128 : i32
      %scan3A_29 = arith.addi %scan3A_27, %scan3A_28 : i32
      %scan3A_30 = arith.constant 1 : i32
      scf.for %scan3A_34 = %scan3A_27 to %scan3A_29 step %scan3A_30  : i32 {
        %mul3A_35 = arith.constant 16 : i32
        %mul3A_36 = arith.muli %mul3A_35, %scan3A_34 : i32
        %get3A_37 = arith.constant 0 : i32
        %get3A_38 = arith.index_cast %get3A_37 : i32 to index
        %get3A_39 = arith.index_cast %mul3A_36 : i32 to index
        %get3A_40 = tpu.vector_load %arg6[%get3A_38, %get3A_39] {strides = array<i32>} : memref<16x2048xf32, #tpu.memory_space<vmem>>, vector<16xf32>,
        %mul3A_41 = arith.constant 16 : i32
        %mul3A_42 = arith.muli %mul3A_41, %scan3A_34 : i32
        %get3A_43 = arith.constant 1 : i32
        %get3A_44 = arith.index_cast %get3A_43 : i32 to index
        %get3A_45 = arith.index_cast %mul3A_42 : i32 to index
        %get3A_46 = tpu.vector_load %arg6[%get3A_44, %get3A_45] {strides = array<i32>} : memref<16x2048xf32, #tpu.memory_space<vmem>>, vector<16xf32>,
        %add3A_47 = arith.addf %get3A_40, %get3A_46 : vector<16xf32>
        %mul3A_48 = arith.constant 16 : i32
        %mul3A_49 = arith.muli %mul3A_48, %scan3A_34 : i32
        %get3A_50 = arith.constant 2 : i32
        %get3A_51 = arith.index_cast %get3A_50 : i32 to index
        %get3A_52 = arith.index_cast %mul3A_49 : i32 to index
        %get3A_53 = tpu.vector_load %arg6[%get3A_51, %get3A_52] {strides = array<i32>} : memref<16x2048xf32, #tpu.memory_space<vmem>>, vector<16xf32>,
        %add3A_54 = arith.addf %add3A_47, %get3A_53 : vector<16xf32>
        %mul3A_55 = arith.constant 16 : i32
        %mul3A_56 = arith.muli %mul3A_55, %scan3A_34 : i32
        %get3A_57 = arith.constant 3 : i32
        %get3A_58 = arith.index_cast %get3A_57 : i32 to index
        %get3A_59 = arith.index_cast %mul3A_56 : i32 to index
        %get3A_60 = tpu.vector_load %arg6[%get3A_58, %get3A_59] {strides = array<i32>} : memref<16x2048xf32, #tpu.memory_space<vmem>>, vector<16xf32>,
        %add3A_61 = arith.addf %add3A_54, %get3A_60 : vector<16xf32>
        %mul3A_62 = arith.constant 16 : i32
        %mul3A_63 = arith.muli %mul3A_62, %scan3A_34 : i32
        %get3A_64 = arith.constant 4 : i32
        %get3A_65 = arith.index_cast %get3A_64 : i32 to index
        %get3A_66 = arith.index_cast %mul3A_63 : i32 to index
        %get3A_67 = tpu.vector_load %arg6[%get3A_65, %get3A_66] {strides = array<i32>} : memref<16x2048xf32, #tpu.memory_space<vmem>>, vector<16xf32>,
        %add3A_68 = arith.addf %add3A_61, %get3A_67 : vector<16xf32>
        %mul3A_69 = arith.constant 16 : i32
        %mul3A_70 = arith.muli %mul3A_69, %scan3A_34 : i32
        %get3A_71 = arith.constant 5 : i32
        %get3A_72 = arith.index_cast %get3A_71 : i32 to index
        %get3A_73 = arith.index_cast %mul3A_70 : i32 to index
        %get3A_74 = tpu.vector_load %arg6[%get3A_72, %get3A_73] {strides = array<i32>} : memref<16x2048xf32, #tpu.memory_space<vmem>>, vector<16xf32>,
        %add3A_75 = arith.addf %add3A_68, %get3A_74 : vector<16xf32>
        %mul3A_76 = arith.constant 16 : i32
        %mul3A_77 = arith.muli %mul3A_76, %scan3A_34 : i32
        %get3A_78 = arith.constant 6 : i32
        %get3A_79 = arith.index_cast %get3A_78 : i32 to index
        %get3A_80 = arith.index_cast %mul3A_77 : i32 to index
        %get3A_81 = tpu.vector_load %arg6[%get3A_79, %get3A_80] {strides = array<i32>} : memref<16x2048xf32, #tpu.memory_space<vmem>>, vector<16xf32>,
        %add3A_82 = arith.addf %add3A_75, %get3A_81 : vector<16xf32>
        %mul3A_83 = arith.constant 16 : i32
        %mul3A_84 = arith.muli %mul3A_83, %scan3A_34 : i32
        %get3A_85 = arith.constant 7 : i32
        %get3A_86 = arith.index_cast %get3A_85 : i32 to index
        %get3A_87 = arith.index_cast %mul3A_84 : i32 to index
        %get3A_88 = tpu.vector_load %arg6[%get3A_86, %get3A_87] {strides = array<i32>} : memref<16x2048xf32, #tpu.memory_space<vmem>>, vector<16xf32>,
        %add3A_89 = arith.addf %add3A_82, %get3A_88 : vector<16xf32>
        %mul3A_90 = arith.constant 16 : i32
        %mul3A_91 = arith.muli %mul3A_90, %scan3A_34 : i32
        %get3A_92 = arith.constant 8 : i32
        %get3A_93 = arith.index_cast %get3A_92 : i32 to index
        %get3A_94 = arith.index_cast %mul3A_91 : i32 to index
        %get3A_95 = tpu.vector_load %arg6[%get3A_93, %get3A_94] {strides = array<i32>} : memref<16x2048xf32, #tpu.memory_space<vmem>>, vector<16xf32>,
        %add3A_96 = arith.addf %add3A_89, %get3A_95 : vector<16xf32>
        %mul3A_97 = arith.constant 16 : i32
        %mul3A_98 = arith.muli %mul3A_97, %scan3A_34 : i32
        %get3A_99 = arith.constant 9 : i32
        %get3A_100 = arith.index_cast %get3A_99 : i32 to index
        %get3A_101 = arith.index_cast %mul3A_98 : i32 to index
        %get3A_102 = tpu.vector_load %arg6[%get3A_100, %get3A_101] {strides = array<i32>} : memref<16x2048xf32, #tpu.memory_space<vmem>>, vector<16xf32>,
        %add3A_103 = arith.addf %add3A_96, %get3A_102 : vector<16xf32>
        %mul3A_104 = arith.constant 16 : i32
        %mul3A_105 = arith.muli %mul3A_104, %scan3A_34 : i32
        %get3A_106 = arith.constant 10 : i32
        %get3A_107 = arith.index_cast %get3A_106 : i32 to index
        %get3A_108 = arith.index_cast %mul3A_105 : i32 to index
        %get3A_109 = tpu.vector_load %arg6[%get3A_107, %get3A_108] {strides = array<i32>} : memref<16x2048xf32, #tpu.memory_space<vmem>>, vector<16xf32>,
        %add3A_110 = arith.addf %add3A_103, %get3A_109 : vector<16xf32>
        %mul3A_111 = arith.constant 16 : i32
        %mul3A_112 = arith.muli %mul3A_111, %scan3A_34 : i32
        %get3A_113 = arith.constant 11 : i32
        %get3A_114 = arith.index_cast %get3A_113 : i32 to index
        %get3A_115 = arith.index_cast %mul3A_112 : i32 to index
        %get3A_116 = tpu.vector_load %arg6[%get3A_114, %get3A_115] {strides = array<i32>} : memref<16x2048xf32, #tpu.memory_space<vmem>>, vector<16xf32>,
        %add3A_117 = arith.addf %add3A_110, %get3A_116 : vector<16xf32>
        %mul3A_118 = arith.constant 16 : i32
        %mul3A_119 = arith.muli %mul3A_118, %scan3A_34 : i32
        %get3A_120 = arith.constant 12 : i32
        %get3A_121 = arith.index_cast %get3A_120 : i32 to index
        %get3A_122 = arith.index_cast %mul3A_119 : i32 to index
        %get3A_123 = tpu.vector_load %arg6[%get3A_121, %get3A_122] {strides = array<i32>} : memref<16x2048xf32, #tpu.memory_space<vmem>>, vector<16xf32>,
        %add3A_124 = arith.addf %add3A_117, %get3A_123 : vector<16xf32>
        %mul3A_125 = arith.constant 16 : i32
        %mul3A_126 = arith.muli %mul3A_125, %scan3A_34 : i32
        %get3A_127 = arith.constant 13 : i32
        %get3A_128 = arith.index_cast %get3A_127 : i32 to index
        %get3A_129 = arith.index_cast %mul3A_126 : i32 to index
        %get3A_130 = tpu.vector_load %arg6[%get3A_128, %get3A_129] {strides = array<i32>} : memref<16x2048xf32, #tpu.memory_space<vmem>>, vector<16xf32>,
        %add3A_131 = arith.addf %add3A_124, %get3A_130 : vector<16xf32>
        %mul3A_132 = arith.constant 16 : i32
        %mul3A_133 = arith.muli %mul3A_132, %scan3A_34 : i32
        %get3A_134 = arith.constant 14 : i32
        %get3A_135 = arith.index_cast %get3A_134 : i32 to index
        %get3A_136 = arith.index_cast %mul3A_133 : i32 to index
        %get3A_137 = tpu.vector_load %arg6[%get3A_135, %get3A_136] {strides = array<i32>} : memref<16x2048xf32, #tpu.memory_space<vmem>>, vector<16xf32>,
        %add3A_138 = arith.addf %add3A_131, %get3A_137 : vector<16xf32>
        %mul3A_139 = arith.constant 16 : i32
        %mul3A_140 = arith.muli %mul3A_139, %scan3A_34 : i32
        %get3A_141 = arith.constant 15 : i32
        %get3A_142 = arith.index_cast %get3A_141 : i32 to index
        %get3A_143 = arith.index_cast %mul3A_140 : i32 to index
        %get3A_144 = tpu.vector_load %arg6[%get3A_142, %get3A_143] {strides = array<i32>} : memref<16x2048xf32, #tpu.memory_space<vmem>>, vector<16xf32>,
        %add3A_145 = arith.addf %add3A_138, %get3A_144 : vector<16xf32>
        %mul3A_146 = arith.constant 16 : i32
        %mul3A_147 = arith.muli %mul3A_146, %scan3A_34 : i32
        %swap3A = arith.index_cast %mul3A_147 : i32 to index
        %swap3A_148 = tpu.vector_load %arg7[%swap3A] {strides = array<i32>} : memref<2048xf32, #tpu.memory_space<vmem>>, vector<16xf32>,
        tpu.vector_store %arg7[%swap3A], %add3A_145 {strides = array<i32>} : memref<2048xf32, #tpu.memory_space<vmem>>, vector<16xf32>,
      }
      %scan3A_31 = arith.constant 128 : i32
      %mul3A_32 = arith.constant 2048 : i32
      %mul3A_33 = arith.muli %arg1, %mul3A_32 : i32
      "tpu.region"() ({
        %run_scoped3A = tpu.sem_alloc : memref<!tpu.dma_semaphore, #tpu.memory_space<semaphore_mem>>
        %dma_start3A = tpu.memref_slice %arg3[%arg0, %mul3A_33] : memref<2x10240xf32, #tpu.memory_space<hbm>> -> memref<1x2048xf32, #tpu.memory_space<hbm>>
        %dma_start3A_34 = tpu.memref_squeeze %dma_start3A : memref<1x2048xf32, #tpu.memory_space<hbm>> -> memref<2048xf32, #tpu.memory_space<hbm>>
        %dma_start3A_35 = tpu.memref_slice %arg3[%arg0, %mul3A_33] : memref<2x10240xf32, #tpu.memory_space<hbm>> -> memref<1x2048xf32, #tpu.memory_space<hbm>>
        %dma_start3A_36 = tpu.memref_squeeze %dma_start3A_35 : memref<1x2048xf32, #tpu.memory_space<hbm>> -> memref<2048xf32, #tpu.memory_space<hbm>>
        tpu.enqueue_dma source(%arg7 : memref<2048xf32, #tpu.memory_space<vmem>>) target(%dma_start3A_36 : memref<2048xf32, #tpu.memory_space<hbm>>) target_semaphore(%run_scoped3A : memref<!tpu.dma_semaphore, #tpu.memory_space<semaphore_mem>>)
        %dma_wait3A = tpu.memref_slice %arg3[%arg0, %mul3A_33] : memref<2x10240xf32, #tpu.memory_space<hbm>> -> memref<1x2048xf32, #tpu.memory_space<hbm>>
        %dma_wait3A_37 = tpu.memref_squeeze %dma_wait3A : memref<1x2048xf32, #tpu.memory_space<hbm>> -> memref<2048xf32, #tpu.memory_space<hbm>>
        %dma_wait3A_38 = tpu.memref_slice %arg3[%arg0, %mul3A_33] : memref<2x10240xf32, #tpu.memory_space<hbm>> -> memref<1x2048xf32, #tpu.memory_space<hbm>>
        %dma_wait3A_39 = tpu.memref_squeeze %dma_wait3A_38 : memref<1x2048xf32, #tpu.memory_space<hbm>> -> memref<2048xf32, #tpu.memory_space<hbm>>
        tpu.wait_dma2 semaphore(%run_scoped3A : memref<!tpu.dma_semaphore, #tpu.memory_space<semaphore_mem>>) src(%arg7 : memref<2048xf32, #tpu.memory_space<vmem>>) dst(%dma_wait3A_39 : memref<2048xf32, #tpu.memory_space<hbm>>)
        tpu.yield
      }) : () -> ()
    } else {
    }
    return
  }
}

#map = affine_map<(d0, d1) -> (0, 0)>
#map1 = affine_map<(d0, d1) -> (0)>
#map2 = affine_map<(d0, d1) -> (0, 0, 0)>
module attributes {stable_mosaic.version = 14 : i64} {
  func.func @sc_msgpass(%arg0: i32, %arg1: i32, %arg2: memref<20000x128xf32, #tpu.memory_space<hbm>>, %arg3: memref<320000xi32, #tpu.memory_space<hbm>>, %arg4: memref<16x125x80xi32, #tpu.memory_space<hbm>>, %arg5: memref<1000x128xf32, #tpu.memory_space<hbm>>, %arg6: memref<2x10000x128xf32, #tpu.memory_space<hbm>>, %arg7: memref<10000xi32, #tpu.memory_space<vmem>>, %arg8: memref<125x80xi32, #tpu.memory_space<vmem>>, %arg9: memref<80x128xf32, #tpu.memory_space<vmem>>, %arg10: memref<80x128xf32, #tpu.memory_space<vmem>>, %arg11: memref<10000x128xf32, #tpu.memory_space<vmem_shared>>, %arg12: memref<!tpu.dma_semaphore, #tpu.memory_space<semaphore_mem>>, %arg13: memref<!tpu.dma_semaphore, #tpu.memory_space<semaphore_mem>>, %arg14: memref<!tpu.dma_semaphore, #tpu.memory_space<semaphore_mem>>, %arg15: memref<!tpu.dma_semaphore, #tpu.memory_space<semaphore_mem>>) attributes {dimension_semantics = [#tpu.dimension_semantics<core_parallel>, #tpu.dimension_semantics<subcore_parallel>], iteration_bounds = array<i64: 2, 16>, scalar_prefetch = 0 : i64, scratch_operands = 9 : i64, tpu.core_type = #tpu.core_type<sc_vector_subcore>, window_params = [{transform_indices = #map}, {transform_indices = #map1}, {transform_indices = #map2}, {transform_indices = #map}, {transform_indices = #map2}]} {
    %lt3A = arith.constant 10 : i32
    %lt3A_0 = arith.cmpi slt, %arg1, %lt3A : i32
    %convert_element_type3A = arith.extui %lt3A_0 : i1 to i32
    %cond3A = arith.constant 0 : i32
    %cond3A_1 = arith.cmpi ne, %convert_element_type3A, %cond3A : i32
    scf.if %cond3A_1 {
      %mul3A_46 = arith.constant 1000 : i32
      %mul3A_47 = arith.muli %arg1, %mul3A_46 : i32
      "tpu.region"() ({
        %run_scoped3A_48 = tpu.sem_alloc : memref<!tpu.dma_semaphore, #tpu.memory_space<semaphore_mem>>
        %dma_start3A_49 = arith.constant 0 : i32
        %dma_start3A_50 = tpu.memref_slice %arg11[%mul3A_47, %dma_start3A_49] : memref<10000x128xf32, #tpu.memory_space<vmem_shared>> -> memref<1000x128xf32, #tpu.memory_space<vmem_shared>>
        tpu.enqueue_dma source(%arg5 : memref<1000x128xf32, #tpu.memory_space<hbm>>) target(%dma_start3A_50 : memref<1000x128xf32, #tpu.memory_space<vmem_shared>>) target_semaphore(%run_scoped3A_48 : memref<!tpu.dma_semaphore, #tpu.memory_space<semaphore_mem>>)
        %dma_wait3A_51 = arith.constant 0 : i32
        %dma_wait3A_52 = tpu.memref_slice %arg11[%mul3A_47, %dma_wait3A_51] : memref<10000x128xf32, #tpu.memory_space<vmem_shared>> -> memref<1000x128xf32, #tpu.memory_space<vmem_shared>>
        tpu.wait_dma2 semaphore(%run_scoped3A_48 : memref<!tpu.dma_semaphore, #tpu.memory_space<semaphore_mem>>) src(%arg5 : memref<1000x128xf32, #tpu.memory_space<hbm>>) dst(%dma_wait3A_52 : memref<1000x128xf32, #tpu.memory_space<vmem_shared>>)
        tpu.yield
      }) : () -> ()
    } else {
    }
    %mul3A = arith.constant 160000 : i32
    %mul3A_2 = arith.muli %arg0, %mul3A : i32
    %mul3A_3 = arith.constant 10000 : i32
    %mul3A_4 = arith.muli %arg1, %mul3A_3 : i32
    %add3A = arith.addi %mul3A_2, %mul3A_4 : i32
    "tpu.region"() ({
      %run_scoped3A_46 = tpu.sem_alloc : memref<!tpu.dma_semaphore, #tpu.memory_space<semaphore_mem>>
      %dma_start3A_47 = tpu.memref_slice %arg3[%add3A] : memref<320000xi32, #tpu.memory_space<hbm>> -> memref<10000xi32, #tpu.memory_space<hbm>>
      %dma_start3A_48 = tpu.memref_slice %arg3[%add3A] : memref<320000xi32, #tpu.memory_space<hbm>> -> memref<10000xi32, #tpu.memory_space<hbm>>
      tpu.enqueue_dma source(%dma_start3A_48 : memref<10000xi32, #tpu.memory_space<hbm>>) target(%arg7 : memref<10000xi32, #tpu.memory_space<vmem>>) target_semaphore(%run_scoped3A_46 : memref<!tpu.dma_semaphore, #tpu.memory_space<semaphore_mem>>)
      %dma_wait3A_49 = tpu.memref_slice %arg3[%add3A] : memref<320000xi32, #tpu.memory_space<hbm>> -> memref<10000xi32, #tpu.memory_space<hbm>>
      %dma_wait3A_50 = tpu.memref_slice %arg3[%add3A] : memref<320000xi32, #tpu.memory_space<hbm>> -> memref<10000xi32, #tpu.memory_space<hbm>>
      tpu.wait_dma2 semaphore(%run_scoped3A_46 : memref<!tpu.dma_semaphore, #tpu.memory_space<semaphore_mem>>) src(%dma_wait3A_50 : memref<10000xi32, #tpu.memory_space<hbm>>) dst(%arg7 : memref<10000xi32, #tpu.memory_space<vmem>>)
      tpu.yield
    }) : () -> ()
    "tpu.region"() ({
      %run_scoped3A_46 = tpu.sem_alloc : memref<!tpu.dma_semaphore, #tpu.memory_space<semaphore_mem>>
      %dma_start3A_47 = arith.constant 0 : i32
      %dma_start3A_48 = arith.constant 0 : i32
      %dma_start3A_49 = tpu.memref_slice %arg4[%arg1, %dma_start3A_47, %dma_start3A_48] : memref<16x125x80xi32, #tpu.memory_space<hbm>> -> memref<1x125x80xi32, #tpu.memory_space<hbm>>
      %dma_start3A_50 = tpu.memref_squeeze %dma_start3A_49 : memref<1x125x80xi32, #tpu.memory_space<hbm>> -> memref<125x80xi32, #tpu.memory_space<hbm>>
      %dma_start3A_51 = arith.constant 0 : i32
      %dma_start3A_52 = arith.constant 0 : i32
      %dma_start3A_53 = tpu.memref_slice %arg4[%arg1, %dma_start3A_51, %dma_start3A_52] : memref<16x125x80xi32, #tpu.memory_space<hbm>> -> memref<1x125x80xi32, #tpu.memory_space<hbm>>
      %dma_start3A_54 = tpu.memref_squeeze %dma_start3A_53 : memref<1x125x80xi32, #tpu.memory_space<hbm>> -> memref<125x80xi32, #tpu.memory_space<hbm>>
      tpu.enqueue_dma source(%dma_start3A_54 : memref<125x80xi32, #tpu.memory_space<hbm>>) target(%arg8 : memref<125x80xi32, #tpu.memory_space<vmem>>) target_semaphore(%run_scoped3A_46 : memref<!tpu.dma_semaphore, #tpu.memory_space<semaphore_mem>>)
      %dma_wait3A_55 = arith.constant 0 : i32
      %dma_wait3A_56 = arith.constant 0 : i32
      %dma_wait3A_57 = tpu.memref_slice %arg4[%arg1, %dma_wait3A_55, %dma_wait3A_56] : memref<16x125x80xi32, #tpu.memory_space<hbm>> -> memref<1x125x80xi32, #tpu.memory_space<hbm>>
      %dma_wait3A_58 = tpu.memref_squeeze %dma_wait3A_57 : memref<1x125x80xi32, #tpu.memory_space<hbm>> -> memref<125x80xi32, #tpu.memory_space<hbm>>
      %dma_wait3A_59 = arith.constant 0 : i32
      %dma_wait3A_60 = arith.constant 0 : i32
      %dma_wait3A_61 = tpu.memref_slice %arg4[%arg1, %dma_wait3A_59, %dma_wait3A_60] : memref<16x125x80xi32, #tpu.memory_space<hbm>> -> memref<1x125x80xi32, #tpu.memory_space<hbm>>
      %dma_wait3A_62 = tpu.memref_squeeze %dma_wait3A_61 : memref<1x125x80xi32, #tpu.memory_space<hbm>> -> memref<125x80xi32, #tpu.memory_space<hbm>>
      tpu.wait_dma2 semaphore(%run_scoped3A_46 : memref<!tpu.dma_semaphore, #tpu.memory_space<semaphore_mem>>) src(%dma_wait3A_62 : memref<125x80xi32, #tpu.memory_space<hbm>>) dst(%arg8 : memref<125x80xi32, #tpu.memory_space<vmem>>)
      tpu.yield
    }) : () -> ()
    %barrier3A = arith.constant 0 : index
    tpu.barrier barrier_id(%barrier3A)
    %dma_start3A = arith.constant 0 : i32
    %dma_start3A_5 = arith.constant 0 : i32
    %dma_start3A_6 = tpu.memref_slice %arg9[%dma_start3A, %dma_start3A_5] : memref<80x128xf32, #tpu.memory_space<vmem>> -> memref<48x128xf32, #tpu.memory_space<vmem>>
    %dma_start3A_7 = arith.constant 0 : i32
    %dma_start3A_8 = tpu.memref_slice %arg7[%dma_start3A_7] : memref<10000xi32, #tpu.memory_space<vmem>> -> memref<48xi32, #tpu.memory_space<vmem>>
    %dma_start3A_9 = arith.constant 0 : i32
    %dma_start3A_10 = arith.constant 0 : i32
    %dma_start3A_11 = tpu.memref_slice %arg2[%dma_start3A_9, %dma_start3A_10] : memref<20000x128xf32, #tpu.memory_space<hbm>> -> memref<20000x128xf32, #tpu.memory_space<hbm>>
    tpu.enqueue_indirect_dma source(%dma_start3A_11 : memref<20000x128xf32, #tpu.memory_space<hbm>>) target(%dma_start3A_6 : memref<48x128xf32, #tpu.memory_space<vmem>>) offsets(%dma_start3A_8 : memref<48xi32, #tpu.memory_space<vmem>>) semaphore(%arg12 : memref<!tpu.dma_semaphore, #tpu.memory_space<semaphore_mem>>)
    %dma_start3A_12 = arith.constant 48 : i32
    %dma_start3A_13 = arith.constant 0 : i32
    %dma_start3A_14 = tpu.memref_slice %arg9[%dma_start3A_12, %dma_start3A_13] : memref<80x128xf32, #tpu.memory_space<vmem>> -> memref<32x128xf32, #tpu.memory_space<vmem>>
    %dma_start3A_15 = arith.constant 48 : i32
    %dma_start3A_16 = tpu.memref_slice %arg7[%dma_start3A_15] : memref<10000xi32, #tpu.memory_space<vmem>> -> memref<32xi32, #tpu.memory_space<vmem>>
    %dma_start3A_17 = arith.constant 0 : i32
    %dma_start3A_18 = arith.constant 0 : i32
    %dma_start3A_19 = tpu.memref_slice %arg2[%dma_start3A_17, %dma_start3A_18] : memref<20000x128xf32, #tpu.memory_space<hbm>> -> memref<20000x128xf32, #tpu.memory_space<hbm>>
    tpu.enqueue_indirect_dma source(%dma_start3A_19 : memref<20000x128xf32, #tpu.memory_space<hbm>>) target(%dma_start3A_14 : memref<32x128xf32, #tpu.memory_space<vmem>>) offsets(%dma_start3A_16 : memref<32xi32, #tpu.memory_space<vmem>>) semaphore(%arg14 : memref<!tpu.dma_semaphore, #tpu.memory_space<semaphore_mem>>)
    %scan3A = arith.constant 0 : i32
    %scan3A_20 = arith.constant 0 : i32
    %scan3A_21 = arith.constant 62 : i32
    %scan3A_22 = arith.addi %scan3A_20, %scan3A_21 : i32
    %scan3A_23 = arith.constant 1 : i32
    scf.for %scan3A_46 = %scan3A_20 to %scan3A_22 step %scan3A_23  : i32 {
      %mul3A_47 = arith.constant 2 : i32
      %mul3A_48 = arith.muli %mul3A_47, %scan3A_46 : i32
      %add3A_49 = arith.constant 1 : i32
      %add3A_50 = arith.addi %mul3A_48, %add3A_49 : i32
      %mul3A_51 = arith.constant 80 : i32
      %mul3A_52 = arith.muli %add3A_50, %mul3A_51 : i32
      %add3A_53 = arith.constant 48 : i32
      %add3A_54 = arith.addi %mul3A_52, %add3A_53 : i32
      %dma_start3A_55 = arith.constant 0 : i32
      %dma_start3A_56 = arith.constant 0 : i32
      %dma_start3A_57 = tpu.memref_slice %arg10[%dma_start3A_55, %dma_start3A_56] : memref<80x128xf32, #tpu.memory_space<vmem>> -> memref<48x128xf32, #tpu.memory_space<vmem>>
      %dma_start3A_58 = tpu.memref_slice %arg7[%mul3A_52] : memref<10000xi32, #tpu.memory_space<vmem>> -> memref<48xi32, #tpu.memory_space<vmem>>
      %dma_start3A_59 = arith.constant 0 : i32
      %dma_start3A_60 = arith.constant 0 : i32
      %dma_start3A_61 = tpu.memref_slice %arg2[%dma_start3A_59, %dma_start3A_60] : memref<20000x128xf32, #tpu.memory_space<hbm>> -> memref<20000x128xf32, #tpu.memory_space<hbm>>
      tpu.enqueue_indirect_dma source(%dma_start3A_61 : memref<20000x128xf32, #tpu.memory_space<hbm>>) target(%dma_start3A_57 : memref<48x128xf32, #tpu.memory_space<vmem>>) offsets(%dma_start3A_58 : memref<48xi32, #tpu.memory_space<vmem>>) semaphore(%arg13 : memref<!tpu.dma_semaphore, #tpu.memory_space<semaphore_mem>>)
      %dma_start3A_62 = arith.constant 48 : i32
      %dma_start3A_63 = arith.constant 0 : i32
      %dma_start3A_64 = tpu.memref_slice %arg10[%dma_start3A_62, %dma_start3A_63] : memref<80x128xf32, #tpu.memory_space<vmem>> -> memref<32x128xf32, #tpu.memory_space<vmem>>
      %dma_start3A_65 = tpu.memref_slice %arg7[%add3A_54] : memref<10000xi32, #tpu.memory_space<vmem>> -> memref<32xi32, #tpu.memory_space<vmem>>
      %dma_start3A_66 = arith.constant 0 : i32
      %dma_start3A_67 = arith.constant 0 : i32
      %dma_start3A_68 = tpu.memref_slice %arg2[%dma_start3A_66, %dma_start3A_67] : memref<20000x128xf32, #tpu.memory_space<hbm>> -> memref<20000x128xf32, #tpu.memory_space<hbm>>
      tpu.enqueue_indirect_dma source(%dma_start3A_68 : memref<20000x128xf32, #tpu.memory_space<hbm>>) target(%dma_start3A_64 : memref<32x128xf32, #tpu.memory_space<vmem>>) offsets(%dma_start3A_65 : memref<32xi32, #tpu.memory_space<vmem>>) semaphore(%arg15 : memref<!tpu.dma_semaphore, #tpu.memory_space<semaphore_mem>>)
      %mul3A_69 = arith.constant 80 : i32
      %mul3A_70 = arith.muli %mul3A_48, %mul3A_69 : i32
      %add3A_71 = arith.constant 48 : i32
      %add3A_72 = arith.addi %mul3A_70, %add3A_71 : i32
      %dma_wait3A_73 = arith.constant 0 : i32
      %dma_wait3A_74 = arith.constant 0 : i32
      %dma_wait3A_75 = tpu.memref_slice %arg9[%dma_wait3A_73, %dma_wait3A_74] : memref<80x128xf32, #tpu.memory_space<vmem>> -> memref<48x128xf32, #tpu.memory_space<vmem>>
      %dma_wait3A_76 = tpu.memref_slice %arg7[%mul3A_70] : memref<10000xi32, #tpu.memory_space<vmem>> -> memref<48xi32, #tpu.memory_space<vmem>>
      %dma_wait3A_77 = arith.constant 0 : i32
      %dma_wait3A_78 = arith.constant 0 : i32
      %dma_wait3A_79 = tpu.memref_slice %arg2[%dma_wait3A_77, %dma_wait3A_78] : memref<20000x128xf32, #tpu.memory_space<hbm>> -> memref<20000x128xf32, #tpu.memory_space<hbm>>
      tpu.wait_indirect_dma semaphore(%arg12 : memref<!tpu.dma_semaphore, #tpu.memory_space<semaphore_mem>>) src(%dma_wait3A_79 : memref<20000x128xf32, #tpu.memory_space<hbm>>) dst(%dma_wait3A_75 : memref<48x128xf32, #tpu.memory_space<vmem>>)
      %dma_wait3A_80 = arith.constant 48 : i32
      %dma_wait3A_81 = arith.constant 0 : i32
      %dma_wait3A_82 = tpu.memref_slice %arg9[%dma_wait3A_80, %dma_wait3A_81] : memref<80x128xf32, #tpu.memory_space<vmem>> -> memref<32x128xf32, #tpu.memory_space<vmem>>
      %dma_wait3A_83 = tpu.memref_slice %arg7[%add3A_72] : memref<10000xi32, #tpu.memory_space<vmem>> -> memref<32xi32, #tpu.memory_space<vmem>>
      %dma_wait3A_84 = arith.constant 0 : i32
      %dma_wait3A_85 = arith.constant 0 : i32
      %dma_wait3A_86 = tpu.memref_slice %arg2[%dma_wait3A_84, %dma_wait3A_85] : memref<20000x128xf32, #tpu.memory_space<hbm>> -> memref<20000x128xf32, #tpu.memory_space<hbm>>
      tpu.wait_indirect_dma semaphore(%arg14 : memref<!tpu.dma_semaphore, #tpu.memory_space<semaphore_mem>>) src(%dma_wait3A_86 : memref<20000x128xf32, #tpu.memory_space<hbm>>) dst(%dma_wait3A_82 : memref<32x128xf32, #tpu.memory_space<vmem>>)
      "tpu.region"() ({
        %run_scoped3A_129 = tpu.sem_alloc : memref<!tpu.dma_semaphore, #tpu.memory_space<semaphore_mem>>
        %dma_start3A_130 = arith.constant 0 : i32
        %dma_start3A_131 = tpu.memref_slice %arg8[%mul3A_48, %dma_start3A_130] : memref<125x80xi32, #tpu.memory_space<vmem>> -> memref<1x80xi32, #tpu.memory_space<vmem>>
        %dma_start3A_132 = tpu.memref_squeeze %dma_start3A_131 : memref<1x80xi32, #tpu.memory_space<vmem>> -> memref<80xi32, #tpu.memory_space<vmem>>
        %dma_start3A_133 = arith.constant 0 : i32
        %dma_start3A_134 = arith.constant 0 : i32
        %dma_start3A_135 = tpu.memref_slice %arg11[%dma_start3A_133, %dma_start3A_134] : memref<10000x128xf32, #tpu.memory_space<vmem_shared>> -> memref<10000x128xf32, #tpu.memory_space<vmem_shared>>
        tpu.enqueue_indirect_dma source(%arg9 : memref<80x128xf32, #tpu.memory_space<vmem>>) target(%dma_start3A_135 : memref<10000x128xf32, #tpu.memory_space<vmem_shared>>) offsets(%dma_start3A_132 : memref<80xi32, #tpu.memory_space<vmem>>) semaphore(%run_scoped3A_129 : memref<!tpu.dma_semaphore, #tpu.memory_space<semaphore_mem>>) {add = true}
        %dma_wait3A_136 = arith.constant 0 : i32
        %dma_wait3A_137 = tpu.memref_slice %arg8[%mul3A_48, %dma_wait3A_136] : memref<125x80xi32, #tpu.memory_space<vmem>> -> memref<1x80xi32, #tpu.memory_space<vmem>>
        %dma_wait3A_138 = tpu.memref_squeeze %dma_wait3A_137 : memref<1x80xi32, #tpu.memory_space<vmem>> -> memref<80xi32, #tpu.memory_space<vmem>>
        %dma_wait3A_139 = arith.constant 0 : i32
        %dma_wait3A_140 = arith.constant 0 : i32
        %dma_wait3A_141 = tpu.memref_slice %arg11[%dma_wait3A_139, %dma_wait3A_140] : memref<10000x128xf32, #tpu.memory_space<vmem_shared>> -> memref<10000x128xf32, #tpu.memory_space<vmem_shared>>
        tpu.wait_indirect_dma semaphore(%run_scoped3A_129 : memref<!tpu.dma_semaphore, #tpu.memory_space<semaphore_mem>>) src(%arg9 : memref<80x128xf32, #tpu.memory_space<vmem>>) dst(%dma_wait3A_141 : memref<10000x128xf32, #tpu.memory_space<vmem_shared>>)
        tpu.yield
      }) : () -> ()
      %add3A_87 = arith.constant 2 : i32
      %add3A_88 = arith.addi %mul3A_48, %add3A_87 : i32
      %mul3A_89 = arith.constant 80 : i32
      %mul3A_90 = arith.muli %add3A_88, %mul3A_89 : i32
      %add3A_91 = arith.constant 48 : i32
      %add3A_92 = arith.addi %mul3A_90, %add3A_91 : i32
      %dma_start3A_93 = arith.constant 0 : i32
      %dma_start3A_94 = arith.constant 0 : i32
      %dma_start3A_95 = tpu.memref_slice %arg9[%dma_start3A_93, %dma_start3A_94] : memref<80x128xf32, #tpu.memory_space<vmem>> -> memref<48x128xf32, #tpu.memory_space<vmem>>
      %dma_start3A_96 = tpu.memref_slice %arg7[%mul3A_90] : memref<10000xi32, #tpu.memory_space<vmem>> -> memref<48xi32, #tpu.memory_space<vmem>>
      %dma_start3A_97 = arith.constant 0 : i32
      %dma_start3A_98 = arith.constant 0 : i32
      %dma_start3A_99 = tpu.memref_slice %arg2[%dma_start3A_97, %dma_start3A_98] : memref<20000x128xf32, #tpu.memory_space<hbm>> -> memref<20000x128xf32, #tpu.memory_space<hbm>>
      tpu.enqueue_indirect_dma source(%dma_start3A_99 : memref<20000x128xf32, #tpu.memory_space<hbm>>) target(%dma_start3A_95 : memref<48x128xf32, #tpu.memory_space<vmem>>) offsets(%dma_start3A_96 : memref<48xi32, #tpu.memory_space<vmem>>) semaphore(%arg12 : memref<!tpu.dma_semaphore, #tpu.memory_space<semaphore_mem>>)
      %dma_start3A_100 = arith.constant 48 : i32
      %dma_start3A_101 = arith.constant 0 : i32
      %dma_start3A_102 = tpu.memref_slice %arg9[%dma_start3A_100, %dma_start3A_101] : memref<80x128xf32, #tpu.memory_space<vmem>> -> memref<32x128xf32, #tpu.memory_space<vmem>>
      %dma_start3A_103 = tpu.memref_slice %arg7[%add3A_92] : memref<10000xi32, #tpu.memory_space<vmem>> -> memref<32xi32, #tpu.memory_space<vmem>>
      %dma_start3A_104 = arith.constant 0 : i32
      %dma_start3A_105 = arith.constant 0 : i32
      %dma_start3A_106 = tpu.memref_slice %arg2[%dma_start3A_104, %dma_start3A_105] : memref<20000x128xf32, #tpu.memory_space<hbm>> -> memref<20000x128xf32, #tpu.memory_space<hbm>>
      tpu.enqueue_indirect_dma source(%dma_start3A_106 : memref<20000x128xf32, #tpu.memory_space<hbm>>) target(%dma_start3A_102 : memref<32x128xf32, #tpu.memory_space<vmem>>) offsets(%dma_start3A_103 : memref<32xi32, #tpu.memory_space<vmem>>) semaphore(%arg14 : memref<!tpu.dma_semaphore, #tpu.memory_space<semaphore_mem>>)
      %add3A_107 = arith.constant 1 : i32
      %add3A_108 = arith.addi %mul3A_48, %add3A_107 : i32
      %mul3A_109 = arith.constant 80 : i32
      %mul3A_110 = arith.muli %add3A_108, %mul3A_109 : i32
      %add3A_111 = arith.constant 48 : i32
      %add3A_112 = arith.addi %mul3A_110, %add3A_111 : i32
      %dma_wait3A_113 = arith.constant 0 : i32
      %dma_wait3A_114 = arith.constant 0 : i32
      %dma_wait3A_115 = tpu.memref_slice %arg10[%dma_wait3A_113, %dma_wait3A_114] : memref<80x128xf32, #tpu.memory_space<vmem>> -> memref<48x128xf32, #tpu.memory_space<vmem>>
      %dma_wait3A_116 = tpu.memref_slice %arg7[%mul3A_110] : memref<10000xi32, #tpu.memory_space<vmem>> -> memref<48xi32, #tpu.memory_space<vmem>>
      %dma_wait3A_117 = arith.constant 0 : i32
      %dma_wait3A_118 = arith.constant 0 : i32
      %dma_wait3A_119 = tpu.memref_slice %arg2[%dma_wait3A_117, %dma_wait3A_118] : memref<20000x128xf32, #tpu.memory_space<hbm>> -> memref<20000x128xf32, #tpu.memory_space<hbm>>
      tpu.wait_indirect_dma semaphore(%arg13 : memref<!tpu.dma_semaphore, #tpu.memory_space<semaphore_mem>>) src(%dma_wait3A_119 : memref<20000x128xf32, #tpu.memory_space<hbm>>) dst(%dma_wait3A_115 : memref<48x128xf32, #tpu.memory_space<vmem>>)
      %dma_wait3A_120 = arith.constant 48 : i32
      %dma_wait3A_121 = arith.constant 0 : i32
      %dma_wait3A_122 = tpu.memref_slice %arg10[%dma_wait3A_120, %dma_wait3A_121] : memref<80x128xf32, #tpu.memory_space<vmem>> -> memref<32x128xf32, #tpu.memory_space<vmem>>
      %dma_wait3A_123 = tpu.memref_slice %arg7[%add3A_112] : memref<10000xi32, #tpu.memory_space<vmem>> -> memref<32xi32, #tpu.memory_space<vmem>>
      %dma_wait3A_124 = arith.constant 0 : i32
      %dma_wait3A_125 = arith.constant 0 : i32
      %dma_wait3A_126 = tpu.memref_slice %arg2[%dma_wait3A_124, %dma_wait3A_125] : memref<20000x128xf32, #tpu.memory_space<hbm>> -> memref<20000x128xf32, #tpu.memory_space<hbm>>
      tpu.wait_indirect_dma semaphore(%arg15 : memref<!tpu.dma_semaphore, #tpu.memory_space<semaphore_mem>>) src(%dma_wait3A_126 : memref<20000x128xf32, #tpu.memory_space<hbm>>) dst(%dma_wait3A_122 : memref<32x128xf32, #tpu.memory_space<vmem>>)
      %add3A_127 = arith.constant 1 : i32
      %add3A_128 = arith.addi %mul3A_48, %add3A_127 : i32
      "tpu.region"() ({
        %run_scoped3A_129 = tpu.sem_alloc : memref<!tpu.dma_semaphore, #tpu.memory_space<semaphore_mem>>
        %dma_start3A_130 = arith.constant 0 : i32
        %dma_start3A_131 = tpu.memref_slice %arg8[%add3A_128, %dma_start3A_130] : memref<125x80xi32, #tpu.memory_space<vmem>> -> memref<1x80xi32, #tpu.memory_space<vmem>>
        %dma_start3A_132 = tpu.memref_squeeze %dma_start3A_131 : memref<1x80xi32, #tpu.memory_space<vmem>> -> memref<80xi32, #tpu.memory_space<vmem>>
        %dma_start3A_133 = arith.constant 0 : i32
        %dma_start3A_134 = arith.constant 0 : i32
        %dma_start3A_135 = tpu.memref_slice %arg11[%dma_start3A_133, %dma_start3A_134] : memref<10000x128xf32, #tpu.memory_space<vmem_shared>> -> memref<10000x128xf32, #tpu.memory_space<vmem_shared>>
        tpu.enqueue_indirect_dma source(%arg10 : memref<80x128xf32, #tpu.memory_space<vmem>>) target(%dma_start3A_135 : memref<10000x128xf32, #tpu.memory_space<vmem_shared>>) offsets(%dma_start3A_132 : memref<80xi32, #tpu.memory_space<vmem>>) semaphore(%run_scoped3A_129 : memref<!tpu.dma_semaphore, #tpu.memory_space<semaphore_mem>>) {add = true}
        %dma_wait3A_136 = arith.constant 0 : i32
        %dma_wait3A_137 = tpu.memref_slice %arg8[%add3A_128, %dma_wait3A_136] : memref<125x80xi32, #tpu.memory_space<vmem>> -> memref<1x80xi32, #tpu.memory_space<vmem>>
        %dma_wait3A_138 = tpu.memref_squeeze %dma_wait3A_137 : memref<1x80xi32, #tpu.memory_space<vmem>> -> memref<80xi32, #tpu.memory_space<vmem>>
        %dma_wait3A_139 = arith.constant 0 : i32
        %dma_wait3A_140 = arith.constant 0 : i32
        %dma_wait3A_141 = tpu.memref_slice %arg11[%dma_wait3A_139, %dma_wait3A_140] : memref<10000x128xf32, #tpu.memory_space<vmem_shared>> -> memref<10000x128xf32, #tpu.memory_space<vmem_shared>>
        tpu.wait_indirect_dma semaphore(%run_scoped3A_129 : memref<!tpu.dma_semaphore, #tpu.memory_space<semaphore_mem>>) src(%arg10 : memref<80x128xf32, #tpu.memory_space<vmem>>) dst(%dma_wait3A_141 : memref<10000x128xf32, #tpu.memory_space<vmem_shared>>)
        tpu.yield
      }) : () -> ()
    }
    %scan3A_24 = arith.constant 62 : i32
    %dma_wait3A = arith.constant 0 : i32
    %dma_wait3A_25 = arith.constant 0 : i32
    %dma_wait3A_26 = tpu.memref_slice %arg9[%dma_wait3A, %dma_wait3A_25] : memref<80x128xf32, #tpu.memory_space<vmem>> -> memref<48x128xf32, #tpu.memory_space<vmem>>
    %dma_wait3A_27 = arith.constant 9920 : i32
    %dma_wait3A_28 = tpu.memref_slice %arg7[%dma_wait3A_27] : memref<10000xi32, #tpu.memory_space<vmem>> -> memref<48xi32, #tpu.memory_space<vmem>>
    %dma_wait3A_29 = arith.constant 0 : i32
    %dma_wait3A_30 = arith.constant 0 : i32
    %dma_wait3A_31 = tpu.memref_slice %arg2[%dma_wait3A_29, %dma_wait3A_30] : memref<20000x128xf32, #tpu.memory_space<hbm>> -> memref<20000x128xf32, #tpu.memory_space<hbm>>
    tpu.wait_indirect_dma semaphore(%arg12 : memref<!tpu.dma_semaphore, #tpu.memory_space<semaphore_mem>>) src(%dma_wait3A_31 : memref<20000x128xf32, #tpu.memory_space<hbm>>) dst(%dma_wait3A_26 : memref<48x128xf32, #tpu.memory_space<vmem>>)
    %dma_wait3A_32 = arith.constant 48 : i32
    %dma_wait3A_33 = arith.constant 0 : i32
    %dma_wait3A_34 = tpu.memref_slice %arg9[%dma_wait3A_32, %dma_wait3A_33] : memref<80x128xf32, #tpu.memory_space<vmem>> -> memref<32x128xf32, #tpu.memory_space<vmem>>
    %dma_wait3A_35 = arith.constant 9968 : i32
    %dma_wait3A_36 = tpu.memref_slice %arg7[%dma_wait3A_35] : memref<10000xi32, #tpu.memory_space<vmem>> -> memref<32xi32, #tpu.memory_space<vmem>>
    %dma_wait3A_37 = arith.constant 0 : i32
    %dma_wait3A_38 = arith.constant 0 : i32
    %dma_wait3A_39 = tpu.memref_slice %arg2[%dma_wait3A_37, %dma_wait3A_38] : memref<20000x128xf32, #tpu.memory_space<hbm>> -> memref<20000x128xf32, #tpu.memory_space<hbm>>
    tpu.wait_indirect_dma semaphore(%arg14 : memref<!tpu.dma_semaphore, #tpu.memory_space<semaphore_mem>>) src(%dma_wait3A_39 : memref<20000x128xf32, #tpu.memory_space<hbm>>) dst(%dma_wait3A_34 : memref<32x128xf32, #tpu.memory_space<vmem>>)
    %run_scoped3A = arith.constant 124 : i32
    "tpu.region"() ({
      %run_scoped3A_46 = tpu.sem_alloc : memref<!tpu.dma_semaphore, #tpu.memory_space<semaphore_mem>>
      %dma_start3A_47 = arith.constant 0 : i32
      %dma_start3A_48 = tpu.memref_slice %arg8[%run_scoped3A, %dma_start3A_47] : memref<125x80xi32, #tpu.memory_space<vmem>> -> memref<1x80xi32, #tpu.memory_space<vmem>>
      %dma_start3A_49 = tpu.memref_squeeze %dma_start3A_48 : memref<1x80xi32, #tpu.memory_space<vmem>> -> memref<80xi32, #tpu.memory_space<vmem>>
      %dma_start3A_50 = arith.constant 0 : i32
      %dma_start3A_51 = arith.constant 0 : i32
      %dma_start3A_52 = tpu.memref_slice %arg11[%dma_start3A_50, %dma_start3A_51] : memref<10000x128xf32, #tpu.memory_space<vmem_shared>> -> memref<10000x128xf32, #tpu.memory_space<vmem_shared>>
      tpu.enqueue_indirect_dma source(%arg9 : memref<80x128xf32, #tpu.memory_space<vmem>>) target(%dma_start3A_52 : memref<10000x128xf32, #tpu.memory_space<vmem_shared>>) offsets(%dma_start3A_49 : memref<80xi32, #tpu.memory_space<vmem>>) semaphore(%run_scoped3A_46 : memref<!tpu.dma_semaphore, #tpu.memory_space<semaphore_mem>>) {add = true}
      %dma_wait3A_53 = arith.constant 0 : i32
      %dma_wait3A_54 = tpu.memref_slice %arg8[%run_scoped3A, %dma_wait3A_53] : memref<125x80xi32, #tpu.memory_space<vmem>> -> memref<1x80xi32, #tpu.memory_space<vmem>>
      %dma_wait3A_55 = tpu.memref_squeeze %dma_wait3A_54 : memref<1x80xi32, #tpu.memory_space<vmem>> -> memref<80xi32, #tpu.memory_space<vmem>>
      %dma_wait3A_56 = arith.constant 0 : i32
      %dma_wait3A_57 = arith.constant 0 : i32
      %dma_wait3A_58 = tpu.memref_slice %arg11[%dma_wait3A_56, %dma_wait3A_57] : memref<10000x128xf32, #tpu.memory_space<vmem_shared>> -> memref<10000x128xf32, #tpu.memory_space<vmem_shared>>
      tpu.wait_indirect_dma semaphore(%run_scoped3A_46 : memref<!tpu.dma_semaphore, #tpu.memory_space<semaphore_mem>>) src(%arg9 : memref<80x128xf32, #tpu.memory_space<vmem>>) dst(%dma_wait3A_58 : memref<10000x128xf32, #tpu.memory_space<vmem_shared>>)
      tpu.yield
    }) : () -> ()
    %barrier3A_40 = arith.constant 0 : index
    tpu.barrier barrier_id(%barrier3A_40)
    %lt3A_41 = arith.constant 10 : i32
    %lt3A_42 = arith.cmpi slt, %arg1, %lt3A_41 : i32
    %convert_element_type3A_43 = arith.extui %lt3A_42 : i1 to i32
    %cond3A_44 = arith.constant 0 : i32
    %cond3A_45 = arith.cmpi ne, %convert_element_type3A_43, %cond3A_44 : i32
    scf.if %cond3A_45 {
      %mul3A_46 = arith.constant 1000 : i32
      %mul3A_47 = arith.muli %arg1, %mul3A_46 : i32
      %mul3A_48 = arith.constant 1000 : i32
      %mul3A_49 = arith.muli %arg1, %mul3A_48 : i32
      "tpu.region"() ({
        %run_scoped3A_50 = tpu.sem_alloc : memref<!tpu.dma_semaphore, #tpu.memory_space<semaphore_mem>>
        %dma_start3A_51 = arith.constant 0 : i32
        %dma_start3A_52 = tpu.memref_slice %arg6[%arg0, %mul3A_49, %dma_start3A_51] : memref<2x10000x128xf32, #tpu.memory_space<hbm>> -> memref<1x1000x128xf32, #tpu.memory_space<hbm>>
        %dma_start3A_53 = tpu.memref_squeeze %dma_start3A_52 : memref<1x1000x128xf32, #tpu.memory_space<hbm>> -> memref<1000x128xf32, #tpu.memory_space<hbm>>
        %dma_start3A_54 = arith.constant 0 : i32
        %dma_start3A_55 = tpu.memref_slice %arg11[%mul3A_47, %dma_start3A_54] : memref<10000x128xf32, #tpu.memory_space<vmem_shared>> -> memref<1000x128xf32, #tpu.memory_space<vmem_shared>>
        tpu.enqueue_dma source(%dma_start3A_55 : memref<1000x128xf32, #tpu.memory_space<vmem_shared>>) target(%dma_start3A_53 : memref<1000x128xf32, #tpu.memory_space<hbm>>) target_semaphore(%run_scoped3A_50 : memref<!tpu.dma_semaphore, #tpu.memory_space<semaphore_mem>>)
        %dma_wait3A_56 = arith.constant 0 : i32
        %dma_wait3A_57 = tpu.memref_slice %arg6[%arg0, %mul3A_49, %dma_wait3A_56] : memref<2x10000x128xf32, #tpu.memory_space<hbm>> -> memref<1x1000x128xf32, #tpu.memory_space<hbm>>
        %dma_wait3A_58 = tpu.memref_squeeze %dma_wait3A_57 : memref<1x1000x128xf32, #tpu.memory_space<hbm>> -> memref<1000x128xf32, #tpu.memory_space<hbm>>
        %dma_wait3A_59 = arith.constant 0 : i32
        %dma_wait3A_60 = tpu.memref_slice %arg11[%mul3A_47, %dma_wait3A_59] : memref<10000x128xf32, #tpu.memory_space<vmem_shared>> -> memref<1000x128xf32, #tpu.memory_space<vmem_shared>>
        tpu.wait_dma2 semaphore(%run_scoped3A_50 : memref<!tpu.dma_semaphore, #tpu.memory_space<semaphore_mem>>) src(%dma_wait3A_60 : memref<1000x128xf32, #tpu.memory_space<vmem_shared>>) dst(%dma_wait3A_58 : memref<1000x128xf32, #tpu.memory_space<hbm>>)
        tpu.yield
      }) : () -> ()
    } else {
    }
    return
  }
}

#map = affine_map<(d0, d1) -> (0, 0)>
#map1 = affine_map<(d0, d1) -> (0)>
#map2 = affine_map<(d0, d1) -> (0, 0, 0)>
module attributes {stable_mosaic.version = 14 : i64} {
  func.func @sc_msgpass(%arg0: i32, %arg1: i32, %arg2: memref<20000x128xf32, #tpu.memory_space<hbm>>, %arg3: memref<320000xi32, #tpu.memory_space<hbm>>, %arg4: memref<16x125x80xi32, #tpu.memory_space<hbm>>, %arg5: memref<1000x128xf32, #tpu.memory_space<hbm>>, %arg6: memref<2x10000x128xf32, #tpu.memory_space<hbm>>, %arg7: memref<10000xi32, #tpu.memory_space<vmem>>, %arg8: memref<125x80xi32, #tpu.memory_space<vmem>>, %arg9: memref<80x128xf32, #tpu.memory_space<vmem>>, %arg10: memref<80x128xf32, #tpu.memory_space<vmem>>, %arg11: memref<10000x128xf32, #tpu.memory_space<vmem_shared>>, %arg12: memref<!tpu.dma_semaphore, #tpu.memory_space<semaphore_mem>>, %arg13: memref<!tpu.dma_semaphore, #tpu.memory_space<semaphore_mem>>, %arg14: memref<!tpu.dma_semaphore, #tpu.memory_space<semaphore_mem>>, %arg15: memref<!tpu.dma_semaphore, #tpu.memory_space<semaphore_mem>>) attributes {dimension_semantics = [#tpu.dimension_semantics<core_parallel>, #tpu.dimension_semantics<subcore_parallel>], iteration_bounds = array<i64: 2, 16>, scalar_prefetch = 0 : i64, scratch_operands = 9 : i64, tpu.core_type = #tpu.core_type<sc_vector_subcore>, window_params = [{transform_indices = #map}, {transform_indices = #map1}, {transform_indices = #map2}, {transform_indices = #map}, {transform_indices = #map2}]} {
    %lt3A = arith.constant 10 : i32
    %lt3A_0 = arith.cmpi slt, %arg1, %lt3A : i32
    %convert_element_type3A = arith.extui %lt3A_0 : i1 to i32
    %cond3A = arith.constant 0 : i32
    %cond3A_1 = arith.cmpi ne, %convert_element_type3A, %cond3A : i32
    scf.if %cond3A_1 {
      %mul3A_46 = arith.constant 1000 : i32
      %mul3A_47 = arith.muli %arg1, %mul3A_46 : i32
      "tpu.region"() ({
        %run_scoped3A_48 = tpu.sem_alloc : memref<!tpu.dma_semaphore, #tpu.memory_space<semaphore_mem>>
        %dma_start3A_49 = arith.constant 0 : i32
        %dma_start3A_50 = tpu.memref_slice %arg11[%mul3A_47, %dma_start3A_49] : memref<10000x128xf32, #tpu.memory_space<vmem_shared>> -> memref<1000x128xf32, #tpu.memory_space<vmem_shared>>
        tpu.enqueue_dma source(%arg5 : memref<1000x128xf32, #tpu.memory_space<hbm>>) target(%dma_start3A_50 : memref<1000x128xf32, #tpu.memory_space<vmem_shared>>) target_semaphore(%run_scoped3A_48 : memref<!tpu.dma_semaphore, #tpu.memory_space<semaphore_mem>>)
        %dma_wait3A_51 = arith.constant 0 : i32
        %dma_wait3A_52 = tpu.memref_slice %arg11[%mul3A_47, %dma_wait3A_51] : memref<10000x128xf32, #tpu.memory_space<vmem_shared>> -> memref<1000x128xf32, #tpu.memory_space<vmem_shared>>
        tpu.wait_dma2 semaphore(%run_scoped3A_48 : memref<!tpu.dma_semaphore, #tpu.memory_space<semaphore_mem>>) src(%arg5 : memref<1000x128xf32, #tpu.memory_space<hbm>>) dst(%dma_wait3A_52 : memref<1000x128xf32, #tpu.memory_space<vmem_shared>>)
        tpu.yield
      }) : () -> ()
    } else {
    }
    %mul3A = arith.constant 160000 : i32
    %mul3A_2 = arith.muli %arg0, %mul3A : i32
    %mul3A_3 = arith.constant 10000 : i32
    %mul3A_4 = arith.muli %arg1, %mul3A_3 : i32
    %add3A = arith.addi %mul3A_2, %mul3A_4 : i32
    "tpu.region"() ({
      %run_scoped3A_46 = tpu.sem_alloc : memref<!tpu.dma_semaphore, #tpu.memory_space<semaphore_mem>>
      %dma_start3A_47 = tpu.memref_slice %arg3[%add3A] : memref<320000xi32, #tpu.memory_space<hbm>> -> memref<10000xi32, #tpu.memory_space<hbm>>
      %dma_start3A_48 = tpu.memref_slice %arg3[%add3A] : memref<320000xi32, #tpu.memory_space<hbm>> -> memref<10000xi32, #tpu.memory_space<hbm>>
      tpu.enqueue_dma source(%dma_start3A_48 : memref<10000xi32, #tpu.memory_space<hbm>>) target(%arg7 : memref<10000xi32, #tpu.memory_space<vmem>>) target_semaphore(%run_scoped3A_46 : memref<!tpu.dma_semaphore, #tpu.memory_space<semaphore_mem>>)
      %dma_wait3A_49 = tpu.memref_slice %arg3[%add3A] : memref<320000xi32, #tpu.memory_space<hbm>> -> memref<10000xi32, #tpu.memory_space<hbm>>
      %dma_wait3A_50 = tpu.memref_slice %arg3[%add3A] : memref<320000xi32, #tpu.memory_space<hbm>> -> memref<10000xi32, #tpu.memory_space<hbm>>
      tpu.wait_dma2 semaphore(%run_scoped3A_46 : memref<!tpu.dma_semaphore, #tpu.memory_space<semaphore_mem>>) src(%dma_wait3A_50 : memref<10000xi32, #tpu.memory_space<hbm>>) dst(%arg7 : memref<10000xi32, #tpu.memory_space<vmem>>)
      tpu.yield
    }) : () -> ()
    "tpu.region"() ({
      %run_scoped3A_46 = tpu.sem_alloc : memref<!tpu.dma_semaphore, #tpu.memory_space<semaphore_mem>>
      %dma_start3A_47 = arith.constant 0 : i32
      %dma_start3A_48 = arith.constant 0 : i32
      %dma_start3A_49 = tpu.memref_slice %arg4[%arg1, %dma_start3A_47, %dma_start3A_48] : memref<16x125x80xi32, #tpu.memory_space<hbm>> -> memref<1x125x80xi32, #tpu.memory_space<hbm>>
      %dma_start3A_50 = tpu.memref_squeeze %dma_start3A_49 : memref<1x125x80xi32, #tpu.memory_space<hbm>> -> memref<125x80xi32, #tpu.memory_space<hbm>>
      %dma_start3A_51 = arith.constant 0 : i32
      %dma_start3A_52 = arith.constant 0 : i32
      %dma_start3A_53 = tpu.memref_slice %arg4[%arg1, %dma_start3A_51, %dma_start3A_52] : memref<16x125x80xi32, #tpu.memory_space<hbm>> -> memref<1x125x80xi32, #tpu.memory_space<hbm>>
      %dma_start3A_54 = tpu.memref_squeeze %dma_start3A_53 : memref<1x125x80xi32, #tpu.memory_space<hbm>> -> memref<125x80xi32, #tpu.memory_space<hbm>>
      tpu.enqueue_dma source(%dma_start3A_54 : memref<125x80xi32, #tpu.memory_space<hbm>>) target(%arg8 : memref<125x80xi32, #tpu.memory_space<vmem>>) target_semaphore(%run_scoped3A_46 : memref<!tpu.dma_semaphore, #tpu.memory_space<semaphore_mem>>)
      %dma_wait3A_55 = arith.constant 0 : i32
      %dma_wait3A_56 = arith.constant 0 : i32
      %dma_wait3A_57 = tpu.memref_slice %arg4[%arg1, %dma_wait3A_55, %dma_wait3A_56] : memref<16x125x80xi32, #tpu.memory_space<hbm>> -> memref<1x125x80xi32, #tpu.memory_space<hbm>>
      %dma_wait3A_58 = tpu.memref_squeeze %dma_wait3A_57 : memref<1x125x80xi32, #tpu.memory_space<hbm>> -> memref<125x80xi32, #tpu.memory_space<hbm>>
      %dma_wait3A_59 = arith.constant 0 : i32
      %dma_wait3A_60 = arith.constant 0 : i32
      %dma_wait3A_61 = tpu.memref_slice %arg4[%arg1, %dma_wait3A_59, %dma_wait3A_60] : memref<16x125x80xi32, #tpu.memory_space<hbm>> -> memref<1x125x80xi32, #tpu.memory_space<hbm>>
      %dma_wait3A_62 = tpu.memref_squeeze %dma_wait3A_61 : memref<1x125x80xi32, #tpu.memory_space<hbm>> -> memref<125x80xi32, #tpu.memory_space<hbm>>
      tpu.wait_dma2 semaphore(%run_scoped3A_46 : memref<!tpu.dma_semaphore, #tpu.memory_space<semaphore_mem>>) src(%dma_wait3A_62 : memref<125x80xi32, #tpu.memory_space<hbm>>) dst(%arg8 : memref<125x80xi32, #tpu.memory_space<vmem>>)
      tpu.yield
    }) : () -> ()
    %barrier3A = arith.constant 0 : index
    tpu.barrier barrier_id(%barrier3A)
    %dma_start3A = arith.constant 0 : i32
    %dma_start3A_5 = arith.constant 0 : i32
    %dma_start3A_6 = tpu.memref_slice %arg9[%dma_start3A, %dma_start3A_5] : memref<80x128xf32, #tpu.memory_space<vmem>> -> memref<48x128xf32, #tpu.memory_space<vmem>>
    %dma_start3A_7 = arith.constant 0 : i32
    %dma_start3A_8 = tpu.memref_slice %arg7[%dma_start3A_7] : memref<10000xi32, #tpu.memory_space<vmem>> -> memref<48xi32, #tpu.memory_space<vmem>>
    %dma_start3A_9 = arith.constant 0 : i32
    %dma_start3A_10 = arith.constant 0 : i32
    %dma_start3A_11 = tpu.memref_slice %arg2[%dma_start3A_9, %dma_start3A_10] : memref<20000x128xf32, #tpu.memory_space<hbm>> -> memref<20000x128xf32, #tpu.memory_space<hbm>>
    tpu.enqueue_indirect_dma source(%dma_start3A_11 : memref<20000x128xf32, #tpu.memory_space<hbm>>) target(%dma_start3A_6 : memref<48x128xf32, #tpu.memory_space<vmem>>) offsets(%dma_start3A_8 : memref<48xi32, #tpu.memory_space<vmem>>) semaphore(%arg12 : memref<!tpu.dma_semaphore, #tpu.memory_space<semaphore_mem>>)
    %dma_start3A_12 = arith.constant 48 : i32
    %dma_start3A_13 = arith.constant 0 : i32
    %dma_start3A_14 = tpu.memref_slice %arg9[%dma_start3A_12, %dma_start3A_13] : memref<80x128xf32, #tpu.memory_space<vmem>> -> memref<32x128xf32, #tpu.memory_space<vmem>>
    %dma_start3A_15 = arith.constant 48 : i32
    %dma_start3A_16 = tpu.memref_slice %arg7[%dma_start3A_15] : memref<10000xi32, #tpu.memory_space<vmem>> -> memref<32xi32, #tpu.memory_space<vmem>>
    %dma_start3A_17 = arith.constant 0 : i32
    %dma_start3A_18 = arith.constant 0 : i32
    %dma_start3A_19 = tpu.memref_slice %arg2[%dma_start3A_17, %dma_start3A_18] : memref<20000x128xf32, #tpu.memory_space<hbm>> -> memref<20000x128xf32, #tpu.memory_space<hbm>>
    tpu.enqueue_indirect_dma source(%dma_start3A_19 : memref<20000x128xf32, #tpu.memory_space<hbm>>) target(%dma_start3A_14 : memref<32x128xf32, #tpu.memory_space<vmem>>) offsets(%dma_start3A_16 : memref<32xi32, #tpu.memory_space<vmem>>) semaphore(%arg14 : memref<!tpu.dma_semaphore, #tpu.memory_space<semaphore_mem>>)
    %scan3A = arith.constant 0 : i32
    %scan3A_20 = arith.constant 0 : i32
    %scan3A_21 = arith.constant 62 : i32
    %scan3A_22 = arith.addi %scan3A_20, %scan3A_21 : i32
    %scan3A_23 = arith.constant 1 : i32
    scf.for %scan3A_46 = %scan3A_20 to %scan3A_22 step %scan3A_23  : i32 {
      %mul3A_47 = arith.constant 2 : i32
      %mul3A_48 = arith.muli %mul3A_47, %scan3A_46 : i32
      %add3A_49 = arith.constant 1 : i32
      %add3A_50 = arith.addi %mul3A_48, %add3A_49 : i32
      %mul3A_51 = arith.constant 80 : i32
      %mul3A_52 = arith.muli %add3A_50, %mul3A_51 : i32
      %add3A_53 = arith.constant 48 : i32
      %add3A_54 = arith.addi %mul3A_52, %add3A_53 : i32
      %dma_start3A_55 = arith.constant 0 : i32
      %dma_start3A_56 = arith.constant 0 : i32
      %dma_start3A_57 = tpu.memref_slice %arg10[%dma_start3A_55, %dma_start3A_56] : memref<80x128xf32, #tpu.memory_space<vmem>> -> memref<48x128xf32, #tpu.memory_space<vmem>>
      %dma_start3A_58 = tpu.memref_slice %arg7[%mul3A_52] : memref<10000xi32, #tpu.memory_space<vmem>> -> memref<48xi32, #tpu.memory_space<vmem>>
      %dma_start3A_59 = arith.constant 0 : i32
      %dma_start3A_60 = arith.constant 0 : i32
      %dma_start3A_61 = tpu.memref_slice %arg2[%dma_start3A_59, %dma_start3A_60] : memref<20000x128xf32, #tpu.memory_space<hbm>> -> memref<20000x128xf32, #tpu.memory_space<hbm>>
      tpu.enqueue_indirect_dma source(%dma_start3A_61 : memref<20000x128xf32, #tpu.memory_space<hbm>>) target(%dma_start3A_57 : memref<48x128xf32, #tpu.memory_space<vmem>>) offsets(%dma_start3A_58 : memref<48xi32, #tpu.memory_space<vmem>>) semaphore(%arg13 : memref<!tpu.dma_semaphore, #tpu.memory_space<semaphore_mem>>)
      %dma_start3A_62 = arith.constant 48 : i32
      %dma_start3A_63 = arith.constant 0 : i32
      %dma_start3A_64 = tpu.memref_slice %arg10[%dma_start3A_62, %dma_start3A_63] : memref<80x128xf32, #tpu.memory_space<vmem>> -> memref<32x128xf32, #tpu.memory_space<vmem>>
      %dma_start3A_65 = tpu.memref_slice %arg7[%add3A_54] : memref<10000xi32, #tpu.memory_space<vmem>> -> memref<32xi32, #tpu.memory_space<vmem>>
      %dma_start3A_66 = arith.constant 0 : i32
      %dma_start3A_67 = arith.constant 0 : i32
      %dma_start3A_68 = tpu.memref_slice %arg2[%dma_start3A_66, %dma_start3A_67] : memref<20000x128xf32, #tpu.memory_space<hbm>> -> memref<20000x128xf32, #tpu.memory_space<hbm>>
      tpu.enqueue_indirect_dma source(%dma_start3A_68 : memref<20000x128xf32, #tpu.memory_space<hbm>>) target(%dma_start3A_64 : memref<32x128xf32, #tpu.memory_space<vmem>>) offsets(%dma_start3A_65 : memref<32xi32, #tpu.memory_space<vmem>>) semaphore(%arg15 : memref<!tpu.dma_semaphore, #tpu.memory_space<semaphore_mem>>)
      %mul3A_69 = arith.constant 80 : i32
      %mul3A_70 = arith.muli %mul3A_48, %mul3A_69 : i32
      %add3A_71 = arith.constant 48 : i32
      %add3A_72 = arith.addi %mul3A_70, %add3A_71 : i32
      %dma_wait3A_73 = arith.constant 0 : i32
      %dma_wait3A_74 = arith.constant 0 : i32
      %dma_wait3A_75 = tpu.memref_slice %arg9[%dma_wait3A_73, %dma_wait3A_74] : memref<80x128xf32, #tpu.memory_space<vmem>> -> memref<48x128xf32, #tpu.memory_space<vmem>>
      %dma_wait3A_76 = tpu.memref_slice %arg7[%mul3A_70] : memref<10000xi32, #tpu.memory_space<vmem>> -> memref<48xi32, #tpu.memory_space<vmem>>
      %dma_wait3A_77 = arith.constant 0 : i32
      %dma_wait3A_78 = arith.constant 0 : i32
      %dma_wait3A_79 = tpu.memref_slice %arg2[%dma_wait3A_77, %dma_wait3A_78] : memref<20000x128xf32, #tpu.memory_space<hbm>> -> memref<20000x128xf32, #tpu.memory_space<hbm>>
      tpu.wait_indirect_dma semaphore(%arg12 : memref<!tpu.dma_semaphore, #tpu.memory_space<semaphore_mem>>) src(%dma_wait3A_79 : memref<20000x128xf32, #tpu.memory_space<hbm>>) dst(%dma_wait3A_75 : memref<48x128xf32, #tpu.memory_space<vmem>>)
      %dma_wait3A_80 = arith.constant 48 : i32
      %dma_wait3A_81 = arith.constant 0 : i32
      %dma_wait3A_82 = tpu.memref_slice %arg9[%dma_wait3A_80, %dma_wait3A_81] : memref<80x128xf32, #tpu.memory_space<vmem>> -> memref<32x128xf32, #tpu.memory_space<vmem>>
      %dma_wait3A_83 = tpu.memref_slice %arg7[%add3A_72] : memref<10000xi32, #tpu.memory_space<vmem>> -> memref<32xi32, #tpu.memory_space<vmem>>
      %dma_wait3A_84 = arith.constant 0 : i32
      %dma_wait3A_85 = arith.constant 0 : i32
      %dma_wait3A_86 = tpu.memref_slice %arg2[%dma_wait3A_84, %dma_wait3A_85] : memref<20000x128xf32, #tpu.memory_space<hbm>> -> memref<20000x128xf32, #tpu.memory_space<hbm>>
      tpu.wait_indirect_dma semaphore(%arg14 : memref<!tpu.dma_semaphore, #tpu.memory_space<semaphore_mem>>) src(%dma_wait3A_86 : memref<20000x128xf32, #tpu.memory_space<hbm>>) dst(%dma_wait3A_82 : memref<32x128xf32, #tpu.memory_space<vmem>>)
      "tpu.region"() ({
        %run_scoped3A_129 = tpu.sem_alloc : memref<!tpu.dma_semaphore, #tpu.memory_space<semaphore_mem>>
        %dma_start3A_130 = arith.constant 0 : i32
        %dma_start3A_131 = tpu.memref_slice %arg8[%mul3A_48, %dma_start3A_130] : memref<125x80xi32, #tpu.memory_space<vmem>> -> memref<1x80xi32, #tpu.memory_space<vmem>>
        %dma_start3A_132 = tpu.memref_squeeze %dma_start3A_131 : memref<1x80xi32, #tpu.memory_space<vmem>> -> memref<80xi32, #tpu.memory_space<vmem>>
        %dma_start3A_133 = arith.constant 0 : i32
        %dma_start3A_134 = arith.constant 0 : i32
        %dma_start3A_135 = tpu.memref_slice %arg11[%dma_start3A_133, %dma_start3A_134] : memref<10000x128xf32, #tpu.memory_space<vmem_shared>> -> memref<10000x128xf32, #tpu.memory_space<vmem_shared>>
        tpu.enqueue_indirect_dma source(%arg9 : memref<80x128xf32, #tpu.memory_space<vmem>>) target(%dma_start3A_135 : memref<10000x128xf32, #tpu.memory_space<vmem_shared>>) offsets(%dma_start3A_132 : memref<80xi32, #tpu.memory_space<vmem>>) semaphore(%run_scoped3A_129 : memref<!tpu.dma_semaphore, #tpu.memory_space<semaphore_mem>>) {add = true}
        %dma_wait3A_136 = arith.constant 0 : i32
        %dma_wait3A_137 = tpu.memref_slice %arg8[%mul3A_48, %dma_wait3A_136] : memref<125x80xi32, #tpu.memory_space<vmem>> -> memref<1x80xi32, #tpu.memory_space<vmem>>
        %dma_wait3A_138 = tpu.memref_squeeze %dma_wait3A_137 : memref<1x80xi32, #tpu.memory_space<vmem>> -> memref<80xi32, #tpu.memory_space<vmem>>
        %dma_wait3A_139 = arith.constant 0 : i32
        %dma_wait3A_140 = arith.constant 0 : i32
        %dma_wait3A_141 = tpu.memref_slice %arg11[%dma_wait3A_139, %dma_wait3A_140] : memref<10000x128xf32, #tpu.memory_space<vmem_shared>> -> memref<10000x128xf32, #tpu.memory_space<vmem_shared>>
        tpu.wait_indirect_dma semaphore(%run_scoped3A_129 : memref<!tpu.dma_semaphore, #tpu.memory_space<semaphore_mem>>) src(%arg9 : memref<80x128xf32, #tpu.memory_space<vmem>>) dst(%dma_wait3A_141 : memref<10000x128xf32, #tpu.memory_space<vmem_shared>>)
        tpu.yield
      }) : () -> ()
      %add3A_87 = arith.constant 2 : i32
      %add3A_88 = arith.addi %mul3A_48, %add3A_87 : i32
      %mul3A_89 = arith.constant 80 : i32
      %mul3A_90 = arith.muli %add3A_88, %mul3A_89 : i32
      %add3A_91 = arith.constant 48 : i32
      %add3A_92 = arith.addi %mul3A_90, %add3A_91 : i32
      %dma_start3A_93 = arith.constant 0 : i32
      %dma_start3A_94 = arith.constant 0 : i32
      %dma_start3A_95 = tpu.memref_slice %arg9[%dma_start3A_93, %dma_start3A_94] : memref<80x128xf32, #tpu.memory_space<vmem>> -> memref<48x128xf32, #tpu.memory_space<vmem>>
      %dma_start3A_96 = tpu.memref_slice %arg7[%mul3A_90] : memref<10000xi32, #tpu.memory_space<vmem>> -> memref<48xi32, #tpu.memory_space<vmem>>
      %dma_start3A_97 = arith.constant 0 : i32
      %dma_start3A_98 = arith.constant 0 : i32
      %dma_start3A_99 = tpu.memref_slice %arg2[%dma_start3A_97, %dma_start3A_98] : memref<20000x128xf32, #tpu.memory_space<hbm>> -> memref<20000x128xf32, #tpu.memory_space<hbm>>
      tpu.enqueue_indirect_dma source(%dma_start3A_99 : memref<20000x128xf32, #tpu.memory_space<hbm>>) target(%dma_start3A_95 : memref<48x128xf32, #tpu.memory_space<vmem>>) offsets(%dma_start3A_96 : memref<48xi32, #tpu.memory_space<vmem>>) semaphore(%arg12 : memref<!tpu.dma_semaphore, #tpu.memory_space<semaphore_mem>>)
      %dma_start3A_100 = arith.constant 48 : i32
      %dma_start3A_101 = arith.constant 0 : i32
      %dma_start3A_102 = tpu.memref_slice %arg9[%dma_start3A_100, %dma_start3A_101] : memref<80x128xf32, #tpu.memory_space<vmem>> -> memref<32x128xf32, #tpu.memory_space<vmem>>
      %dma_start3A_103 = tpu.memref_slice %arg7[%add3A_92] : memref<10000xi32, #tpu.memory_space<vmem>> -> memref<32xi32, #tpu.memory_space<vmem>>
      %dma_start3A_104 = arith.constant 0 : i32
      %dma_start3A_105 = arith.constant 0 : i32
      %dma_start3A_106 = tpu.memref_slice %arg2[%dma_start3A_104, %dma_start3A_105] : memref<20000x128xf32, #tpu.memory_space<hbm>> -> memref<20000x128xf32, #tpu.memory_space<hbm>>
      tpu.enqueue_indirect_dma source(%dma_start3A_106 : memref<20000x128xf32, #tpu.memory_space<hbm>>) target(%dma_start3A_102 : memref<32x128xf32, #tpu.memory_space<vmem>>) offsets(%dma_start3A_103 : memref<32xi32, #tpu.memory_space<vmem>>) semaphore(%arg14 : memref<!tpu.dma_semaphore, #tpu.memory_space<semaphore_mem>>)
      %add3A_107 = arith.constant 1 : i32
      %add3A_108 = arith.addi %mul3A_48, %add3A_107 : i32
      %mul3A_109 = arith.constant 80 : i32
      %mul3A_110 = arith.muli %add3A_108, %mul3A_109 : i32
      %add3A_111 = arith.constant 48 : i32
      %add3A_112 = arith.addi %mul3A_110, %add3A_111 : i32
      %dma_wait3A_113 = arith.constant 0 : i32
      %dma_wait3A_114 = arith.constant 0 : i32
      %dma_wait3A_115 = tpu.memref_slice %arg10[%dma_wait3A_113, %dma_wait3A_114] : memref<80x128xf32, #tpu.memory_space<vmem>> -> memref<48x128xf32, #tpu.memory_space<vmem>>
      %dma_wait3A_116 = tpu.memref_slice %arg7[%mul3A_110] : memref<10000xi32, #tpu.memory_space<vmem>> -> memref<48xi32, #tpu.memory_space<vmem>>
      %dma_wait3A_117 = arith.constant 0 : i32
      %dma_wait3A_118 = arith.constant 0 : i32
      %dma_wait3A_119 = tpu.memref_slice %arg2[%dma_wait3A_117, %dma_wait3A_118] : memref<20000x128xf32, #tpu.memory_space<hbm>> -> memref<20000x128xf32, #tpu.memory_space<hbm>>
      tpu.wait_indirect_dma semaphore(%arg13 : memref<!tpu.dma_semaphore, #tpu.memory_space<semaphore_mem>>) src(%dma_wait3A_119 : memref<20000x128xf32, #tpu.memory_space<hbm>>) dst(%dma_wait3A_115 : memref<48x128xf32, #tpu.memory_space<vmem>>)
      %dma_wait3A_120 = arith.constant 48 : i32
      %dma_wait3A_121 = arith.constant 0 : i32
      %dma_wait3A_122 = tpu.memref_slice %arg10[%dma_wait3A_120, %dma_wait3A_121] : memref<80x128xf32, #tpu.memory_space<vmem>> -> memref<32x128xf32, #tpu.memory_space<vmem>>
      %dma_wait3A_123 = tpu.memref_slice %arg7[%add3A_112] : memref<10000xi32, #tpu.memory_space<vmem>> -> memref<32xi32, #tpu.memory_space<vmem>>
      %dma_wait3A_124 = arith.constant 0 : i32
      %dma_wait3A_125 = arith.constant 0 : i32
      %dma_wait3A_126 = tpu.memref_slice %arg2[%dma_wait3A_124, %dma_wait3A_125] : memref<20000x128xf32, #tpu.memory_space<hbm>> -> memref<20000x128xf32, #tpu.memory_space<hbm>>
      tpu.wait_indirect_dma semaphore(%arg15 : memref<!tpu.dma_semaphore, #tpu.memory_space<semaphore_mem>>) src(%dma_wait3A_126 : memref<20000x128xf32, #tpu.memory_space<hbm>>) dst(%dma_wait3A_122 : memref<32x128xf32, #tpu.memory_space<vmem>>)
      %add3A_127 = arith.constant 1 : i32
      %add3A_128 = arith.addi %mul3A_48, %add3A_127 : i32
      "tpu.region"() ({
        %run_scoped3A_129 = tpu.sem_alloc : memref<!tpu.dma_semaphore, #tpu.memory_space<semaphore_mem>>
        %dma_start3A_130 = arith.constant 0 : i32
        %dma_start3A_131 = tpu.memref_slice %arg8[%add3A_128, %dma_start3A_130] : memref<125x80xi32, #tpu.memory_space<vmem>> -> memref<1x80xi32, #tpu.memory_space<vmem>>
        %dma_start3A_132 = tpu.memref_squeeze %dma_start3A_131 : memref<1x80xi32, #tpu.memory_space<vmem>> -> memref<80xi32, #tpu.memory_space<vmem>>
        %dma_start3A_133 = arith.constant 0 : i32
        %dma_start3A_134 = arith.constant 0 : i32
        %dma_start3A_135 = tpu.memref_slice %arg11[%dma_start3A_133, %dma_start3A_134] : memref<10000x128xf32, #tpu.memory_space<vmem_shared>> -> memref<10000x128xf32, #tpu.memory_space<vmem_shared>>
        tpu.enqueue_indirect_dma source(%arg10 : memref<80x128xf32, #tpu.memory_space<vmem>>) target(%dma_start3A_135 : memref<10000x128xf32, #tpu.memory_space<vmem_shared>>) offsets(%dma_start3A_132 : memref<80xi32, #tpu.memory_space<vmem>>) semaphore(%run_scoped3A_129 : memref<!tpu.dma_semaphore, #tpu.memory_space<semaphore_mem>>) {add = true}
        %dma_wait3A_136 = arith.constant 0 : i32
        %dma_wait3A_137 = tpu.memref_slice %arg8[%add3A_128, %dma_wait3A_136] : memref<125x80xi32, #tpu.memory_space<vmem>> -> memref<1x80xi32, #tpu.memory_space<vmem>>
        %dma_wait3A_138 = tpu.memref_squeeze %dma_wait3A_137 : memref<1x80xi32, #tpu.memory_space<vmem>> -> memref<80xi32, #tpu.memory_space<vmem>>
        %dma_wait3A_139 = arith.constant 0 : i32
        %dma_wait3A_140 = arith.constant 0 : i32
        %dma_wait3A_141 = tpu.memref_slice %arg11[%dma_wait3A_139, %dma_wait3A_140] : memref<10000x128xf32, #tpu.memory_space<vmem_shared>> -> memref<10000x128xf32, #tpu.memory_space<vmem_shared>>
        tpu.wait_indirect_dma semaphore(%run_scoped3A_129 : memref<!tpu.dma_semaphore, #tpu.memory_space<semaphore_mem>>) src(%arg10 : memref<80x128xf32, #tpu.memory_space<vmem>>) dst(%dma_wait3A_141 : memref<10000x128xf32, #tpu.memory_space<vmem_shared>>)
        tpu.yield
      }) : () -> ()
    }
    %scan3A_24 = arith.constant 62 : i32
    %dma_wait3A = arith.constant 0 : i32
    %dma_wait3A_25 = arith.constant 0 : i32
    %dma_wait3A_26 = tpu.memref_slice %arg9[%dma_wait3A, %dma_wait3A_25] : memref<80x128xf32, #tpu.memory_space<vmem>> -> memref<48x128xf32, #tpu.memory_space<vmem>>
    %dma_wait3A_27 = arith.constant 9920 : i32
    %dma_wait3A_28 = tpu.memref_slice %arg7[%dma_wait3A_27] : memref<10000xi32, #tpu.memory_space<vmem>> -> memref<48xi32, #tpu.memory_space<vmem>>
    %dma_wait3A_29 = arith.constant 0 : i32
    %dma_wait3A_30 = arith.constant 0 : i32
    %dma_wait3A_31 = tpu.memref_slice %arg2[%dma_wait3A_29, %dma_wait3A_30] : memref<20000x128xf32, #tpu.memory_space<hbm>> -> memref<20000x128xf32, #tpu.memory_space<hbm>>
    tpu.wait_indirect_dma semaphore(%arg12 : memref<!tpu.dma_semaphore, #tpu.memory_space<semaphore_mem>>) src(%dma_wait3A_31 : memref<20000x128xf32, #tpu.memory_space<hbm>>) dst(%dma_wait3A_26 : memref<48x128xf32, #tpu.memory_space<vmem>>)
    %dma_wait3A_32 = arith.constant 48 : i32
    %dma_wait3A_33 = arith.constant 0 : i32
    %dma_wait3A_34 = tpu.memref_slice %arg9[%dma_wait3A_32, %dma_wait3A_33] : memref<80x128xf32, #tpu.memory_space<vmem>> -> memref<32x128xf32, #tpu.memory_space<vmem>>
    %dma_wait3A_35 = arith.constant 9968 : i32
    %dma_wait3A_36 = tpu.memref_slice %arg7[%dma_wait3A_35] : memref<10000xi32, #tpu.memory_space<vmem>> -> memref<32xi32, #tpu.memory_space<vmem>>
    %dma_wait3A_37 = arith.constant 0 : i32
    %dma_wait3A_38 = arith.constant 0 : i32
    %dma_wait3A_39 = tpu.memref_slice %arg2[%dma_wait3A_37, %dma_wait3A_38] : memref<20000x128xf32, #tpu.memory_space<hbm>> -> memref<20000x128xf32, #tpu.memory_space<hbm>>
    tpu.wait_indirect_dma semaphore(%arg14 : memref<!tpu.dma_semaphore, #tpu.memory_space<semaphore_mem>>) src(%dma_wait3A_39 : memref<20000x128xf32, #tpu.memory_space<hbm>>) dst(%dma_wait3A_34 : memref<32x128xf32, #tpu.memory_space<vmem>>)
    %run_scoped3A = arith.constant 124 : i32
    "tpu.region"() ({
      %run_scoped3A_46 = tpu.sem_alloc : memref<!tpu.dma_semaphore, #tpu.memory_space<semaphore_mem>>
      %dma_start3A_47 = arith.constant 0 : i32
      %dma_start3A_48 = tpu.memref_slice %arg8[%run_scoped3A, %dma_start3A_47] : memref<125x80xi32, #tpu.memory_space<vmem>> -> memref<1x80xi32, #tpu.memory_space<vmem>>
      %dma_start3A_49 = tpu.memref_squeeze %dma_start3A_48 : memref<1x80xi32, #tpu.memory_space<vmem>> -> memref<80xi32, #tpu.memory_space<vmem>>
      %dma_start3A_50 = arith.constant 0 : i32
      %dma_start3A_51 = arith.constant 0 : i32
      %dma_start3A_52 = tpu.memref_slice %arg11[%dma_start3A_50, %dma_start3A_51] : memref<10000x128xf32, #tpu.memory_space<vmem_shared>> -> memref<10000x128xf32, #tpu.memory_space<vmem_shared>>
      tpu.enqueue_indirect_dma source(%arg9 : memref<80x128xf32, #tpu.memory_space<vmem>>) target(%dma_start3A_52 : memref<10000x128xf32, #tpu.memory_space<vmem_shared>>) offsets(%dma_start3A_49 : memref<80xi32, #tpu.memory_space<vmem>>) semaphore(%run_scoped3A_46 : memref<!tpu.dma_semaphore, #tpu.memory_space<semaphore_mem>>) {add = true}
      %dma_wait3A_53 = arith.constant 0 : i32
      %dma_wait3A_54 = tpu.memref_slice %arg8[%run_scoped3A, %dma_wait3A_53] : memref<125x80xi32, #tpu.memory_space<vmem>> -> memref<1x80xi32, #tpu.memory_space<vmem>>
      %dma_wait3A_55 = tpu.memref_squeeze %dma_wait3A_54 : memref<1x80xi32, #tpu.memory_space<vmem>> -> memref<80xi32, #tpu.memory_space<vmem>>
      %dma_wait3A_56 = arith.constant 0 : i32
      %dma_wait3A_57 = arith.constant 0 : i32
      %dma_wait3A_58 = tpu.memref_slice %arg11[%dma_wait3A_56, %dma_wait3A_57] : memref<10000x128xf32, #tpu.memory_space<vmem_shared>> -> memref<10000x128xf32, #tpu.memory_space<vmem_shared>>
      tpu.wait_indirect_dma semaphore(%run_scoped3A_46 : memref<!tpu.dma_semaphore, #tpu.memory_space<semaphore_mem>>) src(%arg9 : memref<80x128xf32, #tpu.memory_space<vmem>>) dst(%dma_wait3A_58 : memref<10000x128xf32, #tpu.memory_space<vmem_shared>>)
      tpu.yield
    }) : () -> ()
    %barrier3A_40 = arith.constant 0 : index
    tpu.barrier barrier_id(%barrier3A_40)
    %lt3A_41 = arith.constant 10 : i32
    %lt3A_42 = arith.cmpi slt, %arg1, %lt3A_41 : i32
    %convert_element_type3A_43 = arith.extui %lt3A_42 : i1 to i32
    %cond3A_44 = arith.constant 0 : i32
    %cond3A_45 = arith.cmpi ne, %convert_element_type3A_43, %cond3A_44 : i32
    scf.if %cond3A_45 {
      %mul3A_46 = arith.constant 1000 : i32
      %mul3A_47 = arith.muli %arg1, %mul3A_46 : i32
      %mul3A_48 = arith.constant 1000 : i32
      %mul3A_49 = arith.muli %arg1, %mul3A_48 : i32
      "tpu.region"() ({
        %run_scoped3A_50 = tpu.sem_alloc : memref<!tpu.dma_semaphore, #tpu.memory_space<semaphore_mem>>
        %dma_start3A_51 = arith.constant 0 : i32
        %dma_start3A_52 = tpu.memref_slice %arg6[%arg0, %mul3A_49, %dma_start3A_51] : memref<2x10000x128xf32, #tpu.memory_space<hbm>> -> memref<1x1000x128xf32, #tpu.memory_space<hbm>>
        %dma_start3A_53 = tpu.memref_squeeze %dma_start3A_52 : memref<1x1000x128xf32, #tpu.memory_space<hbm>> -> memref<1000x128xf32, #tpu.memory_space<hbm>>
        %dma_start3A_54 = arith.constant 0 : i32
        %dma_start3A_55 = tpu.memref_slice %arg11[%mul3A_47, %dma_start3A_54] : memref<10000x128xf32, #tpu.memory_space<vmem_shared>> -> memref<1000x128xf32, #tpu.memory_space<vmem_shared>>
        tpu.enqueue_dma source(%dma_start3A_55 : memref<1000x128xf32, #tpu.memory_space<vmem_shared>>) target(%dma_start3A_53 : memref<1000x128xf32, #tpu.memory_space<hbm>>) target_semaphore(%run_scoped3A_50 : memref<!tpu.dma_semaphore, #tpu.memory_space<semaphore_mem>>)
        %dma_wait3A_56 = arith.constant 0 : i32
        %dma_wait3A_57 = tpu.memref_slice %arg6[%arg0, %mul3A_49, %dma_wait3A_56] : memref<2x10000x128xf32, #tpu.memory_space<hbm>> -> memref<1x1000x128xf32, #tpu.memory_space<hbm>>
        %dma_wait3A_58 = tpu.memref_squeeze %dma_wait3A_57 : memref<1x1000x128xf32, #tpu.memory_space<hbm>> -> memref<1000x128xf32, #tpu.memory_space<hbm>>
        %dma_wait3A_59 = arith.constant 0 : i32
        %dma_wait3A_60 = tpu.memref_slice %arg11[%mul3A_47, %dma_wait3A_59] : memref<10000x128xf32, #tpu.memory_space<vmem_shared>> -> memref<1000x128xf32, #tpu.memory_space<vmem_shared>>
        tpu.wait_dma2 semaphore(%run_scoped3A_50 : memref<!tpu.dma_semaphore, #tpu.memory_space<semaphore_mem>>) src(%dma_wait3A_60 : memref<1000x128xf32, #tpu.memory_space<vmem_shared>>) dst(%dma_wait3A_58 : memref<1000x128xf32, #tpu.memory_space<hbm>>)
        tpu.yield
      }) : () -> ()
    } else {
    }
    return
  }
}

#map = affine_map<(d0, d1) -> (0, 0)>
#map1 = affine_map<(d0, d1) -> (0)>
#map2 = affine_map<(d0, d1) -> (0, 0, 0)>
module attributes {stable_mosaic.version = 14 : i64} {
  func.func @sc_msgpass(%arg0: i32, %arg1: i32, %arg2: memref<20000x128xf32, #tpu.memory_space<hbm>>, %arg3: memref<320000xi32, #tpu.memory_space<hbm>>, %arg4: memref<16x125x80xi32, #tpu.memory_space<hbm>>, %arg5: memref<1000x128xf32, #tpu.memory_space<hbm>>, %arg6: memref<2x10000x128xf32, #tpu.memory_space<hbm>>, %arg7: memref<10000xi32, #tpu.memory_space<vmem>>, %arg8: memref<125x80xi32, #tpu.memory_space<vmem>>, %arg9: memref<80x128xf32, #tpu.memory_space<vmem>>, %arg10: memref<80x128xf32, #tpu.memory_space<vmem>>, %arg11: memref<10000x128xf32, #tpu.memory_space<vmem_shared>>, %arg12: memref<!tpu.dma_semaphore, #tpu.memory_space<semaphore_mem>>, %arg13: memref<!tpu.dma_semaphore, #tpu.memory_space<semaphore_mem>>, %arg14: memref<!tpu.dma_semaphore, #tpu.memory_space<semaphore_mem>>, %arg15: memref<!tpu.dma_semaphore, #tpu.memory_space<semaphore_mem>>) attributes {dimension_semantics = [#tpu.dimension_semantics<core_parallel>, #tpu.dimension_semantics<subcore_parallel>], iteration_bounds = array<i64: 2, 16>, scalar_prefetch = 0 : i64, scratch_operands = 9 : i64, tpu.core_type = #tpu.core_type<sc_vector_subcore>, window_params = [{transform_indices = #map}, {transform_indices = #map1}, {transform_indices = #map2}, {transform_indices = #map}, {transform_indices = #map2}]} {
    %lt3A = arith.constant 10 : i32
    %lt3A_0 = arith.cmpi slt, %arg1, %lt3A : i32
    %convert_element_type3A = arith.extui %lt3A_0 : i1 to i32
    %cond3A = arith.constant 0 : i32
    %cond3A_1 = arith.cmpi ne, %convert_element_type3A, %cond3A : i32
    scf.if %cond3A_1 {
      %mul3A_46 = arith.constant 1000 : i32
      %mul3A_47 = arith.muli %arg1, %mul3A_46 : i32
      "tpu.region"() ({
        %run_scoped3A_48 = tpu.sem_alloc : memref<!tpu.dma_semaphore, #tpu.memory_space<semaphore_mem>>
        %dma_start3A_49 = arith.constant 0 : i32
        %dma_start3A_50 = tpu.memref_slice %arg11[%mul3A_47, %dma_start3A_49] : memref<10000x128xf32, #tpu.memory_space<vmem_shared>> -> memref<1000x128xf32, #tpu.memory_space<vmem_shared>>
        tpu.enqueue_dma source(%arg5 : memref<1000x128xf32, #tpu.memory_space<hbm>>) target(%dma_start3A_50 : memref<1000x128xf32, #tpu.memory_space<vmem_shared>>) target_semaphore(%run_scoped3A_48 : memref<!tpu.dma_semaphore, #tpu.memory_space<semaphore_mem>>)
        %dma_wait3A_51 = arith.constant 0 : i32
        %dma_wait3A_52 = tpu.memref_slice %arg11[%mul3A_47, %dma_wait3A_51] : memref<10000x128xf32, #tpu.memory_space<vmem_shared>> -> memref<1000x128xf32, #tpu.memory_space<vmem_shared>>
        tpu.wait_dma2 semaphore(%run_scoped3A_48 : memref<!tpu.dma_semaphore, #tpu.memory_space<semaphore_mem>>) src(%arg5 : memref<1000x128xf32, #tpu.memory_space<hbm>>) dst(%dma_wait3A_52 : memref<1000x128xf32, #tpu.memory_space<vmem_shared>>)
        tpu.yield
      }) : () -> ()
    } else {
    }
    %mul3A = arith.constant 160000 : i32
    %mul3A_2 = arith.muli %arg0, %mul3A : i32
    %mul3A_3 = arith.constant 10000 : i32
    %mul3A_4 = arith.muli %arg1, %mul3A_3 : i32
    %add3A = arith.addi %mul3A_2, %mul3A_4 : i32
    "tpu.region"() ({
      %run_scoped3A_46 = tpu.sem_alloc : memref<!tpu.dma_semaphore, #tpu.memory_space<semaphore_mem>>
      %dma_start3A_47 = tpu.memref_slice %arg3[%add3A] : memref<320000xi32, #tpu.memory_space<hbm>> -> memref<10000xi32, #tpu.memory_space<hbm>>
      %dma_start3A_48 = tpu.memref_slice %arg3[%add3A] : memref<320000xi32, #tpu.memory_space<hbm>> -> memref<10000xi32, #tpu.memory_space<hbm>>
      tpu.enqueue_dma source(%dma_start3A_48 : memref<10000xi32, #tpu.memory_space<hbm>>) target(%arg7 : memref<10000xi32, #tpu.memory_space<vmem>>) target_semaphore(%run_scoped3A_46 : memref<!tpu.dma_semaphore, #tpu.memory_space<semaphore_mem>>)
      %dma_wait3A_49 = tpu.memref_slice %arg3[%add3A] : memref<320000xi32, #tpu.memory_space<hbm>> -> memref<10000xi32, #tpu.memory_space<hbm>>
      %dma_wait3A_50 = tpu.memref_slice %arg3[%add3A] : memref<320000xi32, #tpu.memory_space<hbm>> -> memref<10000xi32, #tpu.memory_space<hbm>>
      tpu.wait_dma2 semaphore(%run_scoped3A_46 : memref<!tpu.dma_semaphore, #tpu.memory_space<semaphore_mem>>) src(%dma_wait3A_50 : memref<10000xi32, #tpu.memory_space<hbm>>) dst(%arg7 : memref<10000xi32, #tpu.memory_space<vmem>>)
      tpu.yield
    }) : () -> ()
    "tpu.region"() ({
      %run_scoped3A_46 = tpu.sem_alloc : memref<!tpu.dma_semaphore, #tpu.memory_space<semaphore_mem>>
      %dma_start3A_47 = arith.constant 0 : i32
      %dma_start3A_48 = arith.constant 0 : i32
      %dma_start3A_49 = tpu.memref_slice %arg4[%arg1, %dma_start3A_47, %dma_start3A_48] : memref<16x125x80xi32, #tpu.memory_space<hbm>> -> memref<1x125x80xi32, #tpu.memory_space<hbm>>
      %dma_start3A_50 = tpu.memref_squeeze %dma_start3A_49 : memref<1x125x80xi32, #tpu.memory_space<hbm>> -> memref<125x80xi32, #tpu.memory_space<hbm>>
      %dma_start3A_51 = arith.constant 0 : i32
      %dma_start3A_52 = arith.constant 0 : i32
      %dma_start3A_53 = tpu.memref_slice %arg4[%arg1, %dma_start3A_51, %dma_start3A_52] : memref<16x125x80xi32, #tpu.memory_space<hbm>> -> memref<1x125x80xi32, #tpu.memory_space<hbm>>
      %dma_start3A_54 = tpu.memref_squeeze %dma_start3A_53 : memref<1x125x80xi32, #tpu.memory_space<hbm>> -> memref<125x80xi32, #tpu.memory_space<hbm>>
      tpu.enqueue_dma source(%dma_start3A_54 : memref<125x80xi32, #tpu.memory_space<hbm>>) target(%arg8 : memref<125x80xi32, #tpu.memory_space<vmem>>) target_semaphore(%run_scoped3A_46 : memref<!tpu.dma_semaphore, #tpu.memory_space<semaphore_mem>>)
      %dma_wait3A_55 = arith.constant 0 : i32
      %dma_wait3A_56 = arith.constant 0 : i32
      %dma_wait3A_57 = tpu.memref_slice %arg4[%arg1, %dma_wait3A_55, %dma_wait3A_56] : memref<16x125x80xi32, #tpu.memory_space<hbm>> -> memref<1x125x80xi32, #tpu.memory_space<hbm>>
      %dma_wait3A_58 = tpu.memref_squeeze %dma_wait3A_57 : memref<1x125x80xi32, #tpu.memory_space<hbm>> -> memref<125x80xi32, #tpu.memory_space<hbm>>
      %dma_wait3A_59 = arith.constant 0 : i32
      %dma_wait3A_60 = arith.constant 0 : i32
      %dma_wait3A_61 = tpu.memref_slice %arg4[%arg1, %dma_wait3A_59, %dma_wait3A_60] : memref<16x125x80xi32, #tpu.memory_space<hbm>> -> memref<1x125x80xi32, #tpu.memory_space<hbm>>
      %dma_wait3A_62 = tpu.memref_squeeze %dma_wait3A_61 : memref<1x125x80xi32, #tpu.memory_space<hbm>> -> memref<125x80xi32, #tpu.memory_space<hbm>>
      tpu.wait_dma2 semaphore(%run_scoped3A_46 : memref<!tpu.dma_semaphore, #tpu.memory_space<semaphore_mem>>) src(%dma_wait3A_62 : memref<125x80xi32, #tpu.memory_space<hbm>>) dst(%arg8 : memref<125x80xi32, #tpu.memory_space<vmem>>)
      tpu.yield
    }) : () -> ()
    %barrier3A = arith.constant 0 : index
    tpu.barrier barrier_id(%barrier3A)
    %dma_start3A = arith.constant 0 : i32
    %dma_start3A_5 = arith.constant 0 : i32
    %dma_start3A_6 = tpu.memref_slice %arg9[%dma_start3A, %dma_start3A_5] : memref<80x128xf32, #tpu.memory_space<vmem>> -> memref<48x128xf32, #tpu.memory_space<vmem>>
    %dma_start3A_7 = arith.constant 0 : i32
    %dma_start3A_8 = tpu.memref_slice %arg7[%dma_start3A_7] : memref<10000xi32, #tpu.memory_space<vmem>> -> memref<48xi32, #tpu.memory_space<vmem>>
    %dma_start3A_9 = arith.constant 0 : i32
    %dma_start3A_10 = arith.constant 0 : i32
    %dma_start3A_11 = tpu.memref_slice %arg2[%dma_start3A_9, %dma_start3A_10] : memref<20000x128xf32, #tpu.memory_space<hbm>> -> memref<20000x128xf32, #tpu.memory_space<hbm>>
    tpu.enqueue_indirect_dma source(%dma_start3A_11 : memref<20000x128xf32, #tpu.memory_space<hbm>>) target(%dma_start3A_6 : memref<48x128xf32, #tpu.memory_space<vmem>>) offsets(%dma_start3A_8 : memref<48xi32, #tpu.memory_space<vmem>>) semaphore(%arg12 : memref<!tpu.dma_semaphore, #tpu.memory_space<semaphore_mem>>)
    %dma_start3A_12 = arith.constant 48 : i32
    %dma_start3A_13 = arith.constant 0 : i32
    %dma_start3A_14 = tpu.memref_slice %arg9[%dma_start3A_12, %dma_start3A_13] : memref<80x128xf32, #tpu.memory_space<vmem>> -> memref<32x128xf32, #tpu.memory_space<vmem>>
    %dma_start3A_15 = arith.constant 48 : i32
    %dma_start3A_16 = tpu.memref_slice %arg7[%dma_start3A_15] : memref<10000xi32, #tpu.memory_space<vmem>> -> memref<32xi32, #tpu.memory_space<vmem>>
    %dma_start3A_17 = arith.constant 0 : i32
    %dma_start3A_18 = arith.constant 0 : i32
    %dma_start3A_19 = tpu.memref_slice %arg2[%dma_start3A_17, %dma_start3A_18] : memref<20000x128xf32, #tpu.memory_space<hbm>> -> memref<20000x128xf32, #tpu.memory_space<hbm>>
    tpu.enqueue_indirect_dma source(%dma_start3A_19 : memref<20000x128xf32, #tpu.memory_space<hbm>>) target(%dma_start3A_14 : memref<32x128xf32, #tpu.memory_space<vmem>>) offsets(%dma_start3A_16 : memref<32xi32, #tpu.memory_space<vmem>>) semaphore(%arg14 : memref<!tpu.dma_semaphore, #tpu.memory_space<semaphore_mem>>)
    %scan3A = arith.constant 0 : i32
    %scan3A_20 = arith.constant 0 : i32
    %scan3A_21 = arith.constant 62 : i32
    %scan3A_22 = arith.addi %scan3A_20, %scan3A_21 : i32
    %scan3A_23 = arith.constant 1 : i32
    scf.for %scan3A_46 = %scan3A_20 to %scan3A_22 step %scan3A_23  : i32 {
      %mul3A_47 = arith.constant 2 : i32
      %mul3A_48 = arith.muli %mul3A_47, %scan3A_46 : i32
      %add3A_49 = arith.constant 1 : i32
      %add3A_50 = arith.addi %mul3A_48, %add3A_49 : i32
      %mul3A_51 = arith.constant 80 : i32
      %mul3A_52 = arith.muli %add3A_50, %mul3A_51 : i32
      %add3A_53 = arith.constant 48 : i32
      %add3A_54 = arith.addi %mul3A_52, %add3A_53 : i32
      %dma_start3A_55 = arith.constant 0 : i32
      %dma_start3A_56 = arith.constant 0 : i32
      %dma_start3A_57 = tpu.memref_slice %arg10[%dma_start3A_55, %dma_start3A_56] : memref<80x128xf32, #tpu.memory_space<vmem>> -> memref<48x128xf32, #tpu.memory_space<vmem>>
      %dma_start3A_58 = tpu.memref_slice %arg7[%mul3A_52] : memref<10000xi32, #tpu.memory_space<vmem>> -> memref<48xi32, #tpu.memory_space<vmem>>
      %dma_start3A_59 = arith.constant 0 : i32
      %dma_start3A_60 = arith.constant 0 : i32
      %dma_start3A_61 = tpu.memref_slice %arg2[%dma_start3A_59, %dma_start3A_60] : memref<20000x128xf32, #tpu.memory_space<hbm>> -> memref<20000x128xf32, #tpu.memory_space<hbm>>
      tpu.enqueue_indirect_dma source(%dma_start3A_61 : memref<20000x128xf32, #tpu.memory_space<hbm>>) target(%dma_start3A_57 : memref<48x128xf32, #tpu.memory_space<vmem>>) offsets(%dma_start3A_58 : memref<48xi32, #tpu.memory_space<vmem>>) semaphore(%arg13 : memref<!tpu.dma_semaphore, #tpu.memory_space<semaphore_mem>>)
      %dma_start3A_62 = arith.constant 48 : i32
      %dma_start3A_63 = arith.constant 0 : i32
      %dma_start3A_64 = tpu.memref_slice %arg10[%dma_start3A_62, %dma_start3A_63] : memref<80x128xf32, #tpu.memory_space<vmem>> -> memref<32x128xf32, #tpu.memory_space<vmem>>
      %dma_start3A_65 = tpu.memref_slice %arg7[%add3A_54] : memref<10000xi32, #tpu.memory_space<vmem>> -> memref<32xi32, #tpu.memory_space<vmem>>
      %dma_start3A_66 = arith.constant 0 : i32
      %dma_start3A_67 = arith.constant 0 : i32
      %dma_start3A_68 = tpu.memref_slice %arg2[%dma_start3A_66, %dma_start3A_67] : memref<20000x128xf32, #tpu.memory_space<hbm>> -> memref<20000x128xf32, #tpu.memory_space<hbm>>
      tpu.enqueue_indirect_dma source(%dma_start3A_68 : memref<20000x128xf32, #tpu.memory_space<hbm>>) target(%dma_start3A_64 : memref<32x128xf32, #tpu.memory_space<vmem>>) offsets(%dma_start3A_65 : memref<32xi32, #tpu.memory_space<vmem>>) semaphore(%arg15 : memref<!tpu.dma_semaphore, #tpu.memory_space<semaphore_mem>>)
      %mul3A_69 = arith.constant 80 : i32
      %mul3A_70 = arith.muli %mul3A_48, %mul3A_69 : i32
      %add3A_71 = arith.constant 48 : i32
      %add3A_72 = arith.addi %mul3A_70, %add3A_71 : i32
      %dma_wait3A_73 = arith.constant 0 : i32
      %dma_wait3A_74 = arith.constant 0 : i32
      %dma_wait3A_75 = tpu.memref_slice %arg9[%dma_wait3A_73, %dma_wait3A_74] : memref<80x128xf32, #tpu.memory_space<vmem>> -> memref<48x128xf32, #tpu.memory_space<vmem>>
      %dma_wait3A_76 = tpu.memref_slice %arg7[%mul3A_70] : memref<10000xi32, #tpu.memory_space<vmem>> -> memref<48xi32, #tpu.memory_space<vmem>>
      %dma_wait3A_77 = arith.constant 0 : i32
      %dma_wait3A_78 = arith.constant 0 : i32
      %dma_wait3A_79 = tpu.memref_slice %arg2[%dma_wait3A_77, %dma_wait3A_78] : memref<20000x128xf32, #tpu.memory_space<hbm>> -> memref<20000x128xf32, #tpu.memory_space<hbm>>
      tpu.wait_indirect_dma semaphore(%arg12 : memref<!tpu.dma_semaphore, #tpu.memory_space<semaphore_mem>>) src(%dma_wait3A_79 : memref<20000x128xf32, #tpu.memory_space<hbm>>) dst(%dma_wait3A_75 : memref<48x128xf32, #tpu.memory_space<vmem>>)
      %dma_wait3A_80 = arith.constant 48 : i32
      %dma_wait3A_81 = arith.constant 0 : i32
      %dma_wait3A_82 = tpu.memref_slice %arg9[%dma_wait3A_80, %dma_wait3A_81] : memref<80x128xf32, #tpu.memory_space<vmem>> -> memref<32x128xf32, #tpu.memory_space<vmem>>
      %dma_wait3A_83 = tpu.memref_slice %arg7[%add3A_72] : memref<10000xi32, #tpu.memory_space<vmem>> -> memref<32xi32, #tpu.memory_space<vmem>>
      %dma_wait3A_84 = arith.constant 0 : i32
      %dma_wait3A_85 = arith.constant 0 : i32
      %dma_wait3A_86 = tpu.memref_slice %arg2[%dma_wait3A_84, %dma_wait3A_85] : memref<20000x128xf32, #tpu.memory_space<hbm>> -> memref<20000x128xf32, #tpu.memory_space<hbm>>
      tpu.wait_indirect_dma semaphore(%arg14 : memref<!tpu.dma_semaphore, #tpu.memory_space<semaphore_mem>>) src(%dma_wait3A_86 : memref<20000x128xf32, #tpu.memory_space<hbm>>) dst(%dma_wait3A_82 : memref<32x128xf32, #tpu.memory_space<vmem>>)
      "tpu.region"() ({
        %run_scoped3A_129 = tpu.sem_alloc : memref<!tpu.dma_semaphore, #tpu.memory_space<semaphore_mem>>
        %dma_start3A_130 = arith.constant 0 : i32
        %dma_start3A_131 = tpu.memref_slice %arg8[%mul3A_48, %dma_start3A_130] : memref<125x80xi32, #tpu.memory_space<vmem>> -> memref<1x80xi32, #tpu.memory_space<vmem>>
        %dma_start3A_132 = tpu.memref_squeeze %dma_start3A_131 : memref<1x80xi32, #tpu.memory_space<vmem>> -> memref<80xi32, #tpu.memory_space<vmem>>
        %dma_start3A_133 = arith.constant 0 : i32
        %dma_start3A_134 = arith.constant 0 : i32
        %dma_start3A_135 = tpu.memref_slice %arg11[%dma_start3A_133, %dma_start3A_134] : memref<10000x128xf32, #tpu.memory_space<vmem_shared>> -> memref<10000x128xf32, #tpu.memory_space<vmem_shared>>
        tpu.enqueue_indirect_dma source(%arg9 : memref<80x128xf32, #tpu.memory_space<vmem>>) target(%dma_start3A_135 : memref<10000x128xf32, #tpu.memory_space<vmem_shared>>) offsets(%dma_start3A_132 : memref<80xi32, #tpu.memory_space<vmem>>) semaphore(%run_scoped3A_129 : memref<!tpu.dma_semaphore, #tpu.memory_space<semaphore_mem>>) {add = true}
        %dma_wait3A_136 = arith.constant 0 : i32
        %dma_wait3A_137 = tpu.memref_slice %arg8[%mul3A_48, %dma_wait3A_136] : memref<125x80xi32, #tpu.memory_space<vmem>> -> memref<1x80xi32, #tpu.memory_space<vmem>>
        %dma_wait3A_138 = tpu.memref_squeeze %dma_wait3A_137 : memref<1x80xi32, #tpu.memory_space<vmem>> -> memref<80xi32, #tpu.memory_space<vmem>>
        %dma_wait3A_139 = arith.constant 0 : i32
        %dma_wait3A_140 = arith.constant 0 : i32
        %dma_wait3A_141 = tpu.memref_slice %arg11[%dma_wait3A_139, %dma_wait3A_140] : memref<10000x128xf32, #tpu.memory_space<vmem_shared>> -> memref<10000x128xf32, #tpu.memory_space<vmem_shared>>
        tpu.wait_indirect_dma semaphore(%run_scoped3A_129 : memref<!tpu.dma_semaphore, #tpu.memory_space<semaphore_mem>>) src(%arg9 : memref<80x128xf32, #tpu.memory_space<vmem>>) dst(%dma_wait3A_141 : memref<10000x128xf32, #tpu.memory_space<vmem_shared>>)
        tpu.yield
      }) : () -> ()
      %add3A_87 = arith.constant 2 : i32
      %add3A_88 = arith.addi %mul3A_48, %add3A_87 : i32
      %mul3A_89 = arith.constant 80 : i32
      %mul3A_90 = arith.muli %add3A_88, %mul3A_89 : i32
      %add3A_91 = arith.constant 48 : i32
      %add3A_92 = arith.addi %mul3A_90, %add3A_91 : i32
      %dma_start3A_93 = arith.constant 0 : i32
      %dma_start3A_94 = arith.constant 0 : i32
      %dma_start3A_95 = tpu.memref_slice %arg9[%dma_start3A_93, %dma_start3A_94] : memref<80x128xf32, #tpu.memory_space<vmem>> -> memref<48x128xf32, #tpu.memory_space<vmem>>
      %dma_start3A_96 = tpu.memref_slice %arg7[%mul3A_90] : memref<10000xi32, #tpu.memory_space<vmem>> -> memref<48xi32, #tpu.memory_space<vmem>>
      %dma_start3A_97 = arith.constant 0 : i32
      %dma_start3A_98 = arith.constant 0 : i32
      %dma_start3A_99 = tpu.memref_slice %arg2[%dma_start3A_97, %dma_start3A_98] : memref<20000x128xf32, #tpu.memory_space<hbm>> -> memref<20000x128xf32, #tpu.memory_space<hbm>>
      tpu.enqueue_indirect_dma source(%dma_start3A_99 : memref<20000x128xf32, #tpu.memory_space<hbm>>) target(%dma_start3A_95 : memref<48x128xf32, #tpu.memory_space<vmem>>) offsets(%dma_start3A_96 : memref<48xi32, #tpu.memory_space<vmem>>) semaphore(%arg12 : memref<!tpu.dma_semaphore, #tpu.memory_space<semaphore_mem>>)
      %dma_start3A_100 = arith.constant 48 : i32
      %dma_start3A_101 = arith.constant 0 : i32
      %dma_start3A_102 = tpu.memref_slice %arg9[%dma_start3A_100, %dma_start3A_101] : memref<80x128xf32, #tpu.memory_space<vmem>> -> memref<32x128xf32, #tpu.memory_space<vmem>>
      %dma_start3A_103 = tpu.memref_slice %arg7[%add3A_92] : memref<10000xi32, #tpu.memory_space<vmem>> -> memref<32xi32, #tpu.memory_space<vmem>>
      %dma_start3A_104 = arith.constant 0 : i32
      %dma_start3A_105 = arith.constant 0 : i32
      %dma_start3A_106 = tpu.memref_slice %arg2[%dma_start3A_104, %dma_start3A_105] : memref<20000x128xf32, #tpu.memory_space<hbm>> -> memref<20000x128xf32, #tpu.memory_space<hbm>>
      tpu.enqueue_indirect_dma source(%dma_start3A_106 : memref<20000x128xf32, #tpu.memory_space<hbm>>) target(%dma_start3A_102 : memref<32x128xf32, #tpu.memory_space<vmem>>) offsets(%dma_start3A_103 : memref<32xi32, #tpu.memory_space<vmem>>) semaphore(%arg14 : memref<!tpu.dma_semaphore, #tpu.memory_space<semaphore_mem>>)
      %add3A_107 = arith.constant 1 : i32
      %add3A_108 = arith.addi %mul3A_48, %add3A_107 : i32
      %mul3A_109 = arith.constant 80 : i32
      %mul3A_110 = arith.muli %add3A_108, %mul3A_109 : i32
      %add3A_111 = arith.constant 48 : i32
      %add3A_112 = arith.addi %mul3A_110, %add3A_111 : i32
      %dma_wait3A_113 = arith.constant 0 : i32
      %dma_wait3A_114 = arith.constant 0 : i32
      %dma_wait3A_115 = tpu.memref_slice %arg10[%dma_wait3A_113, %dma_wait3A_114] : memref<80x128xf32, #tpu.memory_space<vmem>> -> memref<48x128xf32, #tpu.memory_space<vmem>>
      %dma_wait3A_116 = tpu.memref_slice %arg7[%mul3A_110] : memref<10000xi32, #tpu.memory_space<vmem>> -> memref<48xi32, #tpu.memory_space<vmem>>
      %dma_wait3A_117 = arith.constant 0 : i32
      %dma_wait3A_118 = arith.constant 0 : i32
      %dma_wait3A_119 = tpu.memref_slice %arg2[%dma_wait3A_117, %dma_wait3A_118] : memref<20000x128xf32, #tpu.memory_space<hbm>> -> memref<20000x128xf32, #tpu.memory_space<hbm>>
      tpu.wait_indirect_dma semaphore(%arg13 : memref<!tpu.dma_semaphore, #tpu.memory_space<semaphore_mem>>) src(%dma_wait3A_119 : memref<20000x128xf32, #tpu.memory_space<hbm>>) dst(%dma_wait3A_115 : memref<48x128xf32, #tpu.memory_space<vmem>>)
      %dma_wait3A_120 = arith.constant 48 : i32
      %dma_wait3A_121 = arith.constant 0 : i32
      %dma_wait3A_122 = tpu.memref_slice %arg10[%dma_wait3A_120, %dma_wait3A_121] : memref<80x128xf32, #tpu.memory_space<vmem>> -> memref<32x128xf32, #tpu.memory_space<vmem>>
      %dma_wait3A_123 = tpu.memref_slice %arg7[%add3A_112] : memref<10000xi32, #tpu.memory_space<vmem>> -> memref<32xi32, #tpu.memory_space<vmem>>
      %dma_wait3A_124 = arith.constant 0 : i32
      %dma_wait3A_125 = arith.constant 0 : i32
      %dma_wait3A_126 = tpu.memref_slice %arg2[%dma_wait3A_124, %dma_wait3A_125] : memref<20000x128xf32, #tpu.memory_space<hbm>> -> memref<20000x128xf32, #tpu.memory_space<hbm>>
      tpu.wait_indirect_dma semaphore(%arg15 : memref<!tpu.dma_semaphore, #tpu.memory_space<semaphore_mem>>) src(%dma_wait3A_126 : memref<20000x128xf32, #tpu.memory_space<hbm>>) dst(%dma_wait3A_122 : memref<32x128xf32, #tpu.memory_space<vmem>>)
      %add3A_127 = arith.constant 1 : i32
      %add3A_128 = arith.addi %mul3A_48, %add3A_127 : i32
      "tpu.region"() ({
        %run_scoped3A_129 = tpu.sem_alloc : memref<!tpu.dma_semaphore, #tpu.memory_space<semaphore_mem>>
        %dma_start3A_130 = arith.constant 0 : i32
        %dma_start3A_131 = tpu.memref_slice %arg8[%add3A_128, %dma_start3A_130] : memref<125x80xi32, #tpu.memory_space<vmem>> -> memref<1x80xi32, #tpu.memory_space<vmem>>
        %dma_start3A_132 = tpu.memref_squeeze %dma_start3A_131 : memref<1x80xi32, #tpu.memory_space<vmem>> -> memref<80xi32, #tpu.memory_space<vmem>>
        %dma_start3A_133 = arith.constant 0 : i32
        %dma_start3A_134 = arith.constant 0 : i32
        %dma_start3A_135 = tpu.memref_slice %arg11[%dma_start3A_133, %dma_start3A_134] : memref<10000x128xf32, #tpu.memory_space<vmem_shared>> -> memref<10000x128xf32, #tpu.memory_space<vmem_shared>>
        tpu.enqueue_indirect_dma source(%arg10 : memref<80x128xf32, #tpu.memory_space<vmem>>) target(%dma_start3A_135 : memref<10000x128xf32, #tpu.memory_space<vmem_shared>>) offsets(%dma_start3A_132 : memref<80xi32, #tpu.memory_space<vmem>>) semaphore(%run_scoped3A_129 : memref<!tpu.dma_semaphore, #tpu.memory_space<semaphore_mem>>) {add = true}
        %dma_wait3A_136 = arith.constant 0 : i32
        %dma_wait3A_137 = tpu.memref_slice %arg8[%add3A_128, %dma_wait3A_136] : memref<125x80xi32, #tpu.memory_space<vmem>> -> memref<1x80xi32, #tpu.memory_space<vmem>>
        %dma_wait3A_138 = tpu.memref_squeeze %dma_wait3A_137 : memref<1x80xi32, #tpu.memory_space<vmem>> -> memref<80xi32, #tpu.memory_space<vmem>>
        %dma_wait3A_139 = arith.constant 0 : i32
        %dma_wait3A_140 = arith.constant 0 : i32
        %dma_wait3A_141 = tpu.memref_slice %arg11[%dma_wait3A_139, %dma_wait3A_140] : memref<10000x128xf32, #tpu.memory_space<vmem_shared>> -> memref<10000x128xf32, #tpu.memory_space<vmem_shared>>
        tpu.wait_indirect_dma semaphore(%run_scoped3A_129 : memref<!tpu.dma_semaphore, #tpu.memory_space<semaphore_mem>>) src(%arg10 : memref<80x128xf32, #tpu.memory_space<vmem>>) dst(%dma_wait3A_141 : memref<10000x128xf32, #tpu.memory_space<vmem_shared>>)
        tpu.yield
      }) : () -> ()
    }
    %scan3A_24 = arith.constant 62 : i32
    %dma_wait3A = arith.constant 0 : i32
    %dma_wait3A_25 = arith.constant 0 : i32
    %dma_wait3A_26 = tpu.memref_slice %arg9[%dma_wait3A, %dma_wait3A_25] : memref<80x128xf32, #tpu.memory_space<vmem>> -> memref<48x128xf32, #tpu.memory_space<vmem>>
    %dma_wait3A_27 = arith.constant 9920 : i32
    %dma_wait3A_28 = tpu.memref_slice %arg7[%dma_wait3A_27] : memref<10000xi32, #tpu.memory_space<vmem>> -> memref<48xi32, #tpu.memory_space<vmem>>
    %dma_wait3A_29 = arith.constant 0 : i32
    %dma_wait3A_30 = arith.constant 0 : i32
    %dma_wait3A_31 = tpu.memref_slice %arg2[%dma_wait3A_29, %dma_wait3A_30] : memref<20000x128xf32, #tpu.memory_space<hbm>> -> memref<20000x128xf32, #tpu.memory_space<hbm>>
    tpu.wait_indirect_dma semaphore(%arg12 : memref<!tpu.dma_semaphore, #tpu.memory_space<semaphore_mem>>) src(%dma_wait3A_31 : memref<20000x128xf32, #tpu.memory_space<hbm>>) dst(%dma_wait3A_26 : memref<48x128xf32, #tpu.memory_space<vmem>>)
    %dma_wait3A_32 = arith.constant 48 : i32
    %dma_wait3A_33 = arith.constant 0 : i32
    %dma_wait3A_34 = tpu.memref_slice %arg9[%dma_wait3A_32, %dma_wait3A_33] : memref<80x128xf32, #tpu.memory_space<vmem>> -> memref<32x128xf32, #tpu.memory_space<vmem>>
    %dma_wait3A_35 = arith.constant 9968 : i32
    %dma_wait3A_36 = tpu.memref_slice %arg7[%dma_wait3A_35] : memref<10000xi32, #tpu.memory_space<vmem>> -> memref<32xi32, #tpu.memory_space<vmem>>
    %dma_wait3A_37 = arith.constant 0 : i32
    %dma_wait3A_38 = arith.constant 0 : i32
    %dma_wait3A_39 = tpu.memref_slice %arg2[%dma_wait3A_37, %dma_wait3A_38] : memref<20000x128xf32, #tpu.memory_space<hbm>> -> memref<20000x128xf32, #tpu.memory_space<hbm>>
    tpu.wait_indirect_dma semaphore(%arg14 : memref<!tpu.dma_semaphore, #tpu.memory_space<semaphore_mem>>) src(%dma_wait3A_39 : memref<20000x128xf32, #tpu.memory_space<hbm>>) dst(%dma_wait3A_34 : memref<32x128xf32, #tpu.memory_space<vmem>>)
    %run_scoped3A = arith.constant 124 : i32
    "tpu.region"() ({
      %run_scoped3A_46 = tpu.sem_alloc : memref<!tpu.dma_semaphore, #tpu.memory_space<semaphore_mem>>
      %dma_start3A_47 = arith.constant 0 : i32
      %dma_start3A_48 = tpu.memref_slice %arg8[%run_scoped3A, %dma_start3A_47] : memref<125x80xi32, #tpu.memory_space<vmem>> -> memref<1x80xi32, #tpu.memory_space<vmem>>
      %dma_start3A_49 = tpu.memref_squeeze %dma_start3A_48 : memref<1x80xi32, #tpu.memory_space<vmem>> -> memref<80xi32, #tpu.memory_space<vmem>>
      %dma_start3A_50 = arith.constant 0 : i32
      %dma_start3A_51 = arith.constant 0 : i32
      %dma_start3A_52 = tpu.memref_slice %arg11[%dma_start3A_50, %dma_start3A_51] : memref<10000x128xf32, #tpu.memory_space<vmem_shared>> -> memref<10000x128xf32, #tpu.memory_space<vmem_shared>>
      tpu.enqueue_indirect_dma source(%arg9 : memref<80x128xf32, #tpu.memory_space<vmem>>) target(%dma_start3A_52 : memref<10000x128xf32, #tpu.memory_space<vmem_shared>>) offsets(%dma_start3A_49 : memref<80xi32, #tpu.memory_space<vmem>>) semaphore(%run_scoped3A_46 : memref<!tpu.dma_semaphore, #tpu.memory_space<semaphore_mem>>) {add = true}
      %dma_wait3A_53 = arith.constant 0 : i32
      %dma_wait3A_54 = tpu.memref_slice %arg8[%run_scoped3A, %dma_wait3A_53] : memref<125x80xi32, #tpu.memory_space<vmem>> -> memref<1x80xi32, #tpu.memory_space<vmem>>
      %dma_wait3A_55 = tpu.memref_squeeze %dma_wait3A_54 : memref<1x80xi32, #tpu.memory_space<vmem>> -> memref<80xi32, #tpu.memory_space<vmem>>
      %dma_wait3A_56 = arith.constant 0 : i32
      %dma_wait3A_57 = arith.constant 0 : i32
      %dma_wait3A_58 = tpu.memref_slice %arg11[%dma_wait3A_56, %dma_wait3A_57] : memref<10000x128xf32, #tpu.memory_space<vmem_shared>> -> memref<10000x128xf32, #tpu.memory_space<vmem_shared>>
      tpu.wait_indirect_dma semaphore(%run_scoped3A_46 : memref<!tpu.dma_semaphore, #tpu.memory_space<semaphore_mem>>) src(%arg9 : memref<80x128xf32, #tpu.memory_space<vmem>>) dst(%dma_wait3A_58 : memref<10000x128xf32, #tpu.memory_space<vmem_shared>>)
      tpu.yield
    }) : () -> ()
    %barrier3A_40 = arith.constant 0 : index
    tpu.barrier barrier_id(%barrier3A_40)
    %lt3A_41 = arith.constant 10 : i32
    %lt3A_42 = arith.cmpi slt, %arg1, %lt3A_41 : i32
    %convert_element_type3A_43 = arith.extui %lt3A_42 : i1 to i32
    %cond3A_44 = arith.constant 0 : i32
    %cond3A_45 = arith.cmpi ne, %convert_element_type3A_43, %cond3A_44 : i32
    scf.if %cond3A_45 {
      %mul3A_46 = arith.constant 1000 : i32
      %mul3A_47 = arith.muli %arg1, %mul3A_46 : i32
      %mul3A_48 = arith.constant 1000 : i32
      %mul3A_49 = arith.muli %arg1, %mul3A_48 : i32
      "tpu.region"() ({
        %run_scoped3A_50 = tpu.sem_alloc : memref<!tpu.dma_semaphore, #tpu.memory_space<semaphore_mem>>
        %dma_start3A_51 = arith.constant 0 : i32
        %dma_start3A_52 = tpu.memref_slice %arg6[%arg0, %mul3A_49, %dma_start3A_51] : memref<2x10000x128xf32, #tpu.memory_space<hbm>> -> memref<1x1000x128xf32, #tpu.memory_space<hbm>>
        %dma_start3A_53 = tpu.memref_squeeze %dma_start3A_52 : memref<1x1000x128xf32, #tpu.memory_space<hbm>> -> memref<1000x128xf32, #tpu.memory_space<hbm>>
        %dma_start3A_54 = arith.constant 0 : i32
        %dma_start3A_55 = tpu.memref_slice %arg11[%mul3A_47, %dma_start3A_54] : memref<10000x128xf32, #tpu.memory_space<vmem_shared>> -> memref<1000x128xf32, #tpu.memory_space<vmem_shared>>
        tpu.enqueue_dma source(%dma_start3A_55 : memref<1000x128xf32, #tpu.memory_space<vmem_shared>>) target(%dma_start3A_53 : memref<1000x128xf32, #tpu.memory_space<hbm>>) target_semaphore(%run_scoped3A_50 : memref<!tpu.dma_semaphore, #tpu.memory_space<semaphore_mem>>)
        %dma_wait3A_56 = arith.constant 0 : i32
        %dma_wait3A_57 = tpu.memref_slice %arg6[%arg0, %mul3A_49, %dma_wait3A_56] : memref<2x10000x128xf32, #tpu.memory_space<hbm>> -> memref<1x1000x128xf32, #tpu.memory_space<hbm>>
        %dma_wait3A_58 = tpu.memref_squeeze %dma_wait3A_57 : memref<1x1000x128xf32, #tpu.memory_space<hbm>> -> memref<1000x128xf32, #tpu.memory_space<hbm>>
        %dma_wait3A_59 = arith.constant 0 : i32
        %dma_wait3A_60 = tpu.memref_slice %arg11[%mul3A_47, %dma_wait3A_59] : memref<10000x128xf32, #tpu.memory_space<vmem_shared>> -> memref<1000x128xf32, #tpu.memory_space<vmem_shared>>
        tpu.wait_dma2 semaphore(%run_scoped3A_50 : memref<!tpu.dma_semaphore, #tpu.memory_space<semaphore_mem>>) src(%dma_wait3A_60 : memref<1000x128xf32, #tpu.memory_space<vmem_shared>>) dst(%dma_wait3A_58 : memref<1000x128xf32, #tpu.memory_space<hbm>>)
        tpu.yield
      }) : () -> ()
    } else {
    }
    return
  }
}

module attributes {stable_mosaic.version = 14 : i64} {
  func.func @_mm_body(%arg0: i32, %arg1: memref<1000x256xf32, #tpu.memory_space<vmem>>, %arg2: memref<256x256xf32, #tpu.memory_space<vmem>>, %arg3: memref<1x256xf32, #tpu.memory_space<vmem>>, %arg4: memref<1000x256xf32, #tpu.memory_space<vmem>>) attributes {dimension_semantics = [#tpu.dimension_semantics<arbitrary>], iteration_bounds = array<i64: 10>, scalar_prefetch = 0 : i64, scratch_operands = 0 : i64, tpu.core_type = #tpu.core_type<tc>, window_params = [{transform_indices = @transform_0, window_bounds = array<i64: 1000, 256>}, {pipeline_mode = #tpu.pipeline_mode<synchronous>, transform_indices = @transform_1, window_bounds = array<i64: 256, 256>}, {pipeline_mode = #tpu.pipeline_mode<synchronous>, transform_indices = @transform_2, window_bounds = array<i64: 1, 256>}, {transform_indices = @transform_3, window_bounds = array<i64: 1000, 256>}]} {
    %get3A = arith.constant 0 : index
    %get3A_0 = arith.constant 0 : index
    %get3A_1 = vector.load %arg1[%get3A, %get3A_0] : memref<1000x256xf32, #tpu.memory_space<vmem>>, vector<1000x256xf32>
    %get3A_2 = arith.constant 0 : index
    %get3A_3 = arith.constant 0 : index
    %get3A_4 = vector.load %arg2[%get3A_2, %get3A_3] : memref<256x256xf32, #tpu.memory_space<vmem>>, vector<256x256xf32>
    %dot_general3A = arith.constant dense<0.000000e+00> : vector<1000x256xf32>
    %dot_general3A_5 = tpu.matmul %get3A_1, %get3A_4, %dot_general3A {dimension_numbers = #tpu.dot_dimension_numbers<[1], [0], [0], [1], [0, 0, 1, 1], [], []>, transpose_lhs_hint = false} : vector<1000x256xf32>, vector<256x256xf32>, vector<1000x256xf32> -> vector<1000x256xf32>
    %get3A_6 = arith.constant 0 : index
    %get3A_7 = arith.constant 0 : index
    %get3A_8 = vector.load %arg3[%get3A_6, %get3A_7] : memref<1x256xf32, #tpu.memory_space<vmem>>, vector<1x256xf32>
    %add3A = vector.broadcast %get3A_8 : vector<1x256xf32> to vector<1000x256xf32>
    %add3A_9 = arith.addf %dot_general3A_5, %add3A : vector<1000x256xf32>
    %max3A = arith.constant 0.000000e+00 : f32
    %max3A_10 = vector.broadcast %max3A : f32 to vector<1000x256xf32>
    %max3A_11 = arith.maximumf %add3A_9, %max3A_10 : vector<1000x256xf32>
    %swap3A = arith.constant 0 : index
    %swap3A_12 = arith.constant 0 : index
    %swap3A_13 = vector.load %arg4[%swap3A, %swap3A_12] : memref<1000x256xf32, #tpu.memory_space<vmem>>, vector<1000x256xf32>
    tpu.vector_store %arg4[%swap3A, %swap3A_12], %max3A_11 {strides = array<i32>} : memref<1000x256xf32, #tpu.memory_space<vmem>>, vector<1000x256xf32>,
    return
  }
  func.func @transform_0(%arg0: i32) -> (i32, i32) {
    %c0_i32 = arith.constant 0 : i32
    %c0_i32_0 = arith.constant 0 : i32
    return %arg0, %c0_i32 : i32, i32
  }
  func.func @transform_1(%arg0: i32) -> (i32, i32) {
    %c0_i32 = arith.constant 0 : i32
    %c0_i32_0 = arith.constant 0 : i32
    %c0_i32_1 = arith.constant 0 : i32
    return %c0_i32, %c0_i32_0 : i32, i32
  }
  func.func @transform_2(%arg0: i32) -> (i32, i32) {
    %c0_i32 = arith.constant 0 : i32
    %c0_i32_0 = arith.constant 0 : i32
    %c0_i32_1 = arith.constant 0 : i32
    return %c0_i32, %c0_i32_0 : i32, i32
  }
  func.func @transform_3(%arg0: i32) -> (i32, i32) {
    %c0_i32 = arith.constant 0 : i32
    %c0_i32_0 = arith.constant 0 : i32
    return %arg0, %c0_i32 : i32, i32
  }
}

module attributes {stable_mosaic.version = 14 : i64} {
  func.func @_g_body(%arg0: i32, %arg1: memref<1000x1xf32, #tpu.memory_space<vmem>>, %arg2: memref<1000x256xf32, #tpu.memory_space<vmem>>, %arg3: memref<2x1000x128xf32, #tpu.memory_space<vmem>>, %arg4: memref<1000x1xf32, #tpu.memory_space<vmem>>) attributes {dimension_semantics = [#tpu.dimension_semantics<arbitrary>], iteration_bounds = array<i64: 10>, scalar_prefetch = 0 : i64, scratch_operands = 0 : i64, tpu.core_type = #tpu.core_type<tc>, window_params = [{transform_indices = @transform_0, window_bounds = array<i64: 1000, 1>}, {transform_indices = @transform_1, window_bounds = array<i64: 1000, 256>}, {transform_indices = @transform_2, window_bounds = array<i64: 2, 1000, 128>}, {transform_indices = @transform_3, window_bounds = array<i64: 1000, 1>}]} {
    %get3A = arith.constant 0 : index
    %get3A_0 = arith.constant 0 : index
    %get3A_1 = vector.load %arg1[%get3A, %get3A_0] : memref<1000x1xf32, #tpu.memory_space<vmem>>, vector<1000x1xf32>
    %add3A = arith.constant 1.000000e+00 : f32
    %add3A_2 = vector.broadcast %add3A : f32 to vector<1000x1xf32>
    %add3A_3 = arith.addf %get3A_1, %add3A_2 : vector<1000x1xf32>
    %max3A = arith.constant 1.000000e+00 : f32
    %max3A_4 = vector.broadcast %max3A : f32 to vector<1000x1xf32>
    %max3A_5 = arith.maximumf %add3A_3, %max3A_4 : vector<1000x1xf32>
    %rsqrt3A = math.rsqrt %max3A_5 : vector<1000x1xf32>
    %get3A_6 = arith.constant 0 : index
    %get3A_7 = arith.constant 0 : index
    %get3A_8 = vector.load %arg2[%get3A_6, %get3A_7] : memref<1000x256xf32, #tpu.memory_space<vmem>>, vector<1000x256xf32>
    %mul3A = vector.broadcast %rsqrt3A : vector<1000x1xf32> to vector<1000x256xf32>
    %mul3A_9 = arith.mulf %get3A_8, %mul3A : vector<1000x256xf32>
    %slice3A = vector.extract_strided_slice %mul3A_9 {offsets = [0, 0], sizes = [1000, 128], strides = [1, 1]} : vector<1000x256xf32> to vector<1000x128xf32>
    %swap3A = arith.constant 0 : index
    %swap3A_10 = arith.constant 0 : index
    %swap3A_11 = arith.constant 0 : index
    %swap3A_12 = vector.load %arg3[%swap3A, %swap3A_10, %swap3A_11] : memref<2x1000x128xf32, #tpu.memory_space<vmem>>, vector<1x1000x128xf32>
    %swap3A_13 = vector.shape_cast %swap3A_12 : vector<1x1000x128xf32> to vector<1000x128xf32>
    %swap3A_14 = vector.shape_cast %slice3A : vector<1000x128xf32> to vector<1x1000x128xf32>
    tpu.vector_store %arg3[%swap3A, %swap3A_10, %swap3A_11], %swap3A_14 {strides = array<i32>} : memref<2x1000x128xf32, #tpu.memory_space<vmem>>, vector<1x1000x128xf32>,
    %slice3A_15 = vector.extract_strided_slice %mul3A_9 {offsets = [0, 128], sizes = [1000, 128], strides = [1, 1]} : vector<1000x256xf32> to vector<1000x128xf32>
    %swap3A_16 = arith.constant 1 : index
    %swap3A_17 = arith.constant 0 : index
    %swap3A_18 = arith.constant 0 : index
    %swap3A_19 = vector.load %arg3[%swap3A_16, %swap3A_17, %swap3A_18] : memref<2x1000x128xf32, #tpu.memory_space<vmem>>, vector<1x1000x128xf32>
    %swap3A_20 = vector.shape_cast %swap3A_19 : vector<1x1000x128xf32> to vector<1000x128xf32>
    %swap3A_21 = vector.shape_cast %slice3A_15 : vector<1000x128xf32> to vector<1x1000x128xf32>
    tpu.vector_store %arg3[%swap3A_16, %swap3A_17, %swap3A_18], %swap3A_21 {strides = array<i32>} : memref<2x1000x128xf32, #tpu.memory_space<vmem>>, vector<1x1000x128xf32>,
    %swap3A_22 = arith.constant 0 : index
    %swap3A_23 = arith.constant 0 : index
    %swap3A_24 = vector.load %arg4[%swap3A_22, %swap3A_23] : memref<1000x1xf32, #tpu.memory_space<vmem>>, vector<1000x1xf32>
    tpu.vector_store %arg4[%swap3A_22, %swap3A_23], %rsqrt3A {strides = array<i32>} : memref<1000x1xf32, #tpu.memory_space<vmem>>, vector<1000x1xf32>,
    return
  }
  func.func @transform_0(%arg0: i32) -> (i32, i32) {
    %c0_i32 = arith.constant 0 : i32
    %c0_i32_0 = arith.constant 0 : i32
    return %arg0, %c0_i32 : i32, i32
  }
  func.func @transform_1(%arg0: i32) -> (i32, i32) {
    %c0_i32 = arith.constant 0 : i32
    %c0_i32_0 = arith.constant 0 : i32
    return %arg0, %c0_i32 : i32, i32
  }
  func.func @transform_2(%arg0: i32) -> (i32, i32, i32) {
    %c0_i32 = arith.constant 0 : i32
    %c0_i32_0 = arith.constant 0 : i32
    %c0_i32_1 = arith.constant 0 : i32
    return %c0_i32, %arg0, %c0_i32_0 : i32, i32, i32
  }
  func.func @transform_3(%arg0: i32) -> (i32, i32) {
    %c0_i32 = arith.constant 0 : i32
    %c0_i32_0 = arith.constant 0 : i32
    return %arg0, %c0_i32 : i32, i32
  }
}

module attributes {stable_mosaic.version = 14 : i64} {
  func.func @_tail_body(%arg0: i32, %arg1: memref<2x1000x128xf32, #tpu.memory_space<vmem>>, %arg2: memref<1000x256xf32, #tpu.memory_space<vmem>>, %arg3: memref<1000x1xf32, #tpu.memory_space<vmem>>, %arg4: memref<256x256xf32, #tpu.memory_space<vmem>>, %arg5: memref<1x256xf32, #tpu.memory_space<vmem>>, %arg6: memref<256x256xf32, #tpu.memory_space<vmem>>, %arg7: memref<1x256xf32, #tpu.memory_space<vmem>>, %arg8: memref<1000x256xf32, #tpu.memory_space<vmem>>) attributes {dimension_semantics = [#tpu.dimension_semantics<arbitrary>], iteration_bounds = array<i64: 10>, scalar_prefetch = 0 : i64, scratch_operands = 0 : i64, tpu.core_type = #tpu.core_type<tc>, window_params = [{transform_indices = @transform_0, window_bounds = array<i64: 2, 1000, 128>}, {transform_indices = @transform_1, window_bounds = array<i64: 1000, 256>}, {transform_indices = @transform_2, window_bounds = array<i64: 1000, 1>}, {pipeline_mode = #tpu.pipeline_mode<synchronous>, transform_indices = @transform_3, window_bounds = array<i64: 256, 256>}, {pipeline_mode = #tpu.pipeline_mode<synchronous>, transform_indices = @transform_4, window_bounds = array<i64: 1, 256>}, {pipeline_mode = #tpu.pipeline_mode<synchronous>, transform_indices = @transform_5, window_bounds = array<i64: 256, 256>}, {pipeline_mode = #tpu.pipeline_mode<synchronous>, transform_indices = @transform_6, window_bounds = array<i64: 1, 256>}, {transform_indices = @transform_7, window_bounds = array<i64: 1000, 256>}]} {
    %get3A = arith.constant 0 : index
    %get3A_0 = arith.constant 0 : index
    %get3A_1 = vector.load %arg3[%get3A, %get3A_0] : memref<1000x1xf32, #tpu.memory_space<vmem>>, vector<1000x1xf32>
    %get3A_2 = arith.constant 0 : index
    %get3A_3 = arith.constant 0 : index
    %get3A_4 = vector.load %arg2[%get3A_2, %get3A_3] : memref<1000x256xf32, #tpu.memory_space<vmem>>, vector<1000x256xf32>
    %mul3A = arith.mulf %get3A_1, %get3A_1 : vector<1000x1xf32>
    %get3A_5 = arith.constant 0 : index
    %get3A_6 = arith.constant 0 : index
    %get3A_7 = arith.constant 0 : index
    %get3A_8 = vector.load %arg1[%get3A_5, %get3A_6, %get3A_7] : memref<2x1000x128xf32, #tpu.memory_space<vmem>>, vector<1x1000x128xf32>
    %get3A_9 = vector.shape_cast %get3A_8 : vector<1x1000x128xf32> to vector<1000x128xf32>
    %mul3A_10 = vector.broadcast %get3A_1 : vector<1000x1xf32> to vector<1000x128xf32>
    %mul3A_11 = arith.mulf %get3A_9, %mul3A_10 : vector<1000x128xf32>
    %slice3A = vector.extract_strided_slice %get3A_4 {offsets = [0, 0], sizes = [1000, 128], strides = [1, 1]} : vector<1000x256xf32> to vector<1000x128xf32>
    %mul3A_12 = vector.broadcast %mul3A : vector<1000x1xf32> to vector<1000x128xf32>
    %mul3A_13 = arith.mulf %slice3A, %mul3A_12 : vector<1000x128xf32>
    %add3A = arith.addf %mul3A_11, %mul3A_13 : vector<1000x128xf32>
    %get3A_14 = arith.constant 1 : index
    %get3A_15 = arith.constant 0 : index
    %get3A_16 = arith.constant 0 : index
    %get3A_17 = vector.load %arg1[%get3A_14, %get3A_15, %get3A_16] : memref<2x1000x128xf32, #tpu.memory_space<vmem>>, vector<1x1000x128xf32>
    %get3A_18 = vector.shape_cast %get3A_17 : vector<1x1000x128xf32> to vector<1000x128xf32>
    %mul3A_19 = vector.broadcast %get3A_1 : vector<1000x1xf32> to vector<1000x128xf32>
    %mul3A_20 = arith.mulf %get3A_18, %mul3A_19 : vector<1000x128xf32>
    %slice3A_21 = vector.extract_strided_slice %get3A_4 {offsets = [0, 128], sizes = [1000, 128], strides = [1, 1]} : vector<1000x256xf32> to vector<1000x128xf32>
    %mul3A_22 = vector.broadcast %mul3A : vector<1000x1xf32> to vector<1000x128xf32>
    %mul3A_23 = arith.mulf %slice3A_21, %mul3A_22 : vector<1000x128xf32>
    %add3A_24 = arith.addf %mul3A_20, %mul3A_23 : vector<1000x128xf32>
    %get3A_25 = arith.constant 0 : index
    %get3A_26 = arith.constant 0 : index
    %get3A_27 = vector.load %arg4[%get3A_25, %get3A_26] : memref<256x256xf32, #tpu.memory_space<vmem>>, vector<128x256xf32>
    %dot_general3A = arith.constant dense<0.000000e+00> : vector<1000x256xf32>
    %dot_general3A_28 = tpu.matmul %add3A, %get3A_27, %dot_general3A {dimension_numbers = #tpu.dot_dimension_numbers<[1], [0], [0], [1], [0, 0, 1, 1], [], []>, transpose_lhs_hint = false} : vector<1000x128xf32>, vector<128x256xf32>, vector<1000x256xf32> -> vector<1000x256xf32>
    %get3A_29 = arith.constant 128 : index
    %get3A_30 = arith.constant 0 : index
    %get3A_31 = vector.load %arg4[%get3A_29, %get3A_30] : memref<256x256xf32, #tpu.memory_space<vmem>>, vector<128x256xf32>
    %dot_general3A_32 = arith.constant dense<0.000000e+00> : vector<1000x256xf32>
    %dot_general3A_33 = tpu.matmul %add3A_24, %get3A_31, %dot_general3A_32 {dimension_numbers = #tpu.dot_dimension_numbers<[1], [0], [0], [1], [0, 0, 1, 1], [], []>, transpose_lhs_hint = false} : vector<1000x128xf32>, vector<128x256xf32>, vector<1000x256xf32> -> vector<1000x256xf32>
    %add3A_34 = arith.addf %dot_general3A_28, %dot_general3A_33 : vector<1000x256xf32>
    %get3A_35 = arith.constant 0 : index
    %get3A_36 = arith.constant 0 : index
    %get3A_37 = vector.load %arg5[%get3A_35, %get3A_36] : memref<1x256xf32, #tpu.memory_space<vmem>>, vector<1x256xf32>
    %add3A_38 = vector.broadcast %get3A_37 : vector<1x256xf32> to vector<1000x256xf32>
    %add3A_39 = arith.addf %add3A_34, %add3A_38 : vector<1000x256xf32>
    %max3A = arith.constant 0.000000e+00 : f32
    %max3A_40 = vector.broadcast %max3A : f32 to vector<1000x256xf32>
    %max3A_41 = arith.maximumf %add3A_39, %max3A_40 : vector<1000x256xf32>
    %add3A_42 = arith.addf %max3A_41, %get3A_4 : vector<1000x256xf32>
    %get3A_43 = arith.constant 0 : index
    %get3A_44 = arith.constant 0 : index
    %get3A_45 = vector.load %arg6[%get3A_43, %get3A_44] : memref<256x256xf32, #tpu.memory_space<vmem>>, vector<256x256xf32>
    %dot_general3A_46 = arith.constant dense<0.000000e+00> : vector<1000x256xf32>
    %dot_general3A_47 = tpu.matmul %add3A_42, %get3A_45, %dot_general3A_46 {dimension_numbers = #tpu.dot_dimension_numbers<[1], [0], [0], [1], [0, 0, 1, 1], [], []>, transpose_lhs_hint = false} : vector<1000x256xf32>, vector<256x256xf32>, vector<1000x256xf32> -> vector<1000x256xf32>
    %get3A_48 = arith.constant 0 : index
    %get3A_49 = arith.constant 0 : index
    %get3A_50 = vector.load %arg7[%get3A_48, %get3A_49] : memref<1x256xf32, #tpu.memory_space<vmem>>, vector<1x256xf32>
    %add3A_51 = vector.broadcast %get3A_50 : vector<1x256xf32> to vector<1000x256xf32>
    %add3A_52 = arith.addf %dot_general3A_47, %add3A_51 : vector<1000x256xf32>
    %swap3A = arith.constant 0 : index
    %swap3A_53 = arith.constant 0 : index
    %swap3A_54 = vector.load %arg8[%swap3A, %swap3A_53] : memref<1000x256xf32, #tpu.memory_space<vmem>>, vector<1000x256xf32>
    tpu.vector_store %arg8[%swap3A, %swap3A_53], %add3A_52 {strides = array<i32>} : memref<1000x256xf32, #tpu.memory_space<vmem>>, vector<1000x256xf32>,
    return
  }
  func.func @transform_0(%arg0: i32) -> (i32, i32, i32) {
    %c0_i32 = arith.constant 0 : i32
    %c0_i32_0 = arith.constant 0 : i32
    %c0_i32_1 = arith.constant 0 : i32
    return %c0_i32, %arg0, %c0_i32_0 : i32, i32, i32
  }
  func.func @transform_1(%arg0: i32) -> (i32, i32) {
    %c0_i32 = arith.constant 0 : i32
    %c0_i32_0 = arith.constant 0 : i32
    return %arg0, %c0_i32 : i32, i32
  }
  func.func @transform_2(%arg0: i32) -> (i32, i32) {
    %c0_i32 = arith.constant 0 : i32
    %c0_i32_0 = arith.constant 0 : i32
    return %arg0, %c0_i32 : i32, i32
  }
  func.func @transform_3(%arg0: i32) -> (i32, i32) {
    %c0_i32 = arith.constant 0 : i32
    %c0_i32_0 = arith.constant 0 : i32
    %c0_i32_1 = arith.constant 0 : i32
    return %c0_i32, %c0_i32_0 : i32, i32
  }
  func.func @transform_4(%arg0: i32) -> (i32, i32) {
    %c0_i32 = arith.constant 0 : i32
    %c0_i32_0 = arith.constant 0 : i32
    %c0_i32_1 = arith.constant 0 : i32
    return %c0_i32, %c0_i32_0 : i32, i32
  }
  func.func @transform_5(%arg0: i32) -> (i32, i32) {
    %c0_i32 = arith.constant 0 : i32
    %c0_i32_0 = arith.constant 0 : i32
    %c0_i32_1 = arith.constant 0 : i32
    return %c0_i32, %c0_i32_0 : i32, i32
  }
  func.func @transform_6(%arg0: i32) -> (i32, i32) {
    %c0_i32 = arith.constant 0 : i32
    %c0_i32_0 = arith.constant 0 : i32
    %c0_i32_1 = arith.constant 0 : i32
    return %c0_i32, %c0_i32_0 : i32, i32
  }
  func.func @transform_7(%arg0: i32) -> (i32, i32) {
    %c0_i32 = arith.constant 0 : i32
    %c0_i32_0 = arith.constant 0 : i32
    return %arg0, %c0_i32 : i32, i32
  }
}

module attributes {stable_mosaic.version = 14 : i64} {
  func.func @_layer_body(%arg0: i32, %arg1: memref<2x1000x128xf32, #tpu.memory_space<vmem>>, %arg2: memref<1000x256xf32, #tpu.memory_space<vmem>>, %arg3: memref<1000x1xf32, #tpu.memory_space<vmem>>, %arg4: memref<256x256xf32, #tpu.memory_space<vmem>>, %arg5: memref<1x256xf32, #tpu.memory_space<vmem>>, %arg6: memref<1000x256xf32, #tpu.memory_space<vmem>>, %arg7: memref<2x1000x128xf32, #tpu.memory_space<vmem>>) attributes {dimension_semantics = [#tpu.dimension_semantics<arbitrary>], iteration_bounds = array<i64: 10>, scalar_prefetch = 0 : i64, scratch_operands = 0 : i64, tpu.core_type = #tpu.core_type<tc>, window_params = [{transform_indices = @transform_0, window_bounds = array<i64: 2, 1000, 128>}, {transform_indices = @transform_1, window_bounds = array<i64: 1000, 256>}, {transform_indices = @transform_2, window_bounds = array<i64: 1000, 1>}, {pipeline_mode = #tpu.pipeline_mode<synchronous>, transform_indices = @transform_3, window_bounds = array<i64: 256, 256>}, {pipeline_mode = #tpu.pipeline_mode<synchronous>, transform_indices = @transform_4, window_bounds = array<i64: 1, 256>}, {transform_indices = @transform_5, window_bounds = array<i64: 1000, 256>}, {transform_indices = @transform_6, window_bounds = array<i64: 2, 1000, 128>}]} {
    %get3A = arith.constant 0 : index
    %get3A_0 = arith.constant 0 : index
    %get3A_1 = vector.load %arg3[%get3A, %get3A_0] : memref<1000x1xf32, #tpu.memory_space<vmem>>, vector<1000x1xf32>
    %get3A_2 = arith.constant 0 : index
    %get3A_3 = arith.constant 0 : index
    %get3A_4 = vector.load %arg2[%get3A_2, %get3A_3] : memref<1000x256xf32, #tpu.memory_space<vmem>>, vector<1000x256xf32>
    %mul3A = arith.mulf %get3A_1, %get3A_1 : vector<1000x1xf32>
    %get3A_5 = arith.constant 0 : index
    %get3A_6 = arith.constant 0 : index
    %get3A_7 = arith.constant 0 : index
    %get3A_8 = vector.load %arg1[%get3A_5, %get3A_6, %get3A_7] : memref<2x1000x128xf32, #tpu.memory_space<vmem>>, vector<1x1000x128xf32>
    %get3A_9 = vector.shape_cast %get3A_8 : vector<1x1000x128xf32> to vector<1000x128xf32>
    %mul3A_10 = vector.broadcast %get3A_1 : vector<1000x1xf32> to vector<1000x128xf32>
    %mul3A_11 = arith.mulf %get3A_9, %mul3A_10 : vector<1000x128xf32>
    %slice3A = vector.extract_strided_slice %get3A_4 {offsets = [0, 0], sizes = [1000, 128], strides = [1, 1]} : vector<1000x256xf32> to vector<1000x128xf32>
    %mul3A_12 = vector.broadcast %mul3A : vector<1000x1xf32> to vector<1000x128xf32>
    %mul3A_13 = arith.mulf %slice3A, %mul3A_12 : vector<1000x128xf32>
    %add3A = arith.addf %mul3A_11, %mul3A_13 : vector<1000x128xf32>
    %get3A_14 = arith.constant 1 : index
    %get3A_15 = arith.constant 0 : index
    %get3A_16 = arith.constant 0 : index
    %get3A_17 = vector.load %arg1[%get3A_14, %get3A_15, %get3A_16] : memref<2x1000x128xf32, #tpu.memory_space<vmem>>, vector<1x1000x128xf32>
    %get3A_18 = vector.shape_cast %get3A_17 : vector<1x1000x128xf32> to vector<1000x128xf32>
    %mul3A_19 = vector.broadcast %get3A_1 : vector<1000x1xf32> to vector<1000x128xf32>
    %mul3A_20 = arith.mulf %get3A_18, %mul3A_19 : vector<1000x128xf32>
    %slice3A_21 = vector.extract_strided_slice %get3A_4 {offsets = [0, 128], sizes = [1000, 128], strides = [1, 1]} : vector<1000x256xf32> to vector<1000x128xf32>
    %mul3A_22 = vector.broadcast %mul3A : vector<1000x1xf32> to vector<1000x128xf32>
    %mul3A_23 = arith.mulf %slice3A_21, %mul3A_22 : vector<1000x128xf32>
    %add3A_24 = arith.addf %mul3A_20, %mul3A_23 : vector<1000x128xf32>
    %get3A_25 = arith.constant 0 : index
    %get3A_26 = arith.constant 0 : index
    %get3A_27 = vector.load %arg4[%get3A_25, %get3A_26] : memref<256x256xf32, #tpu.memory_space<vmem>>, vector<128x256xf32>
    %dot_general3A = arith.constant dense<0.000000e+00> : vector<1000x256xf32>
    %dot_general3A_28 = tpu.matmul %add3A, %get3A_27, %dot_general3A {dimension_numbers = #tpu.dot_dimension_numbers<[1], [0], [0], [1], [0, 0, 1, 1], [], []>, transpose_lhs_hint = false} : vector<1000x128xf32>, vector<128x256xf32>, vector<1000x256xf32> -> vector<1000x256xf32>
    %get3A_29 = arith.constant 128 : index
    %get3A_30 = arith.constant 0 : index
    %get3A_31 = vector.load %arg4[%get3A_29, %get3A_30] : memref<256x256xf32, #tpu.memory_space<vmem>>, vector<128x256xf32>
    %dot_general3A_32 = arith.constant dense<0.000000e+00> : vector<1000x256xf32>
    %dot_general3A_33 = tpu.matmul %add3A_24, %get3A_31, %dot_general3A_32 {dimension_numbers = #tpu.dot_dimension_numbers<[1], [0], [0], [1], [0, 0, 1, 1], [], []>, transpose_lhs_hint = false} : vector<1000x128xf32>, vector<128x256xf32>, vector<1000x256xf32> -> vector<1000x256xf32>
    %add3A_34 = arith.addf %dot_general3A_28, %dot_general3A_33 : vector<1000x256xf32>
    %get3A_35 = arith.constant 0 : index
    %get3A_36 = arith.constant 0 : index
    %get3A_37 = vector.load %arg5[%get3A_35, %get3A_36] : memref<1x256xf32, #tpu.memory_space<vmem>>, vector<1x256xf32>
    %add3A_38 = vector.broadcast %get3A_37 : vector<1x256xf32> to vector<1000x256xf32>
    %add3A_39 = arith.addf %add3A_34, %add3A_38 : vector<1000x256xf32>
    %max3A = arith.constant 0.000000e+00 : f32
    %max3A_40 = vector.broadcast %max3A : f32 to vector<1000x256xf32>
    %max3A_41 = arith.maximumf %add3A_39, %max3A_40 : vector<1000x256xf32>
    %add3A_42 = arith.addf %max3A_41, %get3A_4 : vector<1000x256xf32>
    %swap3A = arith.constant 0 : index
    %swap3A_43 = arith.constant 0 : index
    %swap3A_44 = vector.load %arg6[%swap3A, %swap3A_43] : memref<1000x256xf32, #tpu.memory_space<vmem>>, vector<1000x256xf32>
    tpu.vector_store %arg6[%swap3A, %swap3A_43], %add3A_42 {strides = array<i32>} : memref<1000x256xf32, #tpu.memory_space<vmem>>, vector<1000x256xf32>,
    %mul3A_45 = vector.broadcast %get3A_1 : vector<1000x1xf32> to vector<1000x256xf32>
    %mul3A_46 = arith.mulf %add3A_42, %mul3A_45 : vector<1000x256xf32>
    %slice3A_47 = vector.extract_strided_slice %mul3A_46 {offsets = [0, 0], sizes = [1000, 128], strides = [1, 1]} : vector<1000x256xf32> to vector<1000x128xf32>
    %swap3A_48 = arith.constant 0 : index
    %swap3A_49 = arith.constant 0 : index
    %swap3A_50 = arith.constant 0 : index
    %swap3A_51 = vector.load %arg7[%swap3A_48, %swap3A_49, %swap3A_50] : memref<2x1000x128xf32, #tpu.memory_space<vmem>>, vector<1x1000x128xf32>
    %swap3A_52 = vector.shape_cast %swap3A_51 : vector<1x1000x128xf32> to vector<1000x128xf32>
    %swap3A_53 = vector.shape_cast %slice3A_47 : vector<1000x128xf32> to vector<1x1000x128xf32>
    tpu.vector_store %arg7[%swap3A_48, %swap3A_49, %swap3A_50], %swap3A_53 {strides = array<i32>} : memref<2x1000x128xf32, #tpu.memory_space<vmem>>, vector<1x1000x128xf32>,
    %slice3A_54 = vector.extract_strided_slice %mul3A_46 {offsets = [0, 128], sizes = [1000, 128], strides = [1, 1]} : vector<1000x256xf32> to vector<1000x128xf32>
    %swap3A_55 = arith.constant 1 : index
    %swap3A_56 = arith.constant 0 : index
    %swap3A_57 = arith.constant 0 : index
    %swap3A_58 = vector.load %arg7[%swap3A_55, %swap3A_56, %swap3A_57] : memref<2x1000x128xf32, #tpu.memory_space<vmem>>, vector<1x1000x128xf32>
    %swap3A_59 = vector.shape_cast %swap3A_58 : vector<1x1000x128xf32> to vector<1000x128xf32>
    %swap3A_60 = vector.shape_cast %slice3A_54 : vector<1000x128xf32> to vector<1x1000x128xf32>
    tpu.vector_store %arg7[%swap3A_55, %swap3A_56, %swap3A_57], %swap3A_60 {strides = array<i32>} : memref<2x1000x128xf32, #tpu.memory_space<vmem>>, vector<1x1000x128xf32>,
    return
  }
  func.func @transform_0(%arg0: i32) -> (i32, i32, i32) {
    %c0_i32 = arith.constant 0 : i32
    %c0_i32_0 = arith.constant 0 : i32
    %c0_i32_1 = arith.constant 0 : i32
    return %c0_i32, %arg0, %c0_i32_0 : i32, i32, i32
  }
  func.func @transform_1(%arg0: i32) -> (i32, i32) {
    %c0_i32 = arith.constant 0 : i32
    %c0_i32_0 = arith.constant 0 : i32
    return %arg0, %c0_i32 : i32, i32
  }
  func.func @transform_2(%arg0: i32) -> (i32, i32) {
    %c0_i32 = arith.constant 0 : i32
    %c0_i32_0 = arith.constant 0 : i32
    return %arg0, %c0_i32 : i32, i32
  }
  func.func @transform_3(%arg0: i32) -> (i32, i32) {
    %c0_i32 = arith.constant 0 : i32
    %c0_i32_0 = arith.constant 0 : i32
    %c0_i32_1 = arith.constant 0 : i32
    return %c0_i32, %c0_i32_0 : i32, i32
  }
  func.func @transform_4(%arg0: i32) -> (i32, i32) {
    %c0_i32 = arith.constant 0 : i32
    %c0_i32_0 = arith.constant 0 : i32
    %c0_i32_1 = arith.constant 0 : i32
    return %c0_i32, %c0_i32_0 : i32, i32
  }
  func.func @transform_5(%arg0: i32) -> (i32, i32) {
    %c0_i32 = arith.constant 0 : i32
    %c0_i32_0 = arith.constant 0 : i32
    return %arg0, %c0_i32 : i32, i32
  }
  func.func @transform_6(%arg0: i32) -> (i32, i32, i32) {
    %c0_i32 = arith.constant 0 : i32
    %c0_i32_0 = arith.constant 0 : i32
    %c0_i32_1 = arith.constant 0 : i32
    return %c0_i32, %arg0, %c0_i32_0 : i32, i32, i32
  }
}

</mosaic_0001>

<sc_bundles>
// kernel: kernel.11.cloned.1.call-start
scs
__scs_entry_jumppad:
0x0: {  	(pc) =	sbr.rel $0x88, $3  }
0x1: {  	(tag) =	ssettag $0x0;
	lr =	simm.s32 $0x1  }
0x2: {  	[smem:$0x3F95] =	sst lr;
	_ =	strace $0xD0000000  }
0x3: {  	_ = 	snop  }
0x4: {  	_ = 	snop  }
0x5: {  	_ = 	snop  }
0x6: {  	_ = 	snop  }
0x7: {  	_ = 	snop  }
__scs_overlays_trampoline_lowered:
0x8: {  	[smem:$0x3FA4] =	sst s0  }
0x9: {  	[smem:$0x3FA5] =	sst s1  }
0xa: {  	[smem:$0x3FA6] =	sst s2  }
0xb: {  	[smem:$0x3FA7] =	sst s3  }
0xc: {  	[smem:$0x3FA8] =	sst s4  }
0xd: {  	[smem:$0x3FA9] =	sst s5  }
0xe: {  	[smem:$0x3FAA] =	sst s6  }
0xf: {  	[smem:$0x3FAB] =	sst s7  }
0x10: {  	[smem:$0x3FAC] =	sst s8  }
0x11: {  	[smem:$0x3FAD] =	sst s9;
	s0 =	simm.s32 @!p0 $0x0  }
0x12: {  	s1 =	sld [smem:$0x3F93];
	s0 =	simm.s32 @p0 $0x1  }
0x13: {  	[smem:$0x3FAE] =	sst s0;
	s0 =	simm.s32 @!p1 $0x0  }
0x14: {  	s2 =	sld [smem:$0x3F92];
	s0 =	simm.s32 @p1 $0x1  }
0x15: {  	[smem:$0x3FAF] =	sst s0;
	s0 =	simm.s32 @!p2 $0x0  }
0x16: {  	s3 =	sld [smem:$0x3FDB];
	s0 =	simm.s32 @p2 $0x1  }
0x17: {  	s4 =	simm.s32 $0x1BF5;
	[smem:$0x3FB1] =	sst s0  }
0x18: {  	s0 =	sld [smem:$0x3F94];
	_ =	swait.ge [sflag:s4], $0x0  }
0x19: {  	s7 =	sld [smem:$0x3F95]  }
0x1a: {  	s8 =	sadd.s32 $0xFFFFE003, lr  }
0x1b: {  	s9 =	sadd.s32 $0xFFFFFEF7, lr;
	s5 =	simm.s32 $0xFFFFFFFF;
	p2 =	slt.u32 s8, $0xFFFFF086  }
0x1c: {  	p1 =	slt.u32 s9, $0xF7A;
	s5 =	simm.s32 @!p2 $0x0  }
0x1d: {  	s5 =	simm.s32 @p1 $0x1;
	p0 =	seq.s32 s7, s2  }
0x1e: {  	s7 =	smul.u32 @!p0 $0xF7A, s2;
	p2 =	seq.s32 @!p0 s5, $0x0  }
0x1f: {  	s9 =	smul.u32 $0xF7A, s1;
	s8 =	simm.s32 @!p0 $0x1BF5;
	p2 =	por !p2, p0  }
0x20: {  	[sflag:s8] =	ssyncset.s32 @!p0 $0xFFFFF086;
	s6 =	sadd.s32 @!p0 s3, s7;
	s7 =	simm.s32 @!p0 $0x108  }
0x21: {  	s3 =	sadd.s32 s3, s9;
	s6 =	sadd.s32 @!p0 $0x88, s6;
	s7 =	simm.s32 @p2 $0x1082  }
0x22: {  	[simem:s7], [sflag:s8] =	dma.local @!p0 [hbm:s6], $0xF7A  }
0x23: {  	s9 =	sor.u32 $0xD0000000, s2;
	s6 =	simm.s32 $0x108;
	_ =	swait.ge @!p0 [sflag:s8], $0x0  }
0x24: {  	s3 =	sadd.s32 $0x88, s3;
	s6 =	simm.s32 @!p1 $0x1082;
	[sflag:s4] =	ssyncset.s32 $0xFFFFF086  }
0x25: {  	[simem:s6], [sflag:s4] =	dma.local [hbm:s3], $0xF7A  }
0x26: {  	[smem:$0x3F95] =	sst s1;
	(tag) =	ssettag s2;
	_ =	strace s9  }
0x27: {  	s1 =	sld [smem:$0x3FA5]  }
0x28: {  	s2 =	sld [smem:$0x3FA6]  }
0x29: {  	s4 =	sld [smem:$0x3FA8]  }
0x2a: {  	p0 =	seq.s32 s5, $0x0;
	s5 =	sld [smem:$0x3FA9]  }
0x2b: {  	s6 =	sld [smem:$0x3FAA]  }
0x2c: {  	s7 =	sld [smem:$0x3FAB]  }
0x2d: {  	s3 =	simm.s32 $0x108;
	s8 =	sld [smem:$0x3FAC]  }
0x2e: {  	s3 =	simm.s32 @!p0 $0x1082;
	s9 =	sld [smem:$0x3FAD]  }
0x2f: {  	lr =	sadd.s32 s0, s3;
	s0 =	sld [smem:$0x3FA4]  }
0x30: {  	s3 =	sld [smem:$0x3FA7]  }
0x31: {  	[smem:$0x3FB0] =	sst s10  }
0x32: {  	s10 =	sld [smem:$0x3FAE];
	_ =	sdelay $0x3  }
0x33: {  	p0 =	seq.s32 s10, $0x1;
	s10 =	sld [smem:$0x3FB0];
	_ =	sdelay $0x3  }
0x34: {  	[smem:$0x3FB0] =	sst s10  }
0x35: {  	s10 =	sld [smem:$0x3FAF];
	_ =	sdelay $0x3  }
0x36: {  	p1 =	seq.s32 s10, $0x1;
	s10 =	sld [smem:$0x3FB0];
	_ =	sdelay $0x3  }
0x37: {  	[smem:$0x3FB0] =	sst s10  }
0x38: {  	s10 =	sld [smem:$0x3FB1]  }
0x39: {  	_ = 	snop;
	(pc) =	sbr.ind lr, $3  }
0x3a: {  	_ = 	snop  }
0x3b: {  	_ = 	snop  }
0x3c: {  	p2 =	seq.s32 s10, $0x1;
	s10 =	sld [smem:$0x3FB0]  }
0x3d: {  	_ =	shalt  }
0x3e: {  	_ =	shalt  }
0x3f: {  	_ =	shalt  }
0x40: {  	_ =	shalt  }
0x41: {  	_ =	shalt  }
0x42: {  	_ =	shalt  }
0x43: {  	_ =	shalt  }
0x44: {  	_ =	shalt  }
0x45: {  	_ =	shalt  }
0x46: {  	_ =	shalt  }
0x47: {  	_ =	shalt  }
0x48: {  	_ =	shalt  }
0x49: {  	_ =	shalt  }
0x4a: {  	_ =	shalt  }
0x4b: {  	_ =	shalt  }
0x4c: {  	_ =	shalt  }
0x4d: {  	_ =	shalt  }
0x4e: {  	_ =	shalt  }
0x4f: {  	_ =	shalt  }
0x50: {  	_ =	shalt  }
0x51: {  	_ =	shalt  }
0x52: {  	_ =	shalt  }
0x53: {  	_ =	shalt  }
0x54: {  	_ =	shalt  }
0x55: {  	_ =	shalt  }
0x56: {  	_ =	shalt  }
0x57: {  	_ =	shalt  }
0x58: {  	_ =	shalt  }
0x59: {  	_ =	shalt  }
0x5a: {  	_ =	shalt  }
0x5b: {  	_ =	shalt  }
0x5c: {  	_ =	shalt  }
0x5d: {  	_ =	shalt  }
0x5e: {  	_ =	shalt  }
0x5f: {  	_ =	shalt  }
0x60: {  	_ =	shalt  }
0x61: {  	_ =	shalt  }
0x62: {  	_ =	shalt  }
0x63: {  	_ =	shalt  }
0x64: {  	_ =	shalt  }
0x65: {  	_ =	shalt  }
0x66: {  	_ =	shalt  }
0x67: {  	_ =	shalt  }
0x68: {  	_ =	shalt  }
0x69: {  	_ =	shalt  }
0x6a: {  	_ =	shalt  }
0x6b: {  	_ =	shalt  }
0x6c: {  	_ =	shalt  }
0x6d: {  	_ =	shalt  }
0x6e: {  	_ =	shalt  }
0x6f: {  	_ =	shalt  }
0x70: {  	_ =	shalt  }
0x71: {  	_ =	shalt  }
0x72: {  	_ =	shalt  }
0x73: {  	_ =	shalt  }
0x74: {  	_ =	shalt  }
0x75: {  	_ =	shalt  }
0x76: {  	_ =	shalt  }
0x77: {  	_ =	shalt  }
0x78: {  	_ =	shalt  }
0x79: {  	_ =	shalt  }
0x7a: {  	_ =	shalt  }
0x7b: {  	_ =	shalt  }
0x7c: {  	_ =	shalt  }
0x7d: {  	_ =	shalt  }
0x7e: {  	_ =	shalt  }
0x7f: {  	_ =	shalt  }
0x80: {  	_ =	shalt  }
0x81: {  	_ =	shalt  }
0x82: {  	_ =	shalt  }
0x83: {  	_ =	shalt  }
0x84: {  	_ =	shalt  }
0x85: {  	_ =	shalt  }
0x86: {  	_ =	shalt  }
0x87: {  	_ =	shalt  }
.Lfunc_end0:
.L_simem_size_0:
called_computation_lowered:
.L_overlay_start_0:
0x88: {  	s2 =	sld [smem:$0x3FD9]  }
0x89: {  	s3 =	sld [smem:$0x3FFE];
	_ =	sdelay $0x1  }
0x8a: {  	s1 =	srdreg.scid  }
0x8b: {  	s0 =	sand.u32 $0x1, s1  }
0x8c: {  	s16 =	sshll.u32 s0, $0xA;
	s2 =	sadd.s32 s3, s2  }
0x8d: {  	s2 =	sadd.s32 s2, s16  }
0x8e: {  	[smem:$0x3FBC] =	sst s2  }
0x8f: {  	_ = 	snop  }
0x90: {  	(tm) =	ssettm $0x1  }
0x91: {  	s17 =	sld [smem:$0x3FFB];
	_ =	sdelay $0x3  }
0x92: {  	_ =	strace s17  }
0x93: {  	s2 =	sld [smem:$0x3FFC];
	_ =	sdelay $0x3  }
0x94: {  	_ =	strace s2  }
0x95: {  	s2 =	sld [smem:$0x3FFD];
	_ =	sdelay $0x3  }
0x96: {  	_ =	strace s2  }
0x97: {  	_ =	strace $0x8FFFFFFF  }
0x98: {  	s18 =	sld [smem:$0x3FDB];
	_ =	sdelay $0x1  }
0x99: {  	s19 =	simm.s32 $_scs_section_size  }
0x9a: {  	s4 =	simm.s32 $_size__tile_overlayer_lowered;
	s5 =	simm.s32 $_tile_overlayer_lowered  }
0x9b: {  	s22 =	simm.s32 $0x1BFF;
	s21 =	sshll.u32 s5, $0x1;
	s2 =	sadd.s32 s19, s18  }
0x9c: {  	s6 =	simm.s32 $0x0;
	s20 =	sshll.u32 s4, $0x1;
	s4 =	sadd.s32 s21, s2  }
0x9d: {  	[timem:s6], [sflag:s22] =	dma.local [hbm:s4], s20  }
0x9e: {  	_ =	swait.ge [sflag:s22], s20  }
0x9f: {  	s3 =	ssub.s32 $0x0, s20;
	[sflag:s22] =	ssyncset.done $0x0  }
0xa0: {  	[sflag:s22] =	ssyncadd.s32 s3;
	_ =	sdelay $0x1  }
0xa1: {  	s23 =	simm.s32 $0x1B8B  }
0xa2: {  	_ =	swait.ge [sflag:s23], $0x1  }
0xa3: {  	[sflag:s23] =	ssyncset.done $0x0  }
0xa4: {  	s25 =	simm.s32 $0x1B8E;
	s24 =	sld [smem:$0x3FFE];
	[sflag:s23] =	ssyncadd.s32 $0xFFFFFFFF  }
0xa5: {  	s26 =	simm.s32 $execute0_lowered;
	[smem:$0x3FD2] =	sst s25  }
0xa6: {  	s4 =	sshll.u32 s26, $0x1;
	_ =	strace $0x80000046;
	[dreg:$0x1] =	wrdreg $0xFFFFFFFF  }
0xa7: {  	s28 =	simm.s32 $_size_execute0_lowered;
	s2 =	sadd.s32 s2, s4;
	[dreg:$0x0] =	wrdreg $0x0  }
0xa8: {  	s4 =	sshll.u32 s28, $0x1;
	[dreg:$0x2] =	wrdreg s2  }
0xa9: {  	[dreg:$0x3] =	wrdreg s4  }
0xaa: {  	[dreg:$0x4] =	wrdreg $0xC0  }
0xab: {  	_ =	task [dreg:s6], $0x5FFFF  }
0xac: {  	[dreg:$0x1] =	wrdreg $0xFFFFFFFF  }
0xad: {  	[dreg:$0x0] =	wrdreg $0x60  }
0xae: {  	[dreg:$0x2] =	wrdreg s24  }
0xaf: {  	[dreg:$0x3] =	wrdreg $0xC4000  }
0xb0: {  	[dreg:$0x4] =	wrdreg $0x9  }
0xb1: {  	_ =	task.clear_ibuf [dreg:s6], $0x5FFFF;
	_ =	strace $0x90000046  }
0xb2: {  	s29 =	simm.s32 $0x9;
	_ =	strace $0x80000048  }
0xb3: {  	_ =	swait.ge [sflag:s29], $0x1  }
0xb4: {  	[sflag:s29] =	ssyncadd.s32 $0xFFFFFFFF  }
0xb5: {  	_ =	strace $0x90000048  }
0xb6: {  	_ =	sfence  }
0xb7: {  	s30 =	sld [smem:$0x0];
	_ =	sdelay $0x2  }
0xb8: {  	s31 =	sshll.u32 s1, $0xD;
	s1 =	sshrl.u32 s1, $0x2  }
0xb9: {  	s3 =	sand.u32 $0x4000, s31;
	s1 =	sadd.s32 s1, s30  }
0xba: {  	s0 =	sor.u32 s3, s0;
	s1 =	sshll.u32 s1, $0x11  }
0xbb: {  	s0 =	sor.u32 s1, s0  }
0xbc: {  	s0 =	sadd.s32 $0x8F2B, s0  }
0xbd: {  	[sflag:s0] =	ssyncadd.remote.s32 $0x1  }
0xbe: {  	_ =	sfence.sel $0xFFFF  }
0xbf: {  	[dreg:$0x0] =	wrdreg $0xFFFFFFFF;
	(pc) =	sbr.abs _section_cstart, $3  }
0xc0: {  	[dreg:$0x1] =	wrdreg $0xFFFFFFFF  }
0xc1: {  	_ =	task.clear_ibuf [dreg:s6], $0x2FFFF;
	_ =	strace $0x9FFFFFFF  }
0xc2: {  	(tm) =	ssettm $0x7FFFFFFF  }
0xc3: {  	_ =	shalt  }
tec
execute0_lowered:
.L_overlay_start_1:
0x0: {  	(tag) =	ssettag $0x1  }
0x1: {  	s0 =	srdreg.scid;
	s3 =	rddreg [dreg:$0x0]  }
0x2: {  	s5 =	rddreg [dreg:$0x1];
	s1 =	stileid.u32  }
0x3: {  	s2 =	simm.s32 $0x0;
	s11 =	simm.s32 $0x400;
	s12 =	simm.s32 $0x4000  }
0x4: {  	s13 =	simm.s32 $0x14000;
	s14 =	simm.s32 $0x3C00;
	s15 =	simm.s32 $0x100  }
0x5: {  	s16 =	simm.s32 $0xBC00;
	s4 =	sand.u32 $0x1, s0;
	s0 =	rddreg [dreg:$0x2]  }
0x6: {  	s17 =	simm.s32 $0x0;
	[smem:$0x7FF] =	sst s2;
	s8 =	sshrl.u32 s1, $0x3  }
0x7: {  	s29 =	sshll.u32 s1, $0x7;
	s31 =	sshll.u32 s1, $0x9;
	s10 =	sshll.u32 s1, $0xE  }
0x8: {  	p0 =	sgt.u32 s1, $0x4;
	s6 =	sshll.u32 s4, $0x4;
	_ =	strace $0x80000047  }
0x9: {  	s4 =	ssub.s32 $0x2, s4;
	s8 =	smul.u32 $0x50000, s8;
	s7 =	sor.u32 s1, s6  }
0xa: {  	s6 =	sadd.s32 s6, s3;
	s28 =	sshrl.u32 s4, $0x1;
	s7 =	smul.u32 $0x271, s7  }
.Ltmp0:
0xb: {  	s9 =	ssub.s32 s4, s28;
	s4 =	sand.u32 $0x380, s29;
	(pc) =	sbr.rel .LBB2_1-.Ltmp0, $4  }
0xc: {  	s30 =	sshrl.u32 s8, $0x2;
	s6 =	sadd.s32 s31, s6;
	s7 =	sadd.s32 s7, s3  }
0xd: {  	s8 =	simm.s32 $0x1;
	s6 =	sadd.s32 $0x7E00, s6;
	s3 =	sadd.s32 $0x2E00, s7  }
0xe: {  	s7 =	sadd.s32 s30, s5;
	s5 =	sadd.s32 s10, s5;
	s10 =	simm.s32 $0x80  }
0xf: {  	v0 =	vimm.f32 $0.0e+00;
	v1 =	vimm.f32 $1.000000000e+00;
	vm0 =	vmmov $0xff;
	s4 =	sadd.s32 s4, s7;
	s7 =	smax.u32 s9, $0x1;
	s9 =	simm.s32 $0x1400  }
.LBB2_8:
0x10: {  	v2 =	vld [tilespmem:s19+$0x3C80]  }
0x11: {  	v3 =	vld [tilespmem:s19+$0x3C00];
	_ =	sdelay $0x1  }
0x12: {  	v4 =	vld [tilespmem:s19+$0x3D00];
	_ =	sdelay $0x1  }
0x13: {  	v5 =	vld [tilespmem:s19+$0x3D80]  }
0x14: {  	v2 =	vadd.f32 v2, v3  }
0x15: {  	v3 =	vld [tilespmem:s19+$0x3E00]  }
0x16: {  	v2 =	vadd.f32 v4, v2  }
0x17: {  	v56 =	vld [tilespmem:s19+$0x3E80]  }
0x18: {  	v2 =	vadd.f32 v5, v2  }
0x19: {  	v57 =	vld [tilespmem:s19+$0x3F00]  }
0x1a: {  	v2 =	vadd.f32 v3, v2  }
0x1b: {  	v3 =	vld [tilespmem:s19+$0x3F80]  }
0x1c: {  	v2 =	vadd.f32 v56, v2  }
0x1d: {  	v58 =	vld [tilespmem:s19+$0x7C00]  }
0x1e: {  	v2 =	vadd.f32 v57, v2  }
0x1f: {  	v59 =	vld [tilespmem:s19+$0x7C80]  }
0x20: {  	v2 =	vadd.f32 v3, v2  }
0x21: {  	v3 =	vld [tilespmem:s19+$0x7D00]  }
0x22: {  	v2 =	vadd.f32 v58, v2  }
0x23: {  	v60 =	vld [tilespmem:s19+$0x7D80]  }
0x24: {  	v2 =	vadd.f32 v59, v2  }
0x25: {  	v61 =	vld [tilespmem:s19+$0x7E00]  }
0x26: {  	v2 =	vadd.f32 v3, v2  }
0x27: {  	v3 =	vld [tilespmem:s19+$0x7E80]  }
0x28: {  	v2 =	vadd.f32 v60, v2  }
0x29: {  	v62 =	vld [tilespmem:s19+$0x7F00]  }
0x2a: {  	v2 =	vadd.f32 v61, v2  }
0x2b: {  	v63 =	vld [tilespmem:s19+$0x7F80]  }
0x2c: {  	v2 =	vadd.f32 v3, v2;
	_ =	sdelay $0x1  }
0x2d: {  	v2 =	vadd.f32 v62, v2;
	_ =	sdelay $0x1  }
0x2e: {  	v2 =	vadd.f32 v63, v2  }
0x2f: {  	s18 =	sadd.s32 $0x10, s18  }
0x30: {  	[tilespmem:s18+$0x0] =	vst v2  }
0x31: {  	[hbm4b:s6+s10] =	stream.strided.scatter [tilespmem:s16], [sflag:$0x1], $0x800, s15, s10, $0x38;
	[tilespmem:$0xEC00] =	vst v63  }
0x32: {  	_ =	swait.ge [sflag:s8], $0x800  }
0x33: {  	[sflag:s8] =	ssyncset.done $0x0  }
0x34: {  	[sflag:s8] =	ssyncadd.s32 $0xFFFFF800  }
.LBB2_9:
0x35: {  	s17 =	sadd.s32 $0x1, s17  }
0x36: {  	p1 =	sne.s32 s17, s7  }
.Ltmp1:
0x37: {  	_ = 	snop;
	(pc) =	sbr.rel @!p1 .LBB2_10-.Ltmp1, $1  }
0x38: {  	_ =	sdelay $0x3  }
.LBB2_1:
0x39: {  	[tilespmem:s2], [sflag:$0x1] =	stream.linear.gather [hbm4b:s3+s2], $0x1388, $0x38;
	[tilespmem:$0xEC00] =	vst v63  }
0x3a: {  	_ =	swait.ge [sflag:s8], $0x1388  }
0x3b: {  	[sflag:s8] =	ssyncset.done $0x0  }
0x3c: {  	s18 =	simm.s32 $0x0;
	[sflag:s8] =	ssyncadd.s32 $0xFFFFEC78  }
.LBB2_2:
0x3d: {  	p1 =	sne.s32 s18, $0x9FC0  }
.Ltmp2:
0x3e: {  	_ = 	snop;
	(pc) =	sbr.rel @p1 .LBB2_2-.Ltmp2, $3  }
0x3f: {  	_ =	sdelay $0x1  }
0x40: {  	s19 =	sshra.s32 s18, $0x2  }
0x41: {  	s18 =	sadd.s32 $0x40, s18;
	[tilespmem:s19+$0x1400] =	vst v0  }
0x42: {  	s19 =	simm.s32 $0x0;
	s18 =	simm.s32 $0x40  }
.LBB2_4:
0x43: {  	p1 =	sne.s32 s18, $0x4DC0;
	v2 =	vld [tilespmem:s19+$0x0];
	_ =	sdelay $0x3  }
.Ltmp3:
0x44: {  	(pc) =	sbr.rel @p1 .LBB2_4-.Ltmp3, $2  }
0x45: {  	_ =	sdelay $0x2  }
0x46: {  	s19 =	sshra.s32 s18, $0x2;
	s18 =	sadd.s32 $0x40, s18;
	[tilespmem:v2+s9+$0x0] =	vst.idx.add.f32.msk $0xffff, v1  }
0x47: {  	v2 =	vld [tilespmem:s19+$0x0];
	_ =	sdelay $0x7  }
0x48: {  	[tilespmem:v2+s9+$0x0] =	vst.idx.add.f32.msk $0xffff, v1  }
0x49: {  	v2 =	vld [tilespmem:$0x1380];
	_ =	sdelay $0x4  }
0x4a: {  	v2 =	vnsel vm0, $0x0, v2;
	_ =	sdelay $0x4  }
0x4b: {  	[tilespmem:v2+s9+$0x0] =	vst.idx.add.f32.msk $0xff, v1  }
0x4c: {  	[spmem:s4] =	stream.strided.scatter [tilespmem:s9], [sflag:$0x1], $0x2800, s11, s10, $0x38;
	[tilespmem:$0xEC00] =	vst v63  }
.Ltmp4:
0x4d: {  	_ =	swait.ge [sflag:s8], $0x2800;
	(pc) =	sbr.rel @p0 .LBB2_9-.Ltmp4, $3  }
0x4e: {  	[sflag:s8] =	ssyncset.done $0x0  }
0x4f: {  	[sflag:s8] =	ssyncadd.s32 $0xFFFFD800  }
0x50: {  	[bflag:$0x0] =	sbarrier.arrive $0xFFFF;
	_ =	sdelay $0x1  }
0x51: {  	[tilespmem:s14], [sflag:$0x1] =	stream.strided.gather [spmem:s5], $0x8000, s13, s12, $0x38;
	[tilespmem:$0xEC00] =	vst v63  }
0x52: {  	s18 =	simm.s32 $0x0;
	_ =	swait.ge [sflag:s8], $0x8000  }
0x53: {  	s19 =	sand.u32 $0x70, s18;
	s18 =	sand.u32 $0x3C00, s18;
	[sflag:s8] =	ssyncset.done $0x0  }
0x54: {  	s18 =	sor.u32 s19, s18;
	[sflag:s8] =	ssyncadd.s32 $0xFFFF8000  }
0x55: {  	v2 =	vld [tilespmem:s18+$0x3C80]  }
0x56: {  	v3 =	vld [tilespmem:s18+$0x3C00];
	_ =	sdelay $0x1  }
0x57: {  	v4 =	vld [tilespmem:s18+$0x3D00];
	_ =	sdelay $0x1  }
0x58: {  	v5 =	vld [tilespmem:s18+$0x3D80]  }
0x59: {  	v2 =	vadd.f32 v2, v3  }
0x5a: {  	v3 =	vld [tilespmem:s18+$0x3E00]  }
0x5b: {  	v2 =	vadd.f32 v4, v2  }
0x5c: {  	v56 =	vld [tilespmem:s18+$0x3E80]  }
0x5d: {  	v2 =	vadd.f32 v5, v2  }
0x5e: {  	v57 =	vld [tilespmem:s18+$0x3F00]  }
0x5f: {  	v2 =	vadd.f32 v3, v2  }
0x60: {  	v3 =	vld [tilespmem:s18+$0x3F80]  }
0x61: {  	v2 =	vadd.f32 v56, v2  }
0x62: {  	v58 =	vld [tilespmem:s18+$0x7C00]  }
0x63: {  	v2 =	vadd.f32 v57, v2  }
0x64: {  	v59 =	vld [tilespmem:s18+$0x7C80]  }
0x65: {  	v2 =	vadd.f32 v3, v2  }
0x66: {  	v3 =	vld [tilespmem:s18+$0x7D00]  }
0x67: {  	v2 =	vadd.f32 v58, v2  }
0x68: {  	v60 =	vld [tilespmem:s18+$0x7D80]  }
0x69: {  	v2 =	vadd.f32 v59, v2  }
0x6a: {  	v61 =	vld [tilespmem:s18+$0x7E00]  }
0x6b: {  	v2 =	vadd.f32 v3, v2  }
0x6c: {  	v3 =	vld [tilespmem:s18+$0x7E80]  }
0x6d: {  	v2 =	vadd.f32 v60, v2  }
0x6e: {  	v62 =	vld [tilespmem:s18+$0x7F00]  }
0x6f: {  	v2 =	vadd.f32 v61, v2  }
0x70: {  	v63 =	vld [tilespmem:s18+$0x7F80]  }
0x71: {  	v2 =	vadd.f32 v3, v2;
	_ =	sdelay $0x1  }
0x72: {  	v2 =	vadd.f32 v62, v2;
	_ =	sdelay $0x1  }
0x73: {  	s31 =	simm.s32 $0x10;
	s20 =	simm.s32 $0x80;
	v2 =	vadd.f32 v63, v2  }
0x74: {  	s21 =	sand.u32 $0x3C00, s20;
	s19 =	sand.u32 $0x70, s31;
	s18 =	simm.s32 $0xBC00  }
0x75: {  	s19 =	sor.u32 s19, s21;
	s21 =	simm.s32 $0x20;
	[tilespmem:s18+$0x0] =	vst v2  }
.LBB2_7:
0x76: {  	p1 =	sne.s32 s21, $0x7F0;
	v2 =	vld [tilespmem:s19+$0x3C80]  }
0x77: {  	v3 =	vld [tilespmem:s19+$0x3C00];
	_ =	sdelay $0x1  }
0x78: {  	v4 =	vld [tilespmem:s19+$0x3D00];
	_ =	sdelay $0x1  }
0x79: {  	v5 =	vld [tilespmem:s19+$0x3D80]  }
0x7a: {  	v2 =	vadd.f32 v2, v3  }
0x7b: {  	v3 =	vld [tilespmem:s19+$0x3E00]  }
0x7c: {  	v2 =	vadd.f32 v4, v2  }
0x7d: {  	v4 =	vld [tilespmem:s19+$0x3E80]  }
0x7e: {  	v2 =	vadd.f32 v5, v2  }
0x7f: {  	v5 =	vld [tilespmem:s19+$0x3F00]  }
0x80: {  	v2 =	vadd.f32 v3, v2  }
0x81: {  	v3 =	vld [tilespmem:s19+$0x3F80]  }
0x82: {  	v2 =	vadd.f32 v4, v2  }
0x83: {  	v4 =	vld [tilespmem:s19+$0x7C00]  }
0x84: {  	v2 =	vadd.f32 v5, v2  }
0x85: {  	v5 =	vld [tilespmem:s19+$0x7C80]  }
0x86: {  	v2 =	vadd.f32 v3, v2  }
0x87: {  	v3 =	vld [tilespmem:s19+$0x7D00]  }
0x88: {  	v2 =	vadd.f32 v4, v2  }
0x89: {  	v4 =	vld [tilespmem:s19+$0x7D80]  }
0x8a: {  	v2 =	vadd.f32 v5, v2  }
0x8b: {  	v5 =	vld [tilespmem:s19+$0x7E00]  }
0x8c: {  	v2 =	vadd.f32 v3, v2  }
0x8d: {  	v3 =	vld [tilespmem:s19+$0x7E80]  }
0x8e: {  	v2 =	vadd.f32 v4, v2  }
0x8f: {  	v4 =	vld [tilespmem:s19+$0x7F00]  }
0x90: {  	v2 =	vadd.f32 v5, v2  }
0x91: {  	v5 =	vld [tilespmem:s19+$0x7F80]  }
0x92: {  	v2 =	vadd.f32 v3, v2;
	_ =	sdelay $0x1  }
.Ltmp5:
0x93: {  	v2 =	vadd.f32 v4, v2;
	(pc) =	sbr.rel @p1 .LBB2_7-.Ltmp5, $4  }
0x94: {  	_ = 	snop  }
0x95: {  	s20 =	sadd.s32 $0x80, s20;
	v2 =	vadd.f32 v5, v2  }
0x96: {  	s18 =	sadd.s32 $0x10, s18;
	s22 =	sand.u32 $0x3C00, s20;
	s19 =	sand.u32 $0x70, s21  }
0x97: {  	s21 =	sadd.s32 $0x10, s21;
	s19 =	sor.u32 s19, s22;
	[tilespmem:s18+$0x0] =	vst v2  }
.Ltmp6:
0x98: {  	_ = 	snop;
	(pc) =	sbr.rel .LBB2_8-.Ltmp6, $1  }
0x99: {  	_ =	sdelay $0x3  }
.LBB2_10:
0x9a: {  	_ =	sfence.sel $0x180000  }
0x9b: {  	[bflag:$0x0] =	sbarrier.arrive $0xFFFF  }
0x9c: {  	p0 =	sne.s32 s1, $0x0;
	_ =	strace $0x90000047  }
0x9d: {  	s0 =	sadd.s32 @!p0 $0x100000, s0;
	[bflag:$0x2] =	sbarrier.arrive $0xFFFF  }
0x9e: {  	[sflag:s0] =	ssyncadd.tile.s32 @!p0 $0x1;
	_ =	shalt  }
.Lfunc_end2:
_tile_overlayer_lowered:
.L_overlay_start_2:
0x9f: {  	(tag) =	ssettag $0x2  }
0xa0: {  	s0 =	rddreg [dreg:$0x0];
	s2 =	stileid.u32  }
0xa1: {  	s1 =	rddreg [dreg:$0x1];
	p0 =	sne.s32 s2, $0x0  }
0xa2: {  	s3 =	rddreg [dreg:$0x2];
	[bflag:$0x3] =	sbarrier.arrive $0xFFFF;
	s2 =	simm.s32 @!p0 $0x1C01  }
0xa3: {  	[timem:s3], [sflag:s2] =	dma.local @!p0 [hbm:s0], s1  }
0xa4: {  	s0 =	simm.s32 @!p0 $0x1  }
0xa5: {  	_ =	swait.ge @!p0 [sflag:s0], s1  }
0xa6: {  	s1 =	ssub.s32 @!p0 $0x0, s1;
	[sflag:s0] =	ssyncset.done @!p0 $0x0  }
0xa7: {  	[sflag:s0] =	ssyncadd.s32 @!p0 s1  }
0xa8: {  	[bflag:$0x3] =	sbarrier.arrive $0xFFFF  }
0xa9: {  	_ =	shalt  }

// kernel: kernel.14.cloned.1.call-start
scs
__scs_entry_jumppad:
0x0: {  	(pc) =	sbr.rel $0x88, $3  }
0x1: {  	(tag) =	ssettag $0x0;
	lr =	simm.s32 $0x1  }
0x2: {  	[smem:$0x3F95] =	sst lr;
	_ =	strace $0xD0000000  }
0x3: {  	_ = 	snop  }
0x4: {  	_ = 	snop  }
0x5: {  	_ = 	snop  }
0x6: {  	_ = 	snop  }
0x7: {  	_ = 	snop  }
__scs_overlays_trampoline_lowered:
0x8: {  	[smem:$0x3FA4] =	sst s0  }
0x9: {  	[smem:$0x3FA5] =	sst s1  }
0xa: {  	[smem:$0x3FA6] =	sst s2  }
0xb: {  	[smem:$0x3FA7] =	sst s3  }
0xc: {  	[smem:$0x3FA8] =	sst s4  }
0xd: {  	[smem:$0x3FA9] =	sst s5  }
0xe: {  	[smem:$0x3FAA] =	sst s6  }
0xf: {  	[smem:$0x3FAB] =	sst s7  }
0x10: {  	[smem:$0x3FAC] =	sst s8  }
0x11: {  	[smem:$0x3FAD] =	sst s9;
	s0 =	simm.s32 @!p0 $0x0  }
0x12: {  	s1 =	sld [smem:$0x3F93];
	s0 =	simm.s32 @p0 $0x1  }
0x13: {  	[smem:$0x3FAE] =	sst s0;
	s0 =	simm.s32 @!p1 $0x0  }
0x14: {  	s2 =	sld [smem:$0x3F92];
	s0 =	simm.s32 @p1 $0x1  }
0x15: {  	[smem:$0x3FAF] =	sst s0;
	s0 =	simm.s32 @!p2 $0x0  }
0x16: {  	s3 =	sld [smem:$0x3FDB];
	s0 =	simm.s32 @p2 $0x1  }
0x17: {  	s4 =	simm.s32 $0x1BF5;
	[smem:$0x3FB1] =	sst s0  }
0x18: {  	s0 =	sld [smem:$0x3F94];
	_ =	swait.ge [sflag:s4], $0x0  }
0x19: {  	s7 =	sld [smem:$0x3F95]  }
0x1a: {  	s8 =	sadd.s32 $0xFFFFE003, lr  }
0x1b: {  	s9 =	sadd.s32 $0xFFFFFEF7, lr;
	s5 =	simm.s32 $0xFFFFFFFF;
	p2 =	slt.u32 s8, $0xFFFFF086  }
0x1c: {  	p1 =	slt.u32 s9, $0xF7A;
	s5 =	simm.s32 @!p2 $0x0  }
0x1d: {  	s5 =	simm.s32 @p1 $0x1;
	p0 =	seq.s32 s7, s2  }
0x1e: {  	s7 =	smul.u32 @!p0 $0xF7A, s2;
	p2 =	seq.s32 @!p0 s5, $0x0  }
0x1f: {  	s9 =	smul.u32 $0xF7A, s1;
	s8 =	simm.s32 @!p0 $0x1BF5;
	p2 =	por !p2, p0  }
0x20: {  	[sflag:s8] =	ssyncset.s32 @!p0 $0xFFFFF086;
	s6 =	sadd.s32 @!p0 s3, s7;
	s7 =	simm.s32 @!p0 $0x108  }
0x21: {  	s3 =	sadd.s32 s3, s9;
	s6 =	sadd.s32 @!p0 $0x88, s6;
	s7 =	simm.s32 @p2 $0x1082  }
0x22: {  	[simem:s7], [sflag:s8] =	dma.local @!p0 [hbm:s6], $0xF7A  }
0x23: {  	s9 =	sor.u32 $0xD0000000, s2;
	s6 =	simm.s32 $0x108;
	_ =	swait.ge @!p0 [sflag:s8], $0x0  }
0x24: {  	s3 =	sadd.s32 $0x88, s3;
	s6 =	simm.s32 @!p1 $0x1082;
	[sflag:s4] =	ssyncset.s32 $0xFFFFF086  }
0x25: {  	[simem:s6], [sflag:s4] =	dma.local [hbm:s3], $0xF7A  }
0x26: {  	[smem:$0x3F95] =	sst s1;
	(tag) =	ssettag s2;
	_ =	strace s9  }
0x27: {  	s1 =	sld [smem:$0x3FA5]  }
0x28: {  	s2 =	sld [smem:$0x3FA6]  }
0x29: {  	s4 =	sld [smem:$0x3FA8]  }
0x2a: {  	p0 =	seq.s32 s5, $0x0;
	s5 =	sld [smem:$0x3FA9]  }
0x2b: {  	s6 =	sld [smem:$0x3FAA]  }
0x2c: {  	s7 =	sld [smem:$0x3FAB]  }
0x2d: {  	s3 =	simm.s32 $0x108;
	s8 =	sld [smem:$0x3FAC]  }
0x2e: {  	s3 =	simm.s32 @!p0 $0x1082;
	s9 =	sld [smem:$0x3FAD]  }
0x2f: {  	lr =	sadd.s32 s0, s3;
	s0 =	sld [smem:$0x3FA4]  }
0x30: {  	s3 =	sld [smem:$0x3FA7]  }
0x31: {  	[smem:$0x3FB0] =	sst s10  }
0x32: {  	s10 =	sld [smem:$0x3FAE];
	_ =	sdelay $0x3  }
0x33: {  	p0 =	seq.s32 s10, $0x1;
	s10 =	sld [smem:$0x3FB0];
	_ =	sdelay $0x3  }
0x34: {  	[smem:$0x3FB0] =	sst s10  }
0x35: {  	s10 =	sld [smem:$0x3FAF];
	_ =	sdelay $0x3  }
0x36: {  	p1 =	seq.s32 s10, $0x1;
	s10 =	sld [smem:$0x3FB0];
	_ =	sdelay $0x3  }
0x37: {  	[smem:$0x3FB0] =	sst s10  }
0x38: {  	s10 =	sld [smem:$0x3FB1]  }
0x39: {  	_ = 	snop;
	(pc) =	sbr.ind lr, $3  }
0x3a: {  	_ = 	snop  }
0x3b: {  	_ = 	snop  }
0x3c: {  	p2 =	seq.s32 s10, $0x1;
	s10 =	sld [smem:$0x3FB0]  }
0x3d: {  	_ =	shalt  }
0x3e: {  	_ =	shalt  }
0x3f: {  	_ =	shalt  }
0x40: {  	_ =	shalt  }
0x41: {  	_ =	shalt  }
0x42: {  	_ =	shalt  }
0x43: {  	_ =	shalt  }
0x44: {  	_ =	shalt  }
0x45: {  	_ =	shalt  }
0x46: {  	_ =	shalt  }
0x47: {  	_ =	shalt  }
0x48: {  	_ =	shalt  }
0x49: {  	_ =	shalt  }
0x4a: {  	_ =	shalt  }
0x4b: {  	_ =	shalt  }
0x4c: {  	_ =	shalt  }
0x4d: {  	_ =	shalt  }
0x4e: {  	_ =	shalt  }
0x4f: {  	_ =	shalt  }
0x50: {  	_ =	shalt  }
0x51: {  	_ =	shalt  }
0x52: {  	_ =	shalt  }
0x53: {  	_ =	shalt  }
0x54: {  	_ =	shalt  }
0x55: {  	_ =	shalt  }
0x56: {  	_ =	shalt  }
0x57: {  	_ =	shalt  }
0x58: {  	_ =	shalt  }
0x59: {  	_ =	shalt  }
0x5a: {  	_ =	shalt  }
0x5b: {  	_ =	shalt  }
0x5c: {  	_ =	shalt  }
0x5d: {  	_ =	shalt  }
0x5e: {  	_ =	shalt  }
0x5f: {  	_ =	shalt  }
0x60: {  	_ =	shalt  }
0x61: {  	_ =	shalt  }
0x62: {  	_ =	shalt  }
0x63: {  	_ =	shalt  }
0x64: {  	_ =	shalt  }
0x65: {  	_ =	shalt  }
0x66: {  	_ =	shalt  }
0x67: {  	_ =	shalt  }
0x68: {  	_ =	shalt  }
0x69: {  	_ =	shalt  }
0x6a: {  	_ =	shalt  }
0x6b: {  	_ =	shalt  }
0x6c: {  	_ =	shalt  }
0x6d: {  	_ =	shalt  }
0x6e: {  	_ =	shalt  }
0x6f: {  	_ =	shalt  }
0x70: {  	_ =	shalt  }
0x71: {  	_ =	shalt  }
0x72: {  	_ =	shalt  }
0x73: {  	_ =	shalt  }
0x74: {  	_ =	shalt  }
0x75: {  	_ =	shalt  }
0x76: {  	_ =	shalt  }
0x77: {  	_ =	shalt  }
0x78: {  	_ =	shalt  }
0x79: {  	_ =	shalt  }
0x7a: {  	_ =	shalt  }
0x7b: {  	_ =	shalt  }
0x7c: {  	_ =	shalt  }
0x7d: {  	_ =	shalt  }
0x7e: {  	_ =	shalt  }
0x7f: {  	_ =	shalt  }
0x80: {  	_ =	shalt  }
0x81: {  	_ =	shalt  }
0x82: {  	_ =	shalt  }
0x83: {  	_ =	shalt  }
0x84: {  	_ =	shalt  }
0x85: {  	_ =	shalt  }
0x86: {  	_ =	shalt  }
0x87: {  	_ =	shalt  }
.Lfunc_end0:
.L_simem_size_0:
called_computation.1_lowered:
.L_overlay_start_0:
0x88: {  	s2 =	sld [smem:$0x3FD9]  }
0x89: {  	s3 =	sld [smem:$0x3FFE];
	_ =	sdelay $0x1  }
0x8a: {  	s1 =	srdreg.scid  }
0x8b: {  	s0 =	sand.u32 $0x1, s1  }
0x8c: {  	s16 =	sshll.u32 s0, $0xA;
	s2 =	sadd.s32 s3, s2  }
0x8d: {  	s2 =	sadd.s32 s2, s16  }
0x8e: {  	[smem:$0x3FBC] =	sst s2  }
0x8f: {  	_ = 	snop  }
0x90: {  	(tm) =	ssettm $0x1  }
0x91: {  	s17 =	sld [smem:$0x3FFB];
	_ =	sdelay $0x3  }
0x92: {  	_ =	strace s17  }
0x93: {  	s2 =	sld [smem:$0x3FFC];
	_ =	sdelay $0x3  }
0x94: {  	_ =	strace s2  }
0x95: {  	s2 =	sld [smem:$0x3FFD];
	_ =	sdelay $0x3  }
0x96: {  	_ =	strace s2  }
0x97: {  	_ =	strace $0x8FFFFFFF  }
0x98: {  	s18 =	sld [smem:$0x3FDB];
	_ =	sdelay $0x1  }
0x99: {  	s19 =	simm.s32 $_scs_section_size  }
0x9a: {  	s4 =	simm.s32 $_size__tile_overlayer_lowered;
	s5 =	simm.s32 $_tile_overlayer_lowered  }
0x9b: {  	s22 =	simm.s32 $0x1BFF;
	s21 =	sshll.u32 s5, $0x1;
	s2 =	sadd.s32 s19, s18  }
0x9c: {  	s6 =	simm.s32 $0x0;
	s20 =	sshll.u32 s4, $0x1;
	s4 =	sadd.s32 s21, s2  }
0x9d: {  	[timem:s6], [sflag:s22] =	dma.local [hbm:s4], s20  }
0x9e: {  	_ =	swait.ge [sflag:s22], s20  }
0x9f: {  	s3 =	ssub.s32 $0x0, s20;
	[sflag:s22] =	ssyncset.done $0x0  }
0xa0: {  	[sflag:s22] =	ssyncadd.s32 s3;
	_ =	sdelay $0x1  }
0xa1: {  	s23 =	simm.s32 $0x1B8B  }
0xa2: {  	_ =	swait.ge [sflag:s23], $0x1  }
0xa3: {  	[sflag:s23] =	ssyncset.done $0x0  }
0xa4: {  	s25 =	simm.s32 $0x1B8E;
	s24 =	sld [smem:$0x3FFE];
	[sflag:s23] =	ssyncadd.s32 $0xFFFFFFFF  }
0xa5: {  	s26 =	simm.s32 $execute0_lowered;
	[smem:$0x3FD2] =	sst s25  }
0xa6: {  	s4 =	sshll.u32 s26, $0x1;
	_ =	strace $0x80000049;
	[dreg:$0x1] =	wrdreg $0xFFFFFFFF  }
0xa7: {  	s28 =	simm.s32 $_size_execute0_lowered;
	s2 =	sadd.s32 s2, s4;
	[dreg:$0x0] =	wrdreg $0x0  }
0xa8: {  	s4 =	sshll.u32 s28, $0x1;
	[dreg:$0x2] =	wrdreg s2  }
0xa9: {  	[dreg:$0x3] =	wrdreg s4  }
0xaa: {  	[dreg:$0x4] =	wrdreg $0xC0  }
0xab: {  	_ =	task [dreg:s6], $0x5FFFF  }
0xac: {  	[dreg:$0x1] =	wrdreg $0xFFFFFFFF  }
0xad: {  	[dreg:$0x0] =	wrdreg $0x60  }
0xae: {  	[dreg:$0x2] =	wrdreg s24  }
0xaf: {  	[dreg:$0x3] =	wrdreg $0xB7800  }
0xb0: {  	[dreg:$0x4] =	wrdreg $0x9  }
0xb1: {  	_ =	task.clear_ibuf [dreg:s6], $0x5FFFF;
	_ =	strace $0x90000049  }
0xb2: {  	s29 =	simm.s32 $0x9;
	_ =	strace $0x8000004B  }
0xb3: {  	_ =	swait.ge [sflag:s29], $0x1  }
0xb4: {  	[sflag:s29] =	ssyncadd.s32 $0xFFFFFFFF  }
0xb5: {  	_ =	strace $0x9000004B  }
0xb6: {  	_ =	sfence  }
0xb7: {  	s30 =	sld [smem:$0x0];
	_ =	sdelay $0x2  }
0xb8: {  	s31 =	sshll.u32 s1, $0xD;
	s1 =	sshrl.u32 s1, $0x2  }
0xb9: {  	s3 =	sand.u32 $0x4000, s31;
	s1 =	sadd.s32 s1, s30  }
0xba: {  	s0 =	sor.u32 s3, s0;
	s1 =	sshll.u32 s1, $0x11  }
0xbb: {  	s0 =	sor.u32 s1, s0  }
0xbc: {  	s0 =	sadd.s32 $0x8F2B, s0  }
0xbd: {  	[sflag:s0] =	ssyncadd.remote.s32 $0x1  }
0xbe: {  	_ =	sfence.sel $0xFFFF  }
0xbf: {  	[dreg:$0x0] =	wrdreg $0xFFFFFFFF;
	(pc) =	sbr.abs _section_cstart, $3  }
0xc0: {  	[dreg:$0x1] =	wrdreg $0xFFFFFFFF  }
0xc1: {  	_ =	task.clear_ibuf [dreg:s6], $0x2FFFF;
	_ =	strace $0x9FFFFFFF  }
0xc2: {  	(tm) =	ssettm $0x7FFFFFFF  }
0xc3: {  	_ =	shalt  }
tec
execute0_lowered:
.L_overlay_start_1:
0x0: {  	(tag) =	ssettag $0x1  }
0x1: {  	s0 =	srdreg.scid;
	s6 =	rddreg [dreg:$0x0]  }
0x2: {  	s2 =	rddreg [dreg:$0x1];
	s3 =	simm.s32 $0x0;
	s13 =	simm.s32 $0x30  }
0x3: {  	s14 =	simm.s32 $0x6780;
	s15 =	simm.s32 $0x20;
	s16 =	simm.s32 $0x7F80  }
0x4: {  	s17 =	simm.s32 $0x8F80;
	s18 =	simm.s32 $0xA780;
	s19 =	simm.s32 $0x1  }
0x5: {  	s20 =	simm.s32 $0x3;
	s21 =	simm.s32 $0x50;
	s7 =	sand.u32 $0x1, s0  }
0x6: {  	s22 =	simm.s32 $0x2;
	s0 =	stileid.u32;
	s4 =	smul.u32 $0x27100, s7  }
0x7: {  	s23 =	simm.s32 $0x4;
	s24 =	simm.s32 $0x6580;
	s5 =	smul.u32 $0x2710, s0  }
0x8: {  	s25 =	simm.s32 $0x0;
	[smem:$0x7FF] =	sst s3;
	s30 =	smul.u32 $0x138800, s7  }
0x9: {  	_ =	strace $0x8000004A;
	s9 =	smul.u32 $0x1F400, s0;
	s10 =	sshll.u32 s0, $0xB  }
0xa: {  	s11 =	smul.u32 $0x7D000, s0;
	s7 =	ssub.s32 $0x2, s7;
	p0 =	sgt.u32 s0, $0x9  }
0xb: {  	s10 =	sadd.s32 s10, s6;
	s31 =	sshrl.u32 s7, $0x1;
	s4 =	sadd.s32 s5, s4  }
0xc: {  	s9 =	sadd.s32 s9, s30;
	s5 =	sadd.s32 $0x2E00, s6;
	s11 =	sshrl.u32 s11, $0x2  }
0xd: {  	s12 =	ssub.s32 s7, s31;
	s7 =	sadd.s32 $0x8800, s10;
	s10 =	sshll.u32 @!p0 s0, $0x6  }
0xe: {  	s8 =	sshrl.u32 s4, $0x3;
	s4 =	sadd.s32 $0x1A600, s6;
	s9 =	sshrl.u32 s9, $0x3  }
0xf: {  	s11 =	sadd.s32 s11, s2;
	s10 =	sor.u32 @!p0 $0x1C05, s10;
	s8 =	sadd.s32 s8, s6  }
0x10: {  	s9 =	sadd.s32 s9, s6;
	s11 =	sshrl.u32 @!p0 s11, $0x3;
	s6 =	sadd.s32 $0x10800, s8  }
0x11: {  	s8 =	sadd.s32 $0x68800, s9;
	s9 =	smax.u32 s12, $0x1;
	s12 =	simm.s32 $0x5  }
.LBB2_1:
0x12: {  	[spmem:s11], [sflag:s10] =	dma.local @!p0 [hbm:s5], $0x3E80  }
0x13: {  	s26 =	simm.s32 @!p0 $0x5  }
0x14: {  	_ =	swait.ge @!p0 [sflag:s26], $0x3E80  }
0x15: {  	[sflag:s26] =	ssyncset.done @!p0 $0x0  }
0x16: {  	[sflag:s26] =	ssyncadd.s32 @!p0 $0xFFFFC180  }
0x17: {  	[tilespmem:s3], [sflag:$0x5] =	stream.linear.gather [hbm4b:s6+s3], $0x2710, $0x38;
	[tilespmem:$0x1F000] =	vst v63  }
0x18: {  	_ =	swait.ge [sflag:s12], $0x2710  }
0x19: {  	[sflag:s12] =	ssyncset.done $0x0  }
0x1a: {  	s31 =	simm.s32 $0x2780;
	[sflag:s12] =	ssyncadd.s32 $0xFFFFD8F0  }
0x1b: {  	[tilespmem:s31], [sflag:$0x5] =	stream.linear.gather [hbm4b:s7+s3], $0x3E80, $0x38;
	[tilespmem:$0x1F000] =	vst v63  }
0x1c: {  	_ =	swait.ge [sflag:s12], $0x3E80  }
0x1d: {  	[sflag:s12] =	ssyncset.done $0x0  }
0x1e: {  	[sflag:s12] =	ssyncadd.s32 $0xFFFFC180  }
0x1f: {  	[bflag:$0x0] =	sbarrier.arrive $0xFFFF  }
0x20: {  	[tilespmem:s14], [sflag:$0x1] =	stream.indirect.gather [hbm4b:s4+s13], $0x80, s3, s13, $0xb8;
	[tilespmem:$0x1F000] =	vst v63  }
0x21: {  	_ = 	snop  }
0x22: {  	[tilespmem:s16], [sflag:$0x3] =	stream.indirect.gather [hbm4b:s4+s15], $0x80, s13, s15, $0xb8;
	[tilespmem:$0x1F000] =	vst v63  }
0x23: {  	s28 =	simm.s32 $0x50  }
0x24: {  	[tilespmem:s17], [sflag:$0x2] =	stream.indirect.gather [hbm4b:s4+s13], $0x80, s28, s13, $0xb8;
	[tilespmem:$0x1F000] =	vst v63  }
0x25: {  	s28 =	simm.s32 $0x80  }
0x26: {  	[tilespmem:s18], [sflag:$0x4] =	stream.indirect.gather [hbm4b:s4+s15], $0x80, s28, s15, $0xb8;
	[tilespmem:$0x1F000] =	vst v63  }
0x27: {  	_ =	swait.ge [sflag:s19], $0x1800  }
0x28: {  	[sflag:s19] =	ssyncset.done $0x0  }
0x29: {  	[sflag:s19] =	ssyncadd.s32 $0xFFFFE800  }
0x2a: {  	_ =	swait.ge [sflag:s20], $0x1000  }
0x2b: {  	[sflag:s20] =	ssyncset.done $0x0  }
0x2c: {  	[sflag:s20] =	ssyncadd.s32 $0xFFFFF000  }
0x2d: {  	[spmem:s2] =	stream.indirect.scatter.add.f32 [tilespmem:s14], [sflag:$0x5], $0x80, s31, s21, $0xb8;
	[tilespmem:$0x1F000] =	vst v63  }
0x2e: {  	_ =	swait.ge [sflag:s12], $0x2800  }
0x2f: {  	[sflag:s12] =	ssyncset.done $0x0  }
0x30: {  	s1 =	simm.s32 $0xA0;
	[sflag:s12] =	ssyncadd.s32 $0xFFFFD800  }
0x31: {  	[tilespmem:s14], [sflag:$0x1] =	stream.indirect.gather [hbm4b:s4+s13], $0x80, s1, s13, $0xb8;
	[tilespmem:$0x1F000] =	vst v63  }
0x32: {  	s30 =	simm.s32 $0xD0  }
0x33: {  	[tilespmem:s16], [sflag:$0x3] =	stream.indirect.gather [hbm4b:s4+s15], $0x80, s30, s15, $0xb8;
	[tilespmem:$0x1F000] =	vst v63  }
0x34: {  	_ =	swait.ge [sflag:s22], $0x1800  }
0x35: {  	[sflag:s22] =	ssyncset.done $0x0  }
0x36: {  	[sflag:s22] =	ssyncadd.s32 $0xFFFFE800  }
0x37: {  	_ =	swait.ge [sflag:s23], $0x1000  }
0x38: {  	[sflag:s23] =	ssyncset.done $0x0  }
0x39: {  	s31 =	simm.s32 $0x2800;
	[sflag:s23] =	ssyncadd.s32 $0xFFFFF000  }
0x3a: {  	[spmem:s2] =	stream.indirect.scatter.add.f32 [tilespmem:s17], [sflag:$0x5], $0x80, s31, s21, $0xb8;
	[tilespmem:$0x1F000] =	vst v63  }
0x3b: {  	s29 =	simm.s32 $0x500;
	_ =	swait.ge [sflag:s12], $0x2800  }
0x3c: {  	s26 =	simm.s32 $0x2880;
	s28 =	simm.s32 $0xA0;
	[sflag:s12] =	ssyncset.done $0x0  }
.LBB2_2:
0x3d: {  	s30 =	sadd.s32 $0x50, s28  }
0x3e: {  	[sflag:s12] =	ssyncadd.s32 $0xFFFFD800;
	s31 =	smov.u32 s29;
	s1 =	sadd.s32 $0x280, s29  }
0x3f: {  	[tilespmem:s17], [sflag:$0x2] =	stream.indirect.gather [hbm4b:s4+s13], $0x80, s30, s13, $0xb8;
	[tilespmem:$0x1F000] =	vst v63  }
0x40: {  	p1 =	sne.s32 s29, $0x9880;
	s29 =	sadd.s32 $0x80, s28  }
0x41: {  	[tilespmem:s18], [sflag:$0x4] =	stream.indirect.gather [hbm4b:s4+s15], $0x80, s29, s15, $0xb8;
	[tilespmem:$0x1F000] =	vst v63  }
0x42: {  	_ =	swait.ge [sflag:s19], $0x1800  }
0x43: {  	[sflag:s19] =	ssyncset.done $0x0  }
0x44: {  	[sflag:s19] =	ssyncadd.s32 $0xFFFFE800  }
0x45: {  	_ =	swait.ge [sflag:s20], $0x1000  }
0x46: {  	[sflag:s20] =	ssyncset.done $0x0  }
0x47: {  	[sflag:s20] =	ssyncadd.s32 $0xFFFFF000  }
0x48: {  	[spmem:s2] =	stream.indirect.scatter.add.f32 [tilespmem:s14], [sflag:$0x5], $0x80, s26, s21, $0xb8;
	[tilespmem:$0x1F000] =	vst v63  }
0x49: {  	_ =	swait.ge [sflag:s12], $0x2800  }
0x4a: {  	[sflag:s12] =	ssyncset.done $0x0  }
0x4b: {  	s29 =	sadd.s32 $0xA0, s28;
	[sflag:s12] =	ssyncadd.s32 $0xFFFFD800  }
0x4c: {  	[tilespmem:s14], [sflag:$0x1] =	stream.indirect.gather [hbm4b:s4+s13], $0x80, s29, s13, $0xb8;
	[tilespmem:$0x1F000] =	vst v63  }
0x4d: {  	s28 =	sadd.s32 $0xD0, s28  }
0x4e: {  	[tilespmem:s16], [sflag:$0x3] =	stream.indirect.gather [hbm4b:s4+s15], $0x80, s28, s15, $0xb8;
	[tilespmem:$0x1F000] =	vst v63  }
0x4f: {  	_ =	swait.ge [sflag:s22], $0x1800  }
0x50: {  	[sflag:s22] =	ssyncset.done $0x0  }
0x51: {  	[sflag:s22] =	ssyncadd.s32 $0xFFFFE800  }
0x52: {  	_ =	swait.ge [sflag:s23], $0x1000  }
.Ltmp0:
0x53: {  	[sflag:s23] =	ssyncset.done $0x0;
	(pc) =	sbr.rel @p1 .LBB2_2-.Ltmp0, $4  }
0x54: {  	s28 =	sadd.s32 $0x80, s26;
	[sflag:s23] =	ssyncadd.s32 $0xFFFFF000  }
0x55: {  	[spmem:s2] =	stream.indirect.scatter.add.f32 [tilespmem:s17], [sflag:$0x5], $0x80, s28, s21, $0xb8;
	[tilespmem:$0x1F000] =	vst v63  }
0x56: {  	s29 =	smov.u32 s1;
	_ =	swait.ge [sflag:s12], $0x2800  }
0x57: {  	s26 =	sadd.s32 $0x100, s26;
	s28 =	sshra.s32 s31, $0x2;
	[sflag:s12] =	ssyncset.done $0x0  }
0x58: {  	s1 =	sadd.s32 $0x50, s28;
	[sflag:s12] =	ssyncadd.s32 $0xFFFFD800  }
0x59: {  	[tilespmem:s17], [sflag:$0x2] =	stream.indirect.gather [hbm4b:s4+s13], $0x80, s1, s13, $0xb8;
	[tilespmem:$0x1F000] =	vst v63  }
0x5a: {  	s31 =	sadd.s32 $0x80, s28  }
0x5b: {  	[tilespmem:s18], [sflag:$0x4] =	stream.indirect.gather [hbm4b:s4+s15], $0x80, s31, s15, $0xb8;
	[tilespmem:$0x1F000] =	vst v63  }
0x5c: {  	_ =	swait.ge [sflag:s19], $0x1800  }
0x5d: {  	[sflag:s19] =	ssyncset.done $0x0  }
0x5e: {  	[sflag:s19] =	ssyncadd.s32 $0xFFFFE800  }
0x5f: {  	_ =	swait.ge [sflag:s20], $0x1000  }
0x60: {  	[sflag:s20] =	ssyncset.done $0x0  }
0x61: {  	[sflag:s20] =	ssyncadd.s32 $0xFFFFF000  }
0x62: {  	[spmem:s2] =	stream.indirect.scatter.add.f32 [tilespmem:s14], [sflag:$0x5], $0x80, s26, s21, $0xb8;
	[tilespmem:$0x1F000] =	vst v63  }
0x63: {  	_ =	swait.ge [sflag:s12], $0x2800  }
0x64: {  	[sflag:s12] =	ssyncset.done $0x0  }
0x65: {  	s29 =	sadd.s32 $0xA0, s28;
	[sflag:s12] =	ssyncadd.s32 $0xFFFFD800  }
0x66: {  	[tilespmem:s14], [sflag:$0x1] =	stream.indirect.gather [hbm4b:s4+s13], $0x80, s29, s13, $0xb8;
	[tilespmem:$0x1F000] =	vst v63  }
0x67: {  	s30 =	sadd.s32 $0xD0, s28  }
0x68: {  	[tilespmem:s16], [sflag:$0x3] =	stream.indirect.gather [hbm4b:s4+s15], $0x80, s30, s15, $0xb8;
	[tilespmem:$0x1F000] =	vst v63  }
0x69: {  	_ =	swait.ge [sflag:s22], $0x1800  }
0x6a: {  	[sflag:s22] =	ssyncset.done $0x0  }
0x6b: {  	[sflag:s22] =	ssyncadd.s32 $0xFFFFE800  }
0x6c: {  	_ =	swait.ge [sflag:s23], $0x1000  }
0x6d: {  	[sflag:s23] =	ssyncset.done $0x0  }
0x6e: {  	s31 =	sadd.s32 $0x80, s26;
	[sflag:s23] =	ssyncadd.s32 $0xFFFFF000  }
0x6f: {  	[spmem:s2] =	stream.indirect.scatter.add.f32 [tilespmem:s17], [sflag:$0x5], $0x80, s31, s21, $0xb8;
	[tilespmem:$0x1F000] =	vst v63  }
0x70: {  	_ =	swait.ge [sflag:s12], $0x2800  }
0x71: {  	[sflag:s12] =	ssyncset.done $0x0  }
0x72: {  	[sflag:s12] =	ssyncadd.s32 $0xFFFFD800  }
0x73: {  	_ =	swait.ge [sflag:s19], $0x1800  }
0x74: {  	[sflag:s19] =	ssyncset.done $0x0  }
0x75: {  	[sflag:s19] =	ssyncadd.s32 $0xFFFFE800  }
0x76: {  	_ =	swait.ge [sflag:s20], $0x1000  }
0x77: {  	[sflag:s20] =	ssyncset.done $0x0  }
0x78: {  	[sflag:s20] =	ssyncadd.s32 $0xFFFFF000  }
0x79: {  	[spmem:s2] =	stream.indirect.scatter.add.f32 [tilespmem:s14], [sflag:$0x5], $0x80, s24, s21, $0xb8;
	[tilespmem:$0x1F000] =	vst v63  }
0x7a: {  	_ =	swait.ge [sflag:s12], $0x2800  }
0x7b: {  	s25 =	sadd.s32 $0x1, s25;
	[sflag:s12] =	ssyncset.done $0x0  }
0x7c: {  	p1 =	sne.s32 s25, s9;
	[sflag:s12] =	ssyncadd.s32 $0xFFFFD800  }
.Ltmp1:
0x7d: {  	s1 =	simm.s32 @!p0 $0x5;
	[bflag:$0x0] =	sbarrier.arrive $0xFFFF;
	(pc) =	sbr.rel @p1 .LBB2_1-.Ltmp1, $4  }
0x7e: {  	[hbm:s8], [sflag:s10] =	dma.local @!p0 [spmem:s11], $0x3E80  }
0x7f: {  	_ =	swait.ge @!p0 [sflag:s1], $0x3E80  }
0x80: {  	[sflag:s1] =	ssyncset.done @!p0 $0x0  }
0x81: {  	[sflag:s1] =	ssyncadd.s32 @!p0 $0xFFFFC180  }
0x82: {  	_ =	sfence.sel $0x180000  }
0x83: {  	[bflag:$0x0] =	sbarrier.arrive $0xFFFF  }
0x84: {  	_ =	strace $0x9000004A  }
0x85: {  	[bflag:$0x2] =	sbarrier.arrive $0xFFFF  }
0x86: {  	p0 =	sne.s32 s0, $0x0;
	s0 =	rddreg [dreg:$0x2]  }
0x87: {  	s0 =	sadd.s32 @!p0 $0x100000, s0  }
0x88: {  	[sflag:s0] =	ssyncadd.tile.s32 @!p0 $0x1;
	_ =	shalt  }
.Lfunc_end2:
_tile_overlayer_lowered:
.L_overlay_start_2:
0x89: {  	(tag) =	ssettag $0x2  }
0x8a: {  	s0 =	rddreg [dreg:$0x0];
	s2 =	stileid.u32  }
0x8b: {  	s1 =	rddreg [dreg:$0x1];
	p0 =	sne.s32 s2, $0x0  }
0x8c: {  	s3 =	rddreg [dreg:$0x2];
	[bflag:$0x3] =	sbarrier.arrive $0xFFFF;
	s2 =	simm.s32 @!p0 $0x1C05  }
0x8d: {  	[timem:s3], [sflag:s2] =	dma.local @!p0 [hbm:s0], s1  }
0x8e: {  	s0 =	simm.s32 @!p0 $0x5  }
0x8f: {  	_ =	swait.ge @!p0 [sflag:s0], s1  }
0x90: {  	s1 =	ssub.s32 @!p0 $0x0, s1;
	[sflag:s0] =	ssyncset.done @!p0 $0x0  }
0x91: {  	[sflag:s0] =	ssyncadd.s32 @!p0 s1  }
0x92: {  	[bflag:$0x3] =	sbarrier.arrive $0xFFFF  }
0x93: {  	_ =	shalt  }

// kernel: kernel.17.cloned.1.call-start
scs
__scs_entry_jumppad:
0x0: {  	(pc) =	sbr.rel $0x88, $3  }
0x1: {  	(tag) =	ssettag $0x0;
	lr =	simm.s32 $0x1  }
0x2: {  	[smem:$0x3F95] =	sst lr;
	_ =	strace $0xD0000000  }
0x3: {  	_ = 	snop  }
0x4: {  	_ = 	snop  }
0x5: {  	_ = 	snop  }
0x6: {  	_ = 	snop  }
0x7: {  	_ = 	snop  }
__scs_overlays_trampoline_lowered:
0x8: {  	[smem:$0x3FA4] =	sst s0  }
0x9: {  	[smem:$0x3FA5] =	sst s1  }
0xa: {  	[smem:$0x3FA6] =	sst s2  }
0xb: {  	[smem:$0x3FA7] =	sst s3  }
0xc: {  	[smem:$0x3FA8] =	sst s4  }
0xd: {  	[smem:$0x3FA9] =	sst s5  }
0xe: {  	[smem:$0x3FAA] =	sst s6  }
0xf: {  	[smem:$0x3FAB] =	sst s7  }
0x10: {  	[smem:$0x3FAC] =	sst s8  }
0x11: {  	[smem:$0x3FAD] =	sst s9;
	s0 =	simm.s32 @!p0 $0x0  }
0x12: {  	s1 =	sld [smem:$0x3F93];
	s0 =	simm.s32 @p0 $0x1  }
0x13: {  	[smem:$0x3FAE] =	sst s0;
	s0 =	simm.s32 @!p1 $0x0  }
0x14: {  	s2 =	sld [smem:$0x3F92];
	s0 =	simm.s32 @p1 $0x1  }
0x15: {  	[smem:$0x3FAF] =	sst s0;
	s0 =	simm.s32 @!p2 $0x0  }
0x16: {  	s3 =	sld [smem:$0x3FDB];
	s0 =	simm.s32 @p2 $0x1  }
0x17: {  	s4 =	simm.s32 $0x1BF5;
	[smem:$0x3FB1] =	sst s0  }
0x18: {  	s0 =	sld [smem:$0x3F94];
	_ =	swait.ge [sflag:s4], $0x0  }
0x19: {  	s7 =	sld [smem:$0x3F95]  }
0x1a: {  	s8 =	sadd.s32 $0xFFFFE003, lr  }
0x1b: {  	s9 =	sadd.s32 $0xFFFFFEF7, lr;
	s5 =	simm.s32 $0xFFFFFFFF;
	p2 =	slt.u32 s8, $0xFFFFF086  }
0x1c: {  	p1 =	slt.u32 s9, $0xF7A;
	s5 =	simm.s32 @!p2 $0x0  }
0x1d: {  	s5 =	simm.s32 @p1 $0x1;
	p0 =	seq.s32 s7, s2  }
0x1e: {  	s7 =	smul.u32 @!p0 $0xF7A, s2;
	p2 =	seq.s32 @!p0 s5, $0x0  }
0x1f: {  	s9 =	smul.u32 $0xF7A, s1;
	s8 =	simm.s32 @!p0 $0x1BF5;
	p2 =	por !p2, p0  }
0x20: {  	[sflag:s8] =	ssyncset.s32 @!p0 $0xFFFFF086;
	s6 =	sadd.s32 @!p0 s3, s7;
	s7 =	simm.s32 @!p0 $0x108  }
0x21: {  	s3 =	sadd.s32 s3, s9;
	s6 =	sadd.s32 @!p0 $0x88, s6;
	s7 =	simm.s32 @p2 $0x1082  }
0x22: {  	[simem:s7], [sflag:s8] =	dma.local @!p0 [hbm:s6], $0xF7A  }
0x23: {  	s9 =	sor.u32 $0xD0000000, s2;
	s6 =	simm.s32 $0x108;
	_ =	swait.ge @!p0 [sflag:s8], $0x0  }
0x24: {  	s3 =	sadd.s32 $0x88, s3;
	s6 =	simm.s32 @!p1 $0x1082;
	[sflag:s4] =	ssyncset.s32 $0xFFFFF086  }
0x25: {  	[simem:s6], [sflag:s4] =	dma.local [hbm:s3], $0xF7A  }
0x26: {  	[smem:$0x3F95] =	sst s1;
	(tag) =	ssettag s2;
	_ =	strace s9  }
0x27: {  	s1 =	sld [smem:$0x3FA5]  }
0x28: {  	s2 =	sld [smem:$0x3FA6]  }
0x29: {  	s4 =	sld [smem:$0x3FA8]  }
0x2a: {  	p0 =	seq.s32 s5, $0x0;
	s5 =	sld [smem:$0x3FA9]  }
0x2b: {  	s6 =	sld [smem:$0x3FAA]  }
0x2c: {  	s7 =	sld [smem:$0x3FAB]  }
0x2d: {  	s3 =	simm.s32 $0x108;
	s8 =	sld [smem:$0x3FAC]  }
0x2e: {  	s3 =	simm.s32 @!p0 $0x1082;
	s9 =	sld [smem:$0x3FAD]  }
0x2f: {  	lr =	sadd.s32 s0, s3;
	s0 =	sld [smem:$0x3FA4]  }
0x30: {  	s3 =	sld [smem:$0x3FA7]  }
0x31: {  	[smem:$0x3FB0] =	sst s10  }
0x32: {  	s10 =	sld [smem:$0x3FAE];
	_ =	sdelay $0x3  }
0x33: {  	p0 =	seq.s32 s10, $0x1;
	s10 =	sld [smem:$0x3FB0];
	_ =	sdelay $0x3  }
0x34: {  	[smem:$0x3FB0] =	sst s10  }
0x35: {  	s10 =	sld [smem:$0x3FAF];
	_ =	sdelay $0x3  }
0x36: {  	p1 =	seq.s32 s10, $0x1;
	s10 =	sld [smem:$0x3FB0];
	_ =	sdelay $0x3  }
0x37: {  	[smem:$0x3FB0] =	sst s10  }
0x38: {  	s10 =	sld [smem:$0x3FB1]  }
0x39: {  	_ = 	snop;
	(pc) =	sbr.ind lr, $3  }
0x3a: {  	_ = 	snop  }
0x3b: {  	_ = 	snop  }
0x3c: {  	p2 =	seq.s32 s10, $0x1;
	s10 =	sld [smem:$0x3FB0]  }
0x3d: {  	_ =	shalt  }
0x3e: {  	_ =	shalt  }
0x3f: {  	_ =	shalt  }
0x40: {  	_ =	shalt  }
0x41: {  	_ =	shalt  }
0x42: {  	_ =	shalt  }
0x43: {  	_ =	shalt  }
0x44: {  	_ =	shalt  }
0x45: {  	_ =	shalt  }
0x46: {  	_ =	shalt  }
0x47: {  	_ =	shalt  }
0x48: {  	_ =	shalt  }
0x49: {  	_ =	shalt  }
0x4a: {  	_ =	shalt  }
0x4b: {  	_ =	shalt  }
0x4c: {  	_ =	shalt  }
0x4d: {  	_ =	shalt  }
0x4e: {  	_ =	shalt  }
0x4f: {  	_ =	shalt  }
0x50: {  	_ =	shalt  }
0x51: {  	_ =	shalt  }
0x52: {  	_ =	shalt  }
0x53: {  	_ =	shalt  }
0x54: {  	_ =	shalt  }
0x55: {  	_ =	shalt  }
0x56: {  	_ =	shalt  }
0x57: {  	_ =	shalt  }
0x58: {  	_ =	shalt  }
0x59: {  	_ =	shalt  }
0x5a: {  	_ =	shalt  }
0x5b: {  	_ =	shalt  }
0x5c: {  	_ =	shalt  }
0x5d: {  	_ =	shalt  }
0x5e: {  	_ =	shalt  }
0x5f: {  	_ =	shalt  }
0x60: {  	_ =	shalt  }
0x61: {  	_ =	shalt  }
0x62: {  	_ =	shalt  }
0x63: {  	_ =	shalt  }
0x64: {  	_ =	shalt  }
0x65: {  	_ =	shalt  }
0x66: {  	_ =	shalt  }
0x67: {  	_ =	shalt  }
0x68: {  	_ =	shalt  }
0x69: {  	_ =	shalt  }
0x6a: {  	_ =	shalt  }
0x6b: {  	_ =	shalt  }
0x6c: {  	_ =	shalt  }
0x6d: {  	_ =	shalt  }
0x6e: {  	_ =	shalt  }
0x6f: {  	_ =	shalt  }
0x70: {  	_ =	shalt  }
0x71: {  	_ =	shalt  }
0x72: {  	_ =	shalt  }
0x73: {  	_ =	shalt  }
0x74: {  	_ =	shalt  }
0x75: {  	_ =	shalt  }
0x76: {  	_ =	shalt  }
0x77: {  	_ =	shalt  }
0x78: {  	_ =	shalt  }
0x79: {  	_ =	shalt  }
0x7a: {  	_ =	shalt  }
0x7b: {  	_ =	shalt  }
0x7c: {  	_ =	shalt  }
0x7d: {  	_ =	shalt  }
0x7e: {  	_ =	shalt  }
0x7f: {  	_ =	shalt  }
0x80: {  	_ =	shalt  }
0x81: {  	_ =	shalt  }
0x82: {  	_ =	shalt  }
0x83: {  	_ =	shalt  }
0x84: {  	_ =	shalt  }
0x85: {  	_ =	shalt  }
0x86: {  	_ =	shalt  }
0x87: {  	_ =	shalt  }
.Lfunc_end0:
.L_simem_size_0:
called_computation.2_lowered:
.L_overlay_start_0:
0x88: {  	s2 =	sld [smem:$0x3FD9]  }
0x89: {  	s3 =	sld [smem:$0x3FFE];
	_ =	sdelay $0x1  }
0x8a: {  	s1 =	srdreg.scid  }
0x8b: {  	s0 =	sand.u32 $0x1, s1  }
0x8c: {  	s16 =	sshll.u32 s0, $0xA;
	s2 =	sadd.s32 s3, s2  }
0x8d: {  	s2 =	sadd.s32 s2, s16  }
0x8e: {  	[smem:$0x3FBC] =	sst s2  }
0x8f: {  	_ = 	snop  }
0x90: {  	(tm) =	ssettm $0x1  }
0x91: {  	s17 =	sld [smem:$0x3FFB];
	_ =	sdelay $0x3  }
0x92: {  	_ =	strace s17  }
0x93: {  	s2 =	sld [smem:$0x3FFC];
	_ =	sdelay $0x3  }
0x94: {  	_ =	strace s2  }
0x95: {  	s2 =	sld [smem:$0x3FFD];
	_ =	sdelay $0x3  }
0x96: {  	_ =	strace s2  }
0x97: {  	_ =	strace $0x8FFFFFFF  }
0x98: {  	s18 =	sld [smem:$0x3FDB];
	_ =	sdelay $0x1  }
0x99: {  	s19 =	simm.s32 $_scs_section_size  }
0x9a: {  	s4 =	simm.s32 $_size__tile_overlayer_lowered;
	s5 =	simm.s32 $_tile_overlayer_lowered  }
0x9b: {  	s22 =	simm.s32 $0x1BFF;
	s21 =	sshll.u32 s5, $0x1;
	s2 =	sadd.s32 s19, s18  }
0x9c: {  	s6 =	simm.s32 $0x0;
	s20 =	sshll.u32 s4, $0x1;
	s4 =	sadd.s32 s21, s2  }
0x9d: {  	[timem:s6], [sflag:s22] =	dma.local [hbm:s4], s20  }
0x9e: {  	_ =	swait.ge [sflag:s22], s20  }
0x9f: {  	s3 =	ssub.s32 $0x0, s20;
	[sflag:s22] =	ssyncset.done $0x0  }
0xa0: {  	[sflag:s22] =	ssyncadd.s32 s3;
	_ =	sdelay $0x1  }
0xa1: {  	s23 =	simm.s32 $0x1B8B  }
0xa2: {  	_ =	swait.ge [sflag:s23], $0x1  }
0xa3: {  	[sflag:s23] =	ssyncset.done $0x0  }
0xa4: {  	s25 =	simm.s32 $0x1B8E;
	s24 =	sld [smem:$0x3FFE];
	[sflag:s23] =	ssyncadd.s32 $0xFFFFFFFF  }
0xa5: {  	s26 =	simm.s32 $execute0_lowered;
	[smem:$0x3FD2] =	sst s25  }
0xa6: {  	s4 =	sshll.u32 s26, $0x1;
	_ =	strace $0x8000004C;
	[dreg:$0x1] =	wrdreg $0xFFFFFFFF  }
0xa7: {  	s28 =	simm.s32 $_size_execute0_lowered;
	s2 =	sadd.s32 s2, s4;
	[dreg:$0x0] =	wrdreg $0x0  }
0xa8: {  	s4 =	sshll.u32 s28, $0x1;
	[dreg:$0x2] =	wrdreg s2  }
0xa9: {  	[dreg:$0x3] =	wrdreg s4  }
0xaa: {  	[dreg:$0x4] =	wrdreg $0xC0  }
0xab: {  	_ =	task [dreg:s6], $0x5FFFF  }
0xac: {  	[dreg:$0x1] =	wrdreg $0xFFFFFFFF  }
0xad: {  	[dreg:$0x0] =	wrdreg $0x60  }
0xae: {  	[dreg:$0x2] =	wrdreg s24  }
0xaf: {  	[dreg:$0x3] =	wrdreg $0xB7800  }
0xb0: {  	[dreg:$0x4] =	wrdreg $0x9  }
0xb1: {  	_ =	task.clear_ibuf [dreg:s6], $0x5FFFF;
	_ =	strace $0x9000004C  }
0xb2: {  	s29 =	simm.s32 $0x9;
	_ =	strace $0x8000004E  }
0xb3: {  	_ =	swait.ge [sflag:s29], $0x1  }
0xb4: {  	[sflag:s29] =	ssyncadd.s32 $0xFFFFFFFF  }
0xb5: {  	_ =	strace $0x9000004E  }
0xb6: {  	_ =	sfence  }
0xb7: {  	s30 =	sld [smem:$0x0];
	_ =	sdelay $0x2  }
0xb8: {  	s31 =	sshll.u32 s1, $0xD;
	s1 =	sshrl.u32 s1, $0x2  }
0xb9: {  	s3 =	sand.u32 $0x4000, s31;
	s1 =	sadd.s32 s1, s30  }
0xba: {  	s0 =	sor.u32 s3, s0;
	s1 =	sshll.u32 s1, $0x11  }
0xbb: {  	s0 =	sor.u32 s1, s0  }
0xbc: {  	s0 =	sadd.s32 $0x8F2B, s0  }
0xbd: {  	[sflag:s0] =	ssyncadd.remote.s32 $0x1  }
0xbe: {  	_ =	sfence.sel $0xFFFF  }
0xbf: {  	[dreg:$0x0] =	wrdreg $0xFFFFFFFF;
	(pc) =	sbr.abs _section_cstart, $3  }
0xc0: {  	[dreg:$0x1] =	wrdreg $0xFFFFFFFF  }
0xc1: {  	_ =	task.clear_ibuf [dreg:s6], $0x2FFFF;
	_ =	strace $0x9FFFFFFF  }
0xc2: {  	(tm) =	ssettm $0x7FFFFFFF  }
0xc3: {  	_ =	shalt  }
tec
execute0_lowered:
.L_overlay_start_1:
0x0: {  	(tag) =	ssettag $0x1  }
0x1: {  	s0 =	srdreg.scid;
	s6 =	rddreg [dreg:$0x0]  }
0x2: {  	s2 =	rddreg [dreg:$0x1];
	s3 =	simm.s32 $0x0;
	s13 =	simm.s32 $0x30  }
0x3: {  	s14 =	simm.s32 $0x6780;
	s15 =	simm.s32 $0x20;
	s16 =	simm.s32 $0x7F80  }
0x4: {  	s17 =	simm.s32 $0x8F80;
	s18 =	simm.s32 $0xA780;
	s19 =	simm.s32 $0x1  }
0x5: {  	s20 =	simm.s32 $0x3;
	s21 =	simm.s32 $0x50;
	s7 =	sand.u32 $0x1, s0  }
0x6: {  	s22 =	simm.s32 $0x2;
	s0 =	stileid.u32;
	s4 =	smul.u32 $0x27100, s7  }
0x7: {  	s23 =	simm.s32 $0x4;
	s24 =	simm.s32 $0x6580;
	s5 =	smul.u32 $0x2710, s0  }
0x8: {  	s25 =	simm.s32 $0x0;
	[smem:$0x7FF] =	sst s3;
	s30 =	smul.u32 $0x138800, s7  }
0x9: {  	_ =	strace $0x8000004D;
	s9 =	smul.u32 $0x1F400, s0;
	s10 =	sshll.u32 s0, $0xB  }
0xa: {  	s11 =	smul.u32 $0x7D000, s0;
	s7 =	ssub.s32 $0x2, s7;
	p0 =	sgt.u32 s0, $0x9  }
0xb: {  	s10 =	sadd.s32 s10, s6;
	s31 =	sshrl.u32 s7, $0x1;
	s4 =	sadd.s32 s5, s4  }
0xc: {  	s9 =	sadd.s32 s9, s30;
	s5 =	sadd.s32 $0x2E00, s6;
	s11 =	sshrl.u32 s11, $0x2  }
0xd: {  	s12 =	ssub.s32 s7, s31;
	s7 =	sadd.s32 $0x8800, s10;
	s10 =	sshll.u32 @!p0 s0, $0x6  }
0xe: {  	s8 =	sshrl.u32 s4, $0x3;
	s4 =	sadd.s32 $0x1A600, s6;
	s9 =	sshrl.u32 s9, $0x3  }
0xf: {  	s11 =	sadd.s32 s11, s2;
	s10 =	sor.u32 @!p0 $0x1C05, s10;
	s8 =	sadd.s32 s8, s6  }
0x10: {  	s9 =	sadd.s32 s9, s6;
	s11 =	sshrl.u32 @!p0 s11, $0x3;
	s6 =	sadd.s32 $0x10800, s8  }
0x11: {  	s8 =	sadd.s32 $0x68800, s9;
	s9 =	smax.u32 s12, $0x1;
	s12 =	simm.s32 $0x5  }
.LBB2_1:
0x12: {  	[spmem:s11], [sflag:s10] =	dma.local @!p0 [hbm:s5], $0x3E80  }
0x13: {  	s26 =	simm.s32 @!p0 $0x5  }
0x14: {  	_ =	swait.ge @!p0 [sflag:s26], $0x3E80  }
0x15: {  	[sflag:s26] =	ssyncset.done @!p0 $0x0  }
0x16: {  	[sflag:s26] =	ssyncadd.s32 @!p0 $0xFFFFC180  }
0x17: {  	[tilespmem:s3], [sflag:$0x5] =	stream.linear.gather [hbm4b:s6+s3], $0x2710, $0x38;
	[tilespmem:$0x1F000] =	vst v63  }
0x18: {  	_ =	swait.ge [sflag:s12], $0x2710  }
0x19: {  	[sflag:s12] =	ssyncset.done $0x0  }
0x1a: {  	s31 =	simm.s32 $0x2780;
	[sflag:s12] =	ssyncadd.s32 $0xFFFFD8F0  }
0x1b: {  	[tilespmem:s31], [sflag:$0x5] =	stream.linear.gather [hbm4b:s7+s3], $0x3E80, $0x38;
	[tilespmem:$0x1F000] =	vst v63  }
0x1c: {  	_ =	swait.ge [sflag:s12], $0x3E80  }
0x1d: {  	[sflag:s12] =	ssyncset.done $0x0  }
0x1e: {  	[sflag:s12] =	ssyncadd.s32 $0xFFFFC180  }
0x1f: {  	[bflag:$0x0] =	sbarrier.arrive $0xFFFF  }
0x20: {  	[tilespmem:s14], [sflag:$0x1] =	stream.indirect.gather [hbm4b:s4+s13], $0x80, s3, s13, $0xb8;
	[tilespmem:$0x1F000] =	vst v63  }
0x21: {  	_ = 	snop  }
0x22: {  	[tilespmem:s16], [sflag:$0x3] =	stream.indirect.gather [hbm4b:s4+s15], $0x80, s13, s15, $0xb8;
	[tilespmem:$0x1F000] =	vst v63  }
0x23: {  	s28 =	simm.s32 $0x50  }
0x24: {  	[tilespmem:s17], [sflag:$0x2] =	stream.indirect.gather [hbm4b:s4+s13], $0x80, s28, s13, $0xb8;
	[tilespmem:$0x1F000] =	vst v63  }
0x25: {  	s28 =	simm.s32 $0x80  }
0x26: {  	[tilespmem:s18], [sflag:$0x4] =	stream.indirect.gather [hbm4b:s4+s15], $0x80, s28, s15, $0xb8;
	[tilespmem:$0x1F000] =	vst v63  }
0x27: {  	_ =	swait.ge [sflag:s19], $0x1800  }
0x28: {  	[sflag:s19] =	ssyncset.done $0x0  }
0x29: {  	[sflag:s19] =	ssyncadd.s32 $0xFFFFE800  }
0x2a: {  	_ =	swait.ge [sflag:s20], $0x1000  }
0x2b: {  	[sflag:s20] =	ssyncset.done $0x0  }
0x2c: {  	[sflag:s20] =	ssyncadd.s32 $0xFFFFF000  }
0x2d: {  	[spmem:s2] =	stream.indirect.scatter.add.f32 [tilespmem:s14], [sflag:$0x5], $0x80, s31, s21, $0xb8;
	[tilespmem:$0x1F000] =	vst v63  }
0x2e: {  	_ =	swait.ge [sflag:s12], $0x2800  }
0x2f: {  	[sflag:s12] =	ssyncset.done $0x0  }
0x30: {  	s1 =	simm.s32 $0xA0;
	[sflag:s12] =	ssyncadd.s32 $0xFFFFD800  }
0x31: {  	[tilespmem:s14], [sflag:$0x1] =	stream.indirect.gather [hbm4b:s4+s13], $0x80, s1, s13, $0xb8;
	[tilespmem:$0x1F000] =	vst v63  }
0x32: {  	s30 =	simm.s32 $0xD0  }
0x33: {  	[tilespmem:s16], [sflag:$0x3] =	stream.indirect.gather [hbm4b:s4+s15], $0x80, s30, s15, $0xb8;
	[tilespmem:$0x1F000] =	vst v63  }
0x34: {  	_ =	swait.ge [sflag:s22], $0x1800  }
0x35: {  	[sflag:s22] =	ssyncset.done $0x0  }
0x36: {  	[sflag:s22] =	ssyncadd.s32 $0xFFFFE800  }
0x37: {  	_ =	swait.ge [sflag:s23], $0x1000  }
0x38: {  	[sflag:s23] =	ssyncset.done $0x0  }
0x39: {  	s31 =	simm.s32 $0x2800;
	[sflag:s23] =	ssyncadd.s32 $0xFFFFF000  }
0x3a: {  	[spmem:s2] =	stream.indirect.scatter.add.f32 [tilespmem:s17], [sflag:$0x5], $0x80, s31, s21, $0xb8;
	[tilespmem:$0x1F000] =	vst v63  }
0x3b: {  	s29 =	simm.s32 $0x500;
	_ =	swait.ge [sflag:s12], $0x2800  }
0x3c: {  	s26 =	simm.s32 $0x2880;
	s28 =	simm.s32 $0xA0;
	[sflag:s12] =	ssyncset.done $0x0  }
.LBB2_2:
0x3d: {  	s30 =	sadd.s32 $0x50, s28  }
0x3e: {  	[sflag:s12] =	ssyncadd.s32 $0xFFFFD800;
	s31 =	smov.u32 s29;
	s1 =	sadd.s32 $0x280, s29  }
0x3f: {  	[tilespmem:s17], [sflag:$0x2] =	stream.indirect.gather [hbm4b:s4+s13], $0x80, s30, s13, $0xb8;
	[tilespmem:$0x1F000] =	vst v63  }
0x40: {  	p1 =	sne.s32 s29, $0x9880;
	s29 =	sadd.s32 $0x80, s28  }
0x41: {  	[tilespmem:s18], [sflag:$0x4] =	stream.indirect.gather [hbm4b:s4+s15], $0x80, s29, s15, $0xb8;
	[tilespmem:$0x1F000] =	vst v63  }
0x42: {  	_ =	swait.ge [sflag:s19], $0x1800  }
0x43: {  	[sflag:s19] =	ssyncset.done $0x0  }
0x44: {  	[sflag:s19] =	ssyncadd.s32 $0xFFFFE800  }
0x45: {  	_ =	swait.ge [sflag:s20], $0x1000  }
0x46: {  	[sflag:s20] =	ssyncset.done $0x0  }
0x47: {  	[sflag:s20] =	ssyncadd.s32 $0xFFFFF000  }
0x48: {  	[spmem:s2] =	stream.indirect.scatter.add.f32 [tilespmem:s14], [sflag:$0x5], $0x80, s26, s21, $0xb8;
	[tilespmem:$0x1F000] =	vst v63  }
0x49: {  	_ =	swait.ge [sflag:s12], $0x2800  }
0x4a: {  	[sflag:s12] =	ssyncset.done $0x0  }
0x4b: {  	s29 =	sadd.s32 $0xA0, s28;
	[sflag:s12] =	ssyncadd.s32 $0xFFFFD800  }
0x4c: {  	[tilespmem:s14], [sflag:$0x1] =	stream.indirect.gather [hbm4b:s4+s13], $0x80, s29, s13, $0xb8;
	[tilespmem:$0x1F000] =	vst v63  }
0x4d: {  	s28 =	sadd.s32 $0xD0, s28  }
0x4e: {  	[tilespmem:s16], [sflag:$0x3] =	stream.indirect.gather [hbm4b:s4+s15], $0x80, s28, s15, $0xb8;
	[tilespmem:$0x1F000] =	vst v63  }
0x4f: {  	_ =	swait.ge [sflag:s22], $0x1800  }
0x50: {  	[sflag:s22] =	ssyncset.done $0x0  }
0x51: {  	[sflag:s22] =	ssyncadd.s32 $0xFFFFE800  }
0x52: {  	_ =	swait.ge [sflag:s23], $0x1000  }
.Ltmp0:
0x53: {  	[sflag:s23] =	ssyncset.done $0x0;
	(pc) =	sbr.rel @p1 .LBB2_2-.Ltmp0, $4  }
0x54: {  	s28 =	sadd.s32 $0x80, s26;
	[sflag:s23] =	ssyncadd.s32 $0xFFFFF000  }
0x55: {  	[spmem:s2] =	stream.indirect.scatter.add.f32 [tilespmem:s17], [sflag:$0x5], $0x80, s28, s21, $0xb8;
	[tilespmem:$0x1F000] =	vst v63  }
0x56: {  	s29 =	smov.u32 s1;
	_ =	swait.ge [sflag:s12], $0x2800  }
0x57: {  	s26 =	sadd.s32 $0x100, s26;
	s28 =	sshra.s32 s31, $0x2;
	[sflag:s12] =	ssyncset.done $0x0  }
0x58: {  	s1 =	sadd.s32 $0x50, s28;
	[sflag:s12] =	ssyncadd.s32 $0xFFFFD800  }
0x59: {  	[tilespmem:s17], [sflag:$0x2] =	stream.indirect.gather [hbm4b:s4+s13], $0x80, s1, s13, $0xb8;
	[tilespmem:$0x1F000] =	vst v63  }
0x5a: {  	s31 =	sadd.s32 $0x80, s28  }
0x5b: {  	[tilespmem:s18], [sflag:$0x4] =	stream.indirect.gather [hbm4b:s4+s15], $0x80, s31, s15, $0xb8;
	[tilespmem:$0x1F000] =	vst v63  }
0x5c: {  	_ =	swait.ge [sflag:s19], $0x1800  }
0x5d: {  	[sflag:s19] =	ssyncset.done $0x0  }
0x5e: {  	[sflag:s19] =	ssyncadd.s32 $0xFFFFE800  }
0x5f: {  	_ =	swait.ge [sflag:s20], $0x1000  }
0x60: {  	[sflag:s20] =	ssyncset.done $0x0  }
0x61: {  	[sflag:s20] =	ssyncadd.s32 $0xFFFFF000  }
0x62: {  	[spmem:s2] =	stream.indirect.scatter.add.f32 [tilespmem:s14], [sflag:$0x5], $0x80, s26, s21, $0xb8;
	[tilespmem:$0x1F000] =	vst v63  }
0x63: {  	_ =	swait.ge [sflag:s12], $0x2800  }
0x64: {  	[sflag:s12] =	ssyncset.done $0x0  }
0x65: {  	s29 =	sadd.s32 $0xA0, s28;
	[sflag:s12] =	ssyncadd.s32 $0xFFFFD800  }
0x66: {  	[tilespmem:s14], [sflag:$0x1] =	stream.indirect.gather [hbm4b:s4+s13], $0x80, s29, s13, $0xb8;
	[tilespmem:$0x1F000] =	vst v63  }
0x67: {  	s30 =	sadd.s32 $0xD0, s28  }
0x68: {  	[tilespmem:s16], [sflag:$0x3] =	stream.indirect.gather [hbm4b:s4+s15], $0x80, s30, s15, $0xb8;
	[tilespmem:$0x1F000] =	vst v63  }
0x69: {  	_ =	swait.ge [sflag:s22], $0x1800  }
0x6a: {  	[sflag:s22] =	ssyncset.done $0x0  }
0x6b: {  	[sflag:s22] =	ssyncadd.s32 $0xFFFFE800  }
0x6c: {  	_ =	swait.ge [sflag:s23], $0x1000  }
0x6d: {  	[sflag:s23] =	ssyncset.done $0x0  }
0x6e: {  	s31 =	sadd.s32 $0x80, s26;
	[sflag:s23] =	ssyncadd.s32 $0xFFFFF000  }
0x6f: {  	[spmem:s2] =	stream.indirect.scatter.add.f32 [tilespmem:s17], [sflag:$0x5], $0x80, s31, s21, $0xb8;
	[tilespmem:$0x1F000] =	vst v63  }
0x70: {  	_ =	swait.ge [sflag:s12], $0x2800  }
0x71: {  	[sflag:s12] =	ssyncset.done $0x0  }
0x72: {  	[sflag:s12] =	ssyncadd.s32 $0xFFFFD800  }
0x73: {  	_ =	swait.ge [sflag:s19], $0x1800  }
0x74: {  	[sflag:s19] =	ssyncset.done $0x0  }
0x75: {  	[sflag:s19] =	ssyncadd.s32 $0xFFFFE800  }
0x76: {  	_ =	swait.ge [sflag:s20], $0x1000  }
0x77: {  	[sflag:s20] =	ssyncset.done $0x0  }
0x78: {  	[sflag:s20] =	ssyncadd.s32 $0xFFFFF000  }
0x79: {  	[spmem:s2] =	stream.indirect.scatter.add.f32 [tilespmem:s14], [sflag:$0x5], $0x80, s24, s21, $0xb8;
	[tilespmem:$0x1F000] =	vst v63  }
0x7a: {  	_ =	swait.ge [sflag:s12], $0x2800  }
0x7b: {  	s25 =	sadd.s32 $0x1, s25;
	[sflag:s12] =	ssyncset.done $0x0  }
0x7c: {  	p1 =	sne.s32 s25, s9;
	[sflag:s12] =	ssyncadd.s32 $0xFFFFD800  }
.Ltmp1:
0x7d: {  	s1 =	simm.s32 @!p0 $0x5;
	[bflag:$0x0] =	sbarrier.arrive $0xFFFF;
	(pc) =	sbr.rel @p1 .LBB2_1-.Ltmp1, $4  }
0x7e: {  	[hbm:s8], [sflag:s10] =	dma.local @!p0 [spmem:s11], $0x3E80  }
0x7f: {  	_ =	swait.ge @!p0 [sflag:s1], $0x3E80  }
0x80: {  	[sflag:s1] =	ssyncset.done @!p0 $0x0  }
0x81: {  	[sflag:s1] =	ssyncadd.s32 @!p0 $0xFFFFC180  }
0x82: {  	_ =	sfence.sel $0x180000  }
0x83: {  	[bflag:$0x0] =	sbarrier.arrive $0xFFFF  }
0x84: {  	_ =	strace $0x9000004D  }
0x85: {  	[bflag:$0x2] =	sbarrier.arrive $0xFFFF  }
0x86: {  	p0 =	sne.s32 s0, $0x0;
	s0 =	rddreg [dreg:$0x2]  }
0x87: {  	s0 =	sadd.s32 @!p0 $0x100000, s0  }
0x88: {  	[sflag:s0] =	ssyncadd.tile.s32 @!p0 $0x1;
	_ =	shalt  }
.Lfunc_end2:
_tile_overlayer_lowered:
.L_overlay_start_2:
0x89: {  	(tag) =	ssettag $0x2  }
0x8a: {  	s0 =	rddreg [dreg:$0x0];
	s2 =	stileid.u32  }
0x8b: {  	s1 =	rddreg [dreg:$0x1];
	p0 =	sne.s32 s2, $0x0  }
0x8c: {  	s3 =	rddreg [dreg:$0x2];
	[bflag:$0x3] =	sbarrier.arrive $0xFFFF;
	s2 =	simm.s32 @!p0 $0x1C05  }
0x8d: {  	[timem:s3], [sflag:s2] =	dma.local @!p0 [hbm:s0], s1  }
0x8e: {  	s0 =	simm.s32 @!p0 $0x5  }
0x8f: {  	_ =	swait.ge @!p0 [sflag:s0], s1  }
0x90: {  	s1 =	ssub.s32 @!p0 $0x0, s1;
	[sflag:s0] =	ssyncset.done @!p0 $0x0  }
0x91: {  	[sflag:s0] =	ssyncadd.s32 @!p0 s1  }
0x92: {  	[bflag:$0x3] =	sbarrier.arrive $0xFFFF  }
0x93: {  	_ =	shalt  }

// kernel: kernel.20.cloned.1.call-start
scs
__scs_entry_jumppad:
0x0: {  	(pc) =	sbr.rel $0x88, $3  }
0x1: {  	(tag) =	ssettag $0x0;
	lr =	simm.s32 $0x1  }
0x2: {  	[smem:$0x3F95] =	sst lr;
	_ =	strace $0xD0000000  }
0x3: {  	_ = 	snop  }
0x4: {  	_ = 	snop  }
0x5: {  	_ = 	snop  }
0x6: {  	_ = 	snop  }
0x7: {  	_ = 	snop  }
__scs_overlays_trampoline_lowered:
0x8: {  	[smem:$0x3FA4] =	sst s0  }
0x9: {  	[smem:$0x3FA5] =	sst s1  }
0xa: {  	[smem:$0x3FA6] =	sst s2  }
0xb: {  	[smem:$0x3FA7] =	sst s3  }
0xc: {  	[smem:$0x3FA8] =	sst s4  }
0xd: {  	[smem:$0x3FA9] =	sst s5  }
0xe: {  	[smem:$0x3FAA] =	sst s6  }
0xf: {  	[smem:$0x3FAB] =	sst s7  }
0x10: {  	[smem:$0x3FAC] =	sst s8  }
0x11: {  	[smem:$0x3FAD] =	sst s9;
	s0 =	simm.s32 @!p0 $0x0  }
0x12: {  	s1 =	sld [smem:$0x3F93];
	s0 =	simm.s32 @p0 $0x1  }
0x13: {  	[smem:$0x3FAE] =	sst s0;
	s0 =	simm.s32 @!p1 $0x0  }
0x14: {  	s2 =	sld [smem:$0x3F92];
	s0 =	simm.s32 @p1 $0x1  }
0x15: {  	[smem:$0x3FAF] =	sst s0;
	s0 =	simm.s32 @!p2 $0x0  }
0x16: {  	s3 =	sld [smem:$0x3FDB];
	s0 =	simm.s32 @p2 $0x1  }
0x17: {  	s4 =	simm.s32 $0x1BF5;
	[smem:$0x3FB1] =	sst s0  }
0x18: {  	s0 =	sld [smem:$0x3F94];
	_ =	swait.ge [sflag:s4], $0x0  }
0x19: {  	s7 =	sld [smem:$0x3F95]  }
0x1a: {  	s8 =	sadd.s32 $0xFFFFE003, lr  }
0x1b: {  	s9 =	sadd.s32 $0xFFFFFEF7, lr;
	s5 =	simm.s32 $0xFFFFFFFF;
	p2 =	slt.u32 s8, $0xFFFFF086  }
0x1c: {  	p1 =	slt.u32 s9, $0xF7A;
	s5 =	simm.s32 @!p2 $0x0  }
0x1d: {  	s5 =	simm.s32 @p1 $0x1;
	p0 =	seq.s32 s7, s2  }
0x1e: {  	s7 =	smul.u32 @!p0 $0xF7A, s2;
	p2 =	seq.s32 @!p0 s5, $0x0  }
0x1f: {  	s9 =	smul.u32 $0xF7A, s1;
	s8 =	simm.s32 @!p0 $0x1BF5;
	p2 =	por !p2, p0  }
0x20: {  	[sflag:s8] =	ssyncset.s32 @!p0 $0xFFFFF086;
	s6 =	sadd.s32 @!p0 s3, s7;
	s7 =	simm.s32 @!p0 $0x108  }
0x21: {  	s3 =	sadd.s32 s3, s9;
	s6 =	sadd.s32 @!p0 $0x88, s6;
	s7 =	simm.s32 @p2 $0x1082  }
0x22: {  	[simem:s7], [sflag:s8] =	dma.local @!p0 [hbm:s6], $0xF7A  }
0x23: {  	s9 =	sor.u32 $0xD0000000, s2;
	s6 =	simm.s32 $0x108;
	_ =	swait.ge @!p0 [sflag:s8], $0x0  }
0x24: {  	s3 =	sadd.s32 $0x88, s3;
	s6 =	simm.s32 @!p1 $0x1082;
	[sflag:s4] =	ssyncset.s32 $0xFFFFF086  }
0x25: {  	[simem:s6], [sflag:s4] =	dma.local [hbm:s3], $0xF7A  }
0x26: {  	[smem:$0x3F95] =	sst s1;
	(tag) =	ssettag s2;
	_ =	strace s9  }
0x27: {  	s1 =	sld [smem:$0x3FA5]  }
0x28: {  	s2 =	sld [smem:$0x3FA6]  }
0x29: {  	s4 =	sld [smem:$0x3FA8]  }
0x2a: {  	p0 =	seq.s32 s5, $0x0;
	s5 =	sld [smem:$0x3FA9]  }
0x2b: {  	s6 =	sld [smem:$0x3FAA]  }
0x2c: {  	s7 =	sld [smem:$0x3FAB]  }
0x2d: {  	s3 =	simm.s32 $0x108;
	s8 =	sld [smem:$0x3FAC]  }
0x2e: {  	s3 =	simm.s32 @!p0 $0x1082;
	s9 =	sld [smem:$0x3FAD]  }
0x2f: {  	lr =	sadd.s32 s0, s3;
	s0 =	sld [smem:$0x3FA4]  }
0x30: {  	s3 =	sld [smem:$0x3FA7]  }
0x31: {  	[smem:$0x3FB0] =	sst s10  }
0x32: {  	s10 =	sld [smem:$0x3FAE];
	_ =	sdelay $0x3  }
0x33: {  	p0 =	seq.s32 s10, $0x1;
	s10 =	sld [smem:$0x3FB0];
	_ =	sdelay $0x3  }
0x34: {  	[smem:$0x3FB0] =	sst s10  }
0x35: {  	s10 =	sld [smem:$0x3FAF];
	_ =	sdelay $0x3  }
0x36: {  	p1 =	seq.s32 s10, $0x1;
	s10 =	sld [smem:$0x3FB0];
	_ =	sdelay $0x3  }
0x37: {  	[smem:$0x3FB0] =	sst s10  }
0x38: {  	s10 =	sld [smem:$0x3FB1]  }
0x39: {  	_ = 	snop;
	(pc) =	sbr.ind lr, $3  }
0x3a: {  	_ = 	snop  }
0x3b: {  	_ = 	snop  }
0x3c: {  	p2 =	seq.s32 s10, $0x1;
	s10 =	sld [smem:$0x3FB0]  }
0x3d: {  	_ =	shalt  }
0x3e: {  	_ =	shalt  }
0x3f: {  	_ =	shalt  }
0x40: {  	_ =	shalt  }
0x41: {  	_ =	shalt  }
0x42: {  	_ =	shalt  }
0x43: {  	_ =	shalt  }
0x44: {  	_ =	shalt  }
0x45: {  	_ =	shalt  }
0x46: {  	_ =	shalt  }
0x47: {  	_ =	shalt  }
0x48: {  	_ =	shalt  }
0x49: {  	_ =	shalt  }
0x4a: {  	_ =	shalt  }
0x4b: {  	_ =	shalt  }
0x4c: {  	_ =	shalt  }
0x4d: {  	_ =	shalt  }
0x4e: {  	_ =	shalt  }
0x4f: {  	_ =	shalt  }
0x50: {  	_ =	shalt  }
0x51: {  	_ =	shalt  }
0x52: {  	_ =	shalt  }
0x53: {  	_ =	shalt  }
0x54: {  	_ =	shalt  }
0x55: {  	_ =	shalt  }
0x56: {  	_ =	shalt  }
0x57: {  	_ =	shalt  }
0x58: {  	_ =	shalt  }
0x59: {  	_ =	shalt  }
0x5a: {  	_ =	shalt  }
0x5b: {  	_ =	shalt  }
0x5c: {  	_ =	shalt  }
0x5d: {  	_ =	shalt  }
0x5e: {  	_ =	shalt  }
0x5f: {  	_ =	shalt  }
0x60: {  	_ =	shalt  }
0x61: {  	_ =	shalt  }
0x62: {  	_ =	shalt  }
0x63: {  	_ =	shalt  }
0x64: {  	_ =	shalt  }
0x65: {  	_ =	shalt  }
0x66: {  	_ =	shalt  }
0x67: {  	_ =	shalt  }
0x68: {  	_ =	shalt  }
0x69: {  	_ =	shalt  }
0x6a: {  	_ =	shalt  }
0x6b: {  	_ =	shalt  }
0x6c: {  	_ =	shalt  }
0x6d: {  	_ =	shalt  }
0x6e: {  	_ =	shalt  }
0x6f: {  	_ =	shalt  }
0x70: {  	_ =	shalt  }
0x71: {  	_ =	shalt  }
0x72: {  	_ =	shalt  }
0x73: {  	_ =	shalt  }
0x74: {  	_ =	shalt  }
0x75: {  	_ =	shalt  }
0x76: {  	_ =	shalt  }
0x77: {  	_ =	shalt  }
0x78: {  	_ =	shalt  }
0x79: {  	_ =	shalt  }
0x7a: {  	_ =	shalt  }
0x7b: {  	_ =	shalt  }
0x7c: {  	_ =	shalt  }
0x7d: {  	_ =	shalt  }
0x7e: {  	_ =	shalt  }
0x7f: {  	_ =	shalt  }
0x80: {  	_ =	shalt  }
0x81: {  	_ =	shalt  }
0x82: {  	_ =	shalt  }
0x83: {  	_ =	shalt  }
0x84: {  	_ =	shalt  }
0x85: {  	_ =	shalt  }
0x86: {  	_ =	shalt  }
0x87: {  	_ =	shalt  }
.Lfunc_end0:
.L_simem_size_0:
called_computation.3_lowered:
.L_overlay_start_0:
0x88: {  	s2 =	sld [smem:$0x3FD9]  }
0x89: {  	s3 =	sld [smem:$0x3FFE];
	_ =	sdelay $0x1  }
0x8a: {  	s1 =	srdreg.scid  }
0x8b: {  	s0 =	sand.u32 $0x1, s1  }
0x8c: {  	s17 =	sshll.u32 s0, $0xA;
	s2 =	sadd.s32 s3, s2  }
0x8d: {  	s2 =	sadd.s32 s2, s17  }
0x8e: {  	[smem:$0x3FBC] =	sst s2  }
0x8f: {  	_ = 	snop  }
0x90: {  	s2 =	sld [smem:$0x3FD0];
	(tm) =	ssettm $0x1  }
0x91: {  	s18 =	sld [smem:$0x3FFB];
	_ =	sdelay $0x3  }
0x92: {  	_ =	strace s18  }
0x93: {  	s3 =	sld [smem:$0x3FFC];
	_ =	sdelay $0x3  }
0x94: {  	_ =	strace s3  }
0x95: {  	s3 =	sld [smem:$0x3FFD];
	_ =	sdelay $0x3  }
0x96: {  	_ =	strace s3  }
0x97: {  	_ =	strace $0x8FFFFFFF  }
0x98: {  	s19 =	sld [smem:$0x3FDB];
	_ =	sdelay $0x1  }
0x99: {  	s4 =	simm.s32 $_scs_section_size  }
0x9a: {  	s5 =	simm.s32 $_size__tile_overlayer_lowered;
	s6 =	simm.s32 $_tile_overlayer_lowered  }
0x9b: {  	s22 =	simm.s32 $0x1BFF;
	s21 =	sshll.u32 s6, $0x1;
	s3 =	sadd.s32 s4, s19  }
0x9c: {  	s7 =	simm.s32 $0x0;
	s20 =	sshll.u32 s5, $0x1;
	s5 =	sadd.s32 s21, s3  }
0x9d: {  	[timem:s7], [sflag:s22] =	dma.local [hbm:s5], s20  }
0x9e: {  	_ =	swait.ge [sflag:s22], s20  }
0x9f: {  	s4 =	ssub.s32 $0x0, s20;
	[sflag:s22] =	ssyncset.done $0x0  }
0xa0: {  	[sflag:s22] =	ssyncadd.s32 s4;
	_ =	sdelay $0x1  }
0xa1: {  	s23 =	simm.s32 $0x1B8B  }
0xa2: {  	_ =	swait.ge [sflag:s23], $0x1  }
0xa3: {  	[sflag:s23] =	ssyncset.done $0x0  }
0xa4: {  	s25 =	simm.s32 $0x1B8E;
	s24 =	sld [smem:$0x3FFE];
	[sflag:s23] =	ssyncadd.s32 $0xFFFFFFFF  }
0xa5: {  	s26 =	simm.s32 $execute0_lowered;
	[smem:$0x3FD2] =	sst s25  }
0xa6: {  	s5 =	sshll.u32 s26, $0x1;
	_ =	strace $0x8000004F;
	[dreg:$0x1] =	wrdreg $0xFFFFFFFF  }
0xa7: {  	s28 =	simm.s32 $_size_execute0_lowered;
	s3 =	sadd.s32 s3, s5;
	[dreg:$0x0] =	wrdreg $0x0  }
0xa8: {  	s5 =	sshll.u32 s28, $0x1;
	[dreg:$0x2] =	wrdreg s3  }
0xa9: {  	[dreg:$0x3] =	wrdreg s5  }
0xaa: {  	[dreg:$0x4] =	wrdreg $0xC0  }
0xab: {  	_ =	task [dreg:s7], $0x5FFFF  }
0xac: {  	[dreg:$0x1] =	wrdreg $0xFFFFFFFF  }
0xad: {  	[dreg:$0x0] =	wrdreg $0x60  }
0xae: {  	[dreg:$0x2] =	wrdreg s24  }
0xaf: {  	[dreg:$0x3] =	wrdreg s2  }
0xb0: {  	[dreg:$0x4] =	wrdreg $0xB7800  }
0xb1: {  	[dreg:$0x5] =	wrdreg $0x9  }
0xb2: {  	_ =	task.clear_ibuf [dreg:s7], $0x6FFFF;
	_ =	strace $0x9000004F  }
0xb3: {  	s29 =	simm.s32 $0x9;
	_ =	strace $0x80000051  }
0xb4: {  	_ =	swait.ge [sflag:s29], $0x1  }
0xb5: {  	[sflag:s29] =	ssyncadd.s32 $0xFFFFFFFF  }
0xb6: {  	_ =	strace $0x90000051  }
0xb7: {  	_ =	sfence  }
0xb8: {  	s30 =	sld [smem:$0x0];
	_ =	sdelay $0x2  }
0xb9: {  	s31 =	sshll.u32 s1, $0xD;
	s1 =	sshrl.u32 s1, $0x2  }
0xba: {  	s3 =	sand.u32 $0x4000, s31;
	s1 =	sadd.s32 s1, s30  }
0xbb: {  	s0 =	sor.u32 s3, s0;
	s1 =	sshll.u32 s1, $0x11  }
0xbc: {  	s0 =	sor.u32 s1, s0  }
0xbd: {  	s0 =	sadd.s32 $0x8F2B, s0  }
0xbe: {  	[sflag:s0] =	ssyncadd.remote.s32 $0x1  }
0xbf: {  	_ =	sfence.sel $0xFFFF  }
0xc0: {  	[dreg:$0x0] =	wrdreg $0xFFFFFFFF;
	(pc) =	sbr.abs _section_cstart, $3  }
0xc1: {  	[dreg:$0x1] =	wrdreg $0xFFFFFFFF  }
0xc2: {  	_ =	task.clear_ibuf [dreg:s7], $0x2FFFF;
	_ =	strace $0x9FFFFFFF  }
0xc3: {  	(tm) =	ssettm $0x7FFFFFFF  }
tec
execute0_lowered:
.L_overlay_start_1:
0x0: {  	(tag) =	ssettag $0x1  }
0x1: {  	s5 =	rddreg [dreg:$0x0]  }
0x2: {  	s8 =	rddreg [dreg:$0x1]  }
0x3: {  	s0 =	srdreg.scid;
	s2 =	rddreg [dreg:$0x2];
	s3 =	simm.s32 $0x0  }
0x4: {  	s15 =	simm.s32 $0x20;
	s16 =	simm.s32 $0x7F80;
	s17 =	simm.s32 $0x8F80  }
0x5: {  	s18 =	simm.s32 $0xA780;
	s19 =	simm.s32 $0x1;
	s20 =	simm.s32 $0x3  }
0x6: {  	s21 =	simm.s32 $0x50;
	s22 =	simm.s32 $0x2;
	s6 =	sand.u32 $0x1, s0  }
0x7: {  	s23 =	simm.s32 $0x4;
	s0 =	stileid.u32;
	s4 =	smul.u32 $0x27100, s6  }
0x8: {  	s24 =	simm.s32 $0x6580;
	[smem:$0x7FF] =	sst s3;
	s7 =	smul.u32 $0x2710, s0  }
0x9: {  	s25 =	simm.s32 $0x0;
	_ =	strace $0x80000050;
	s10 =	smul.u32 $0x7D000, s0  }
0xa: {  	s9 =	sshll.u32 s0, $0xB;
	s11 =	ssub.s32 $0x2, s6;
	s12 =	smul.u32 $0x138800, s6  }
0xb: {  	s13 =	smul.u32 $0x1F400, s0;
	p0 =	sgt.u32 s0, $0x9;
	s9 =	sadd.s32 s9, s5  }
0xc: {  	s29 =	sshrl.u32 s11, $0x1;
	s7 =	sadd.s32 s7, s4;
	s4 =	sadd.s32 $0x1A600, s5  }
0xd: {  	s10 =	sshrl.u32 s10, $0x2;
	s11 =	ssub.s32 s11, s29;
	s30 =	sadd.s32 s13, s12  }
0xe: {  	s12 =	simm.s32 $0x5;
	s13 =	simm.s32 $0x30;
	s7 =	sshrl.u32 s7, $0x3  }
0xf: {  	s14 =	sadd.s32 s10, s2;
	s31 =	sshrl.u32 s30, $0x3;
	s10 =	sshll.u32 @!p0 s0, $0x6  }
0x10: {  	s7 =	sadd.s32 s7, s5;
	s5 =	sadd.s32 $0x2E00, s5;
	s8 =	sadd.s32 s8, s31  }
0x11: {  	s10 =	sor.u32 @!p0 $0x1C05, s10;
	s6 =	sadd.s32 $0x10800, s7;
	s7 =	sadd.s32 $0x8800, s9  }
0x12: {  	s9 =	smax.u32 s11, $0x1;
	s11 =	sshrl.u32 @!p0 s14, $0x3;
	s14 =	simm.s32 $0x6780  }
.LBB2_1:
0x13: {  	[spmem:s11], [sflag:s10] =	dma.local @!p0 [hbm:s5], $0x3E80  }
0x14: {  	s26 =	simm.s32 @!p0 $0x5  }
0x15: {  	_ =	swait.ge @!p0 [sflag:s26], $0x3E80  }
0x16: {  	[sflag:s26] =	ssyncset.done @!p0 $0x0  }
0x17: {  	[sflag:s26] =	ssyncadd.s32 @!p0 $0xFFFFC180  }
0x18: {  	[tilespmem:s3], [sflag:$0x5] =	stream.linear.gather [hbm4b:s6+s3], $0x2710, $0x38;
	[tilespmem:$0x1F000] =	vst v63  }
0x19: {  	_ =	swait.ge [sflag:s12], $0x2710  }
0x1a: {  	[sflag:s12] =	ssyncset.done $0x0  }
0x1b: {  	s31 =	simm.s32 $0x2780;
	[sflag:s12] =	ssyncadd.s32 $0xFFFFD8F0  }
0x1c: {  	[tilespmem:s31], [sflag:$0x5] =	stream.linear.gather [hbm4b:s7+s3], $0x3E80, $0x38;
	[tilespmem:$0x1F000] =	vst v63  }
0x1d: {  	_ =	swait.ge [sflag:s12], $0x3E80  }
0x1e: {  	[sflag:s12] =	ssyncset.done $0x0  }
0x1f: {  	[sflag:s12] =	ssyncadd.s32 $0xFFFFC180  }
0x20: {  	[bflag:$0x0] =	sbarrier.arrive $0xFFFF  }
0x21: {  	[tilespmem:s14], [sflag:$0x1] =	stream.indirect.gather [hbm4b:s4+s13], $0x80, s3, s13, $0xb8;
	[tilespmem:$0x1F000] =	vst v63  }
0x22: {  	_ = 	snop  }
0x23: {  	[tilespmem:s16], [sflag:$0x3] =	stream.indirect.gather [hbm4b:s4+s15], $0x80, s13, s15, $0xb8;
	[tilespmem:$0x1F000] =	vst v63  }
0x24: {  	s28 =	simm.s32 $0x50  }
0x25: {  	[tilespmem:s17], [sflag:$0x2] =	stream.indirect.gather [hbm4b:s4+s13], $0x80, s28, s13, $0xb8;
	[tilespmem:$0x1F000] =	vst v63  }
0x26: {  	s28 =	simm.s32 $0x80  }
0x27: {  	[tilespmem:s18], [sflag:$0x4] =	stream.indirect.gather [hbm4b:s4+s15], $0x80, s28, s15, $0xb8;
	[tilespmem:$0x1F000] =	vst v63  }
0x28: {  	_ =	swait.ge [sflag:s19], $0x1800  }
0x29: {  	[sflag:s19] =	ssyncset.done $0x0  }
0x2a: {  	[sflag:s19] =	ssyncadd.s32 $0xFFFFE800  }
0x2b: {  	_ =	swait.ge [sflag:s20], $0x1000  }
0x2c: {  	[sflag:s20] =	ssyncset.done $0x0  }
0x2d: {  	[sflag:s20] =	ssyncadd.s32 $0xFFFFF000  }
0x2e: {  	[spmem:s2] =	stream.indirect.scatter.add.f32 [tilespmem:s14], [sflag:$0x5], $0x80, s31, s21, $0xb8;
	[tilespmem:$0x1F000] =	vst v63  }
0x2f: {  	_ =	swait.ge [sflag:s12], $0x2800  }
0x30: {  	[sflag:s12] =	ssyncset.done $0x0  }
0x31: {  	s1 =	simm.s32 $0xA0;
	[sflag:s12] =	ssyncadd.s32 $0xFFFFD800  }
0x32: {  	[tilespmem:s14], [sflag:$0x1] =	stream.indirect.gather [hbm4b:s4+s13], $0x80, s1, s13, $0xb8;
	[tilespmem:$0x1F000] =	vst v63  }
0x33: {  	s30 =	simm.s32 $0xD0  }
0x34: {  	[tilespmem:s16], [sflag:$0x3] =	stream.indirect.gather [hbm4b:s4+s15], $0x80, s30, s15, $0xb8;
	[tilespmem:$0x1F000] =	vst v63  }
0x35: {  	_ =	swait.ge [sflag:s22], $0x1800  }
0x36: {  	[sflag:s22] =	ssyncset.done $0x0  }
0x37: {  	[sflag:s22] =	ssyncadd.s32 $0xFFFFE800  }
0x38: {  	_ =	swait.ge [sflag:s23], $0x1000  }
0x39: {  	[sflag:s23] =	ssyncset.done $0x0  }
0x3a: {  	s31 =	simm.s32 $0x2800;
	[sflag:s23] =	ssyncadd.s32 $0xFFFFF000  }
0x3b: {  	[spmem:s2] =	stream.indirect.scatter.add.f32 [tilespmem:s17], [sflag:$0x5], $0x80, s31, s21, $0xb8;
	[tilespmem:$0x1F000] =	vst v63  }
0x3c: {  	s29 =	simm.s32 $0x500;
	_ =	swait.ge [sflag:s12], $0x2800  }
0x3d: {  	s26 =	simm.s32 $0x2880;
	s28 =	simm.s32 $0xA0;
	[sflag:s12] =	ssyncset.done $0x0  }
.LBB2_2:
0x3e: {  	s30 =	sadd.s32 $0x50, s28  }
0x3f: {  	[sflag:s12] =	ssyncadd.s32 $0xFFFFD800;
	s31 =	smov.u32 s29;
	s1 =	sadd.s32 $0x280, s29  }
0x40: {  	[tilespmem:s17], [sflag:$0x2] =	stream.indirect.gather [hbm4b:s4+s13], $0x80, s30, s13, $0xb8;
	[tilespmem:$0x1F000] =	vst v63  }
0x41: {  	p1 =	sne.s32 s29, $0x9880;
	s29 =	sadd.s32 $0x80, s28  }
0x42: {  	[tilespmem:s18], [sflag:$0x4] =	stream.indirect.gather [hbm4b:s4+s15], $0x80, s29, s15, $0xb8;
	[tilespmem:$0x1F000] =	vst v63  }
0x43: {  	_ =	swait.ge [sflag:s19], $0x1800  }
0x44: {  	[sflag:s19] =	ssyncset.done $0x0  }
0x45: {  	[sflag:s19] =	ssyncadd.s32 $0xFFFFE800  }
0x46: {  	_ =	swait.ge [sflag:s20], $0x1000  }
0x47: {  	[sflag:s20] =	ssyncset.done $0x0  }
0x48: {  	[sflag:s20] =	ssyncadd.s32 $0xFFFFF000  }
0x49: {  	[spmem:s2] =	stream.indirect.scatter.add.f32 [tilespmem:s14], [sflag:$0x5], $0x80, s26, s21, $0xb8;
	[tilespmem:$0x1F000] =	vst v63  }
0x4a: {  	_ =	swait.ge [sflag:s12], $0x2800  }
0x4b: {  	[sflag:s12] =	ssyncset.done $0x0  }
0x4c: {  	s29 =	sadd.s32 $0xA0, s28;
	[sflag:s12] =	ssyncadd.s32 $0xFFFFD800  }
0x4d: {  	[tilespmem:s14], [sflag:$0x1] =	stream.indirect.gather [hbm4b:s4+s13], $0x80, s29, s13, $0xb8;
	[tilespmem:$0x1F000] =	vst v63  }
0x4e: {  	s28 =	sadd.s32 $0xD0, s28  }
0x4f: {  	[tilespmem:s16], [sflag:$0x3] =	stream.indirect.gather [hbm4b:s4+s15], $0x80, s28, s15, $0xb8;
	[tilespmem:$0x1F000] =	vst v63  }
0x50: {  	_ =	swait.ge [sflag:s22], $0x1800  }
0x51: {  	[sflag:s22] =	ssyncset.done $0x0  }
0x52: {  	[sflag:s22] =	ssyncadd.s32 $0xFFFFE800  }
0x53: {  	_ =	swait.ge [sflag:s23], $0x1000  }
.Ltmp0:
0x54: {  	[sflag:s23] =	ssyncset.done $0x0;
	(pc) =	sbr.rel @p1 .LBB2_2-.Ltmp0, $4  }
0x55: {  	s28 =	sadd.s32 $0x80, s26;
	[sflag:s23] =	ssyncadd.s32 $0xFFFFF000  }
0x56: {  	[spmem:s2] =	stream.indirect.scatter.add.f32 [tilespmem:s17], [sflag:$0x5], $0x80, s28, s21, $0xb8;
	[tilespmem:$0x1F000] =	vst v63  }
0x57: {  	s29 =	smov.u32 s1;
	_ =	swait.ge [sflag:s12], $0x2800  }
0x58: {  	s26 =	sadd.s32 $0x100, s26;
	s28 =	sshra.s32 s31, $0x2;
	[sflag:s12] =	ssyncset.done $0x0  }
0x59: {  	s1 =	sadd.s32 $0x50, s28;
	[sflag:s12] =	ssyncadd.s32 $0xFFFFD800  }
0x5a: {  	[tilespmem:s17], [sflag:$0x2] =	stream.indirect.gather [hbm4b:s4+s13], $0x80, s1, s13, $0xb8;
	[tilespmem:$0x1F000] =	vst v63  }
0x5b: {  	s31 =	sadd.s32 $0x80, s28  }
0x5c: {  	[tilespmem:s18], [sflag:$0x4] =	stream.indirect.gather [hbm4b:s4+s15], $0x80, s31, s15, $0xb8;
	[tilespmem:$0x1F000] =	vst v63  }
0x5d: {  	_ =	swait.ge [sflag:s19], $0x1800  }
0x5e: {  	[sflag:s19] =	ssyncset.done $0x0  }
0x5f: {  	[sflag:s19] =	ssyncadd.s32 $0xFFFFE800  }
0x60: {  	_ =	swait.ge [sflag:s20], $0x1000  }
0x61: {  	[sflag:s20] =	ssyncset.done $0x0  }
0x62: {  	[sflag:s20] =	ssyncadd.s32 $0xFFFFF000  }
0x63: {  	[spmem:s2] =	stream.indirect.scatter.add.f32 [tilespmem:s14], [sflag:$0x5], $0x80, s26, s21, $0xb8;
	[tilespmem:$0x1F000] =	vst v63  }
0x64: {  	_ =	swait.ge [sflag:s12], $0x2800  }
0x65: {  	[sflag:s12] =	ssyncset.done $0x0  }
0x66: {  	s29 =	sadd.s32 $0xA0, s28;
	[sflag:s12] =	ssyncadd.s32 $0xFFFFD800  }
0x67: {  	[tilespmem:s14], [sflag:$0x1] =	stream.indirect.gather [hbm4b:s4+s13], $0x80, s29, s13, $0xb8;
	[tilespmem:$0x1F000] =	vst v63  }
0x68: {  	s30 =	sadd.s32 $0xD0, s28  }
0x69: {  	[tilespmem:s16], [sflag:$0x3] =	stream.indirect.gather [hbm4b:s4+s15], $0x80, s30, s15, $0xb8;
	[tilespmem:$0x1F000] =	vst v63  }
0x6a: {  	_ =	swait.ge [sflag:s22], $0x1800  }
0x6b: {  	[sflag:s22] =	ssyncset.done $0x0  }
0x6c: {  	[sflag:s22] =	ssyncadd.s32 $0xFFFFE800  }
0x6d: {  	_ =	swait.ge [sflag:s23], $0x1000  }
0x6e: {  	[sflag:s23] =	ssyncset.done $0x0  }
0x6f: {  	s31 =	sadd.s32 $0x80, s26;
	[sflag:s23] =	ssyncadd.s32 $0xFFFFF000  }
0x70: {  	[spmem:s2] =	stream.indirect.scatter.add.f32 [tilespmem:s17], [sflag:$0x5], $0x80, s31, s21, $0xb8;
	[tilespmem:$0x1F000] =	vst v63  }
0x71: {  	_ =	swait.ge [sflag:s12], $0x2800  }
0x72: {  	[sflag:s12] =	ssyncset.done $0x0  }
0x73: {  	[sflag:s12] =	ssyncadd.s32 $0xFFFFD800  }
0x74: {  	_ =	swait.ge [sflag:s19], $0x1800  }
0x75: {  	[sflag:s19] =	ssyncset.done $0x0  }
0x76: {  	[sflag:s19] =	ssyncadd.s32 $0xFFFFE800  }
0x77: {  	_ =	swait.ge [sflag:s20], $0x1000  }
0x78: {  	[sflag:s20] =	ssyncset.done $0x0  }
0x79: {  	[sflag:s20] =	ssyncadd.s32 $0xFFFFF000  }
0x7a: {  	[spmem:s2] =	stream.indirect.scatter.add.f32 [tilespmem:s14], [sflag:$0x5], $0x80, s24, s21, $0xb8;
	[tilespmem:$0x1F000] =	vst v63  }
0x7b: {  	_ =	swait.ge [sflag:s12], $0x2800  }
0x7c: {  	s25 =	sadd.s32 $0x1, s25;
	[sflag:s12] =	ssyncset.done $0x0  }
0x7d: {  	p1 =	sne.s32 s25, s9;
	[sflag:s12] =	ssyncadd.s32 $0xFFFFD800  }
.Ltmp1:
0x7e: {  	s1 =	simm.s32 @!p0 $0x5;
	[bflag:$0x0] =	sbarrier.arrive $0xFFFF;
	(pc) =	sbr.rel @p1 .LBB2_1-.Ltmp1, $4  }
0x7f: {  	[hbm:s8], [sflag:s10] =	dma.local @!p0 [spmem:s11], $0x3E80  }
0x80: {  	_ =	swait.ge @!p0 [sflag:s1], $0x3E80  }
0x81: {  	[sflag:s1] =	ssyncset.done @!p0 $0x0  }
0x82: {  	[sflag:s1] =	ssyncadd.s32 @!p0 $0xFFFFC180  }
0x83: {  	_ =	sfence.sel $0x180000  }
0x84: {  	[bflag:$0x0] =	sbarrier.arrive $0xFFFF  }
0x85: {  	_ =	strace $0x90000050  }
0x86: {  	[bflag:$0x2] =	sbarrier.arrive $0xFFFF  }
0x87: {  	p0 =	sne.s32 s0, $0x0;
	s0 =	rddreg [dreg:$0x3]  }
0x88: {  	s0 =	sadd.s32 @!p0 $0x100000, s0  }
0x89: {  	[sflag:s0] =	ssyncadd.tile.s32 @!p0 $0x1;
	_ =	shalt  }
.Lfunc_end2:
_tile_overlayer_lowered:
.L_overlay_start_2:
0x8a: {  	(tag) =	ssettag $0x2  }
0x8b: {  	s0 =	rddreg [dreg:$0x0];
	s2 =	stileid.u32  }
0x8c: {  	s1 =	rddreg [dreg:$0x1];
	p0 =	sne.s32 s2, $0x0  }
0x8d: {  	s3 =	rddreg [dreg:$0x2];
	[bflag:$0x3] =	sbarrier.arrive $0xFFFF;
	s2 =	simm.s32 @!p0 $0x1C05  }
0x8e: {  	[timem:s3], [sflag:s2] =	dma.local @!p0 [hbm:s0], s1  }
0x8f: {  	s0 =	simm.s32 @!p0 $0x5  }
0x90: {  	_ =	swait.ge @!p0 [sflag:s0], s1  }
0x91: {  	s1 =	ssub.s32 @!p0 $0x0, s1;
	[sflag:s0] =	ssyncset.done @!p0 $0x0  }
0x92: {  	[sflag:s0] =	ssyncadd.s32 @!p0 s1  }
0x93: {  	[bflag:$0x3] =	sbarrier.arrive $0xFFFF  }
0x94: {  	_ =	shalt  }

</sc_bundles>
